<compile_context>
chip_gen: v7x
topology: tpu7x:2x2x1
jax: 0.10.2.dev20260603
libtpu: 0.0.44.dev20260713+nightly
codegen_flags: <defaults>
</compile_context>

<pallas_src>
import functools

import jax
import jax.numpy as jnp
from jax import lax
from jax.experimental import pallas as pl
from jax.experimental.pallas import tpu as pltpu
from jax.experimental.pallas import tpu_sc as plsc

H = 128
L = 16
NC = 2
NS = 16
NW = NC * NS
K = 8


def _sig(v):
    return 1.0 / (1.0 + jnp.exp(-v))


def _tanh(v):
    return 2.0 / (1.0 + jnp.exp(-2.0 * v)) - 1.0


def _tables_body(x_ref, w1t_ref, b1_ref, w2t_ref, b2_ref, wiht_ref, bsum_ref,
                 whht_ref, h_ref, a_ref, bc_ref):
    xb = x_ref[...]
    h = jnp.maximum(
        jnp.dot(xb, w1t_ref[...], preferred_element_type=jnp.float32)
        + b1_ref[...], 0.0)
    h = jnp.maximum(
        jnp.dot(h, w2t_ref[...], preferred_element_type=jnp.float32)
        + b2_ref[...], 0.0)
    h_ref[...] = h
    a = (jnp.dot(h, wiht_ref[...], preferred_element_type=jnp.float32)
         + bsum_ref[...])
    a_ref[...] = a
    i0 = jax.nn.sigmoid(a[:, :H])
    gg0 = jnp.tanh(a[:, 2 * H:3 * H])
    o0 = jax.nn.sigmoid(a[:, 3 * H:])
    c1 = i0 * gg0
    h1 = o0 * jnp.tanh(c1)
    bc_ref[:, :4 * H] = jnp.dot(h1, whht_ref[...],
                                preferred_element_type=jnp.float32)
    bc_ref[:, 4 * H:] = c1


def _node_tables(x, w1t, b1r, w2t, b2r, wiht, bsum, whht):
    n, d = x.shape
    nb = 10
    r = n // nb
    full = lambda shape: pl.BlockSpec(shape, lambda i: (0, 0))
    rows = lambda w: pl.BlockSpec((r, w), lambda i: (i, 0))
    return pl.pallas_call(
        _tables_body,
        grid=(nb,),
        in_specs=[rows(d), full((d, H)), full((1, H)), full((H, H)),
                  full((1, H)), full((H, 4 * H)), full((1, 4 * H)),
                  full((H, 4 * H))],
        out_specs=[rows(H), rows(4 * H), rows(5 * H)],
        out_shape=[jax.ShapeDtypeStruct((n, H), jnp.float32),
                   jax.ShapeDtypeStruct((n, 4 * H), jnp.float32),
                   jax.ShapeDtypeStruct((n, 5 * H), jnp.float32)],
        compiler_params=pltpu.CompilerParams(
            dimension_semantics=("parallel",)),
    )(x, w1t, b1r, w2t, b2r, wiht, bsum, whht)


RW = 128


def _sc_paths(srcr, dstr, a_tab, bc_tab, z_hbm_in):
    n_rows_idx = srcr.shape[0]
    pp = n_rows_idx * RW
    ow = n_rows_idx // NW
    nblk = ow // 8
    ns_sub = ow * (RW // K)
    np_rows = z_hbm_in.shape[0]
    rows_sub = np_rows // NS
    mesh = plsc.VectorSubcoreMesh(core_axis_name="c", subcore_axis_name="s")

    @functools.partial(
        pl.kernel,
        out_type=jax.ShapeDtypeStruct((NC * np_rows, H), jnp.float32),
        mesh=mesh,
        scratch_types=[
            pltpu.VMEM((2, 8, RW), jnp.int32),
            pltpu.VMEM((2, 8, RW), jnp.int32),
            pltpu.VMEM((K, 4 * H), jnp.float32),
            pltpu.VMEM((K, 4 * H), jnp.float32),
            pltpu.VMEM((K, 5 * H), jnp.float32),
            pltpu.VMEM((K, 5 * H), jnp.float32),
            pltpu.VMEM((RW, H), jnp.float32),
            pltpu.VMEM_SHARED((np_rows, H), jnp.float32),
            pltpu.SemaphoreType.DMA,
            pltpu.SemaphoreType.DMA,
            pltpu.SemaphoreType.DMA,
        ],
    )
    def run(srcr_hbm, dstr_hbm, a_hbm, bc_hbm, z_hbm, agg_hbm,
            src_rg, dst_rg, a_v0, a_v1, bc_v0, bc_v1, h2_v,
            agg_sh, gsem0, gsem1, isem):
        cid = lax.axis_index("c")
        sid = lax.axis_index("s")
        wid = sid * NC + cid
        a_vs, bc_vs = (a_v0, a_v1), (bc_v0, bc_v1)
        gsems = (gsem0, gsem1)

        base_row = sid * rows_sub
        sl_rows = pl.ds(base_row, rows_sub)
        pltpu.sync_copy(z_hbm.at[sl_rows], agg_sh.at[sl_rows])
        plsc.subcore_barrier()

        row0 = wid * ow

        def idx_load(blk, ring_half, sem_or_sync):
            rsl = pl.ds(pl.multiple_of(row0 + blk * 8, 8), 8)
            if sem_or_sync is None:
                pltpu.sync_copy(srcr_hbm.at[rsl], src_rg.at[ring_half])
                pltpu.sync_copy(dstr_hbm.at[rsl], dst_rg.at[ring_half])
            else:
                pltpu.async_copy(srcr_hbm.at[rsl], src_rg.at[ring_half],
                                 sem_or_sync)
                pltpu.async_copy(dstr_hbm.at[rsl], dst_rg.at[ring_half],
                                 sem_or_sync)

        def idx_drain():
            pltpu.make_async_copy(srcr_hbm.at[pl.ds(pl.multiple_of(row0, 8), 8)],
                                  src_rg.at[0], isem).wait()
            pltpu.make_async_copy(dstr_hbm.at[pl.ds(pl.multiple_of(row0, 8), 8)],
                                  dst_rg.at[0], isem).wait()

        def gather_issue(sp, b):
            rb = lax.rem(lax.div(sp, 128), 2)
            rr = lax.rem(lax.div(sp, 16), 8)
            cc = lax.rem(sp, 16)
            hsl = pl.ds(cc * K, K)
            pltpu.async_copy(a_hbm.at[dst_rg.at[rb, rr, hsl]],
                             a_vs[b], gsems[b])
            pltpu.async_copy(bc_hbm.at[src_rg.at[rb, rr, hsl]],
                             bc_vs[b], gsems[b])

        def gather_drain(b):
            pltpu.make_async_copy(a_hbm.at[dst_rg.at[0, 0, pl.ds(0, K)]],
                                  a_vs[b], gsems[b]).wait()
            pltpu.make_async_copy(bc_hbm.at[src_rg.at[0, 0, pl.ds(0, K)]],
                                  bc_vs[b], gsems[b]).wait()

        def compute(b, s):
            a_v, bc_v = a_vs[b], bc_vs[b]
            h2_base = lax.rem(s, 16) * K

            @plsc.parallel_loop(0, K * (H // L), unroll=8)
            def path(i):
                q = lax.div(i, H // L)
                j = lax.rem(i, H // L)
                sl = pl.ds(j * L, L)
                gi = a_v[q, pl.ds(j * L, L)] + bc_v[q, pl.ds(j * L, L)]
                gf = (a_v[q, pl.ds(H + j * L, L)]
                      + bc_v[q, pl.ds(H + j * L, L)])
                gg = (a_v[q, pl.ds(2 * H + j * L, L)]
                      + bc_v[q, pl.ds(2 * H + j * L, L)])
                go = (a_v[q, pl.ds(3 * H + j * L, L)]
                      + bc_v[q, pl.ds(3 * H + j * L, L)])
                c1 = bc_v[q, pl.ds(4 * H + j * L, L)]
                c2 = _sig(gf) * c1 + _sig(gi) * _tanh(gg)
                h2_v[h2_base + q, sl] = _sig(go) * _tanh(c2)

        idx_load(0, 0, None)
        idx_load(1, 1, isem)
        gather_issue(0, 0)
        gather_issue(1, 1)

        def body(s2, carry):
            for b in range(2):
                s = 2 * s2 + b

                blk = lax.div(s, 128)

                @pl.when(lax.rem(s, 128) == 0)
                def _():
                    @pl.when(jnp.logical_and(blk >= 1, blk + 1 < nblk))
                    def _():
                        idx_load_dyn(blk + 1)

                @pl.when(jnp.logical_and(lax.rem(s, 128) == 112,
                                         blk < nblk - 1))
                def _():
                    idx_drain()

                gather_drain(b)
                compute(b, s)

                @pl.when(s + 2 < ns_sub)
                def _():
                    gather_issue(s + 2, b)

                @pl.when(lax.rem(s, 16) == 15)
                def _():
                    rb = lax.rem(lax.div(s, 128), 2)
                    rr = lax.rem(lax.div(s, 16), 8)
                    pltpu.sync_copy(h2_v, agg_sh.at[dst_rg.at[rb, rr]],
                                    add=True)
            return carry

        def idx_load_dyn(blk):
            rb = lax.rem(blk, 2)
            rsl = pl.ds(pl.multiple_of(row0 + blk * 8, 8), 8)

            @pl.when(rb == 0)
            def _():
                pltpu.async_copy(srcr_hbm.at[rsl], src_rg.at[0], isem)
                pltpu.async_copy(dstr_hbm.at[rsl], dst_rg.at[0], isem)

            @pl.when(rb == 1)
            def _():
                pltpu.async_copy(srcr_hbm.at[rsl], src_rg.at[1], isem)
                pltpu.async_copy(dstr_hbm.at[rsl], dst_rg.at[1], isem)

        lax.fori_loop(0, ns_sub // 2, body, 0)

        plsc.subcore_barrier()
        pub = pl.multiple_of(cid * np_rows + base_row, 8)
        pltpu.sync_copy(agg_sh.at[sl_rows], agg_hbm.at[pl.ds(pub, rows_sub)])

    return run(srcr, dstr, a_tab, bc_tab, z_hbm_in)


def _final_body(agg0_ref, agg1_ref, h_ref, out_ref):
    out_ref[...] = jnp.maximum(
        agg0_ref[...] + agg1_ref[...] + h_ref[...], 0.0)


def _finalize(agg0, agg1, h):
    n = h.shape[0]
    nb = 10
    r = n // nb
    rows = pl.BlockSpec((r, H), lambda i: (i, 0))
    return pl.pallas_call(
        _final_body,
        grid=(nb,),
        in_specs=[rows, rows, rows],
        out_specs=rows,
        out_shape=jax.ShapeDtypeStruct((n, H), jnp.float32),
        compiler_params=pltpu.CompilerParams(
            dimension_semantics=("parallel",)),
    )(agg0, agg1, h)


def kernel(x, path_2, W1, b1, W2, b2, W_ih, W_hh, b_ih, b_hh):
    h_dim = W1.shape[0]
    n = x.shape[0]
    np_rows = ((n + 2047) // 2048) * 2048
    x_pad = jnp.concatenate(
        [x, jnp.zeros((np_rows - n, x.shape[1]), x.dtype)], axis=0)
    bsum = (b_ih + b_hh).reshape(1, 4 * h_dim)
    h, a_tab, bc_tab = _node_tables(
        x_pad, W1.T, b1.reshape(1, h_dim), W2.T, b2.reshape(1, h_dim),
        W_ih.T, bsum, W_hh.T)
    p = path_2.shape[0]
    ppq = NW * RW * 8
    pp = ((p + ppq - 1) // ppq) * ppq
    npad = pp - p
    pad_dst = n + (jnp.arange(npad, dtype=jnp.int32) % (np_rows - n))
    src_f = jnp.concatenate([path_2[:, 0], pad_dst])
    dst_f = jnp.concatenate([path_2[:, 1], pad_dst])
    srcr = src_f.reshape(pp // RW, RW)
    dstr = dst_f.reshape(pp // RW, RW)
    z = jnp.zeros((np_rows, h_dim), jnp.float32)
    agg_flat = _sc_paths(srcr, dstr, a_tab, bc_tab, z)
    agg0 = agg_flat[:n]
    agg1 = agg_flat[np_rows:np_rows + n]
    return _finalize(agg0, agg1, h[:n])

# --- scband reference (transcript-rebuilt; emitter-appended) ---
"""Pipeline reference for scband-path-nn-21406117004232 (READ-ONLY COPY).

The authoritative reference and input builder live on the scoring server;
editing this copy changes nothing except your own understanding.
"""

import jax, jax.numpy as jnp
import numpy as np

N = 10000   # n_nodes
P = 320000  # n_paths (length-2 paths ~ edges)
D = 128     # input_dim
H = 128     # hidden_dim


def setup_inputs(seed: int = 0) -> dict:
    key = jax.random.key(seed)
    ks = jax.random.split(key, 12)
    x = jax.random.normal(ks[0], (N, D), dtype=jnp.float32)
    path_2 = jax.random.randint(ks[1], (P, 2), 0, N, dtype=jnp.int32)
    def lin(k, fan_in, shape):
        b = 1.0 / np.sqrt(fan_in)
        return jax.random.uniform(k, shape, dtype=jnp.float32, minval=-b, maxval=b)
    # feature_encoder: Linear(D,H), ReLU, Linear(H,H), ReLU
    W1 = lin(ks[2], D, (H, D)); b1 = lin(ks[3], D, (H,))
    W2 = lin(ks[4], H, (H, H)); b2 = lin(ks[5], H, (H,))
    # shared LSTM (single layer, batch_first, input=H, hidden=H); gate order i,f,g,o
    W_ih = lin(ks[6], H, (4 * H, H)); W_hh = lin(ks[7], H, (4 * H, H))
    b_ih = lin(ks[8], H, (4 * H,));   b_hh = lin(ks[9], H, (4 * H,))
    return {"x": x, "path_2": path_2, "W1": W1, "b1": b1, "W2": W2, "b2": b2,
            "W_ih": W_ih, "W_hh": W_hh, "b_ih": b_ih, "b_hh": b_hh}


def _lstm_last_h(seq, W_ih, W_hh, b_ih, b_hh):
    # seq: [P, T, H]; returns final hidden state [P, H] (h of last layer, like LSTM's h_n)
    Pn = seq.shape[0]
    Hh = W_hh.shape[1]
    hs = jnp.zeros((Pn, Hh), dtype=seq.dtype)
    cs = jnp.zeros((Pn, Hh), dtype=seq.dtype)
    T = seq.shape[1]
    for t in range(T):
        g = seq[:, t, :] @ W_ih.T + hs @ W_hh.T + b_ih + b_hh
        i = jax.nn.sigmoid(g[:, :Hh])
        f = jax.nn.sigmoid(g[:, Hh:2 * Hh])
        gg = jnp.tanh(g[:, 2 * Hh:3 * Hh])
        o = jax.nn.sigmoid(g[:, 3 * Hh:])
        cs = f * cs + i * gg
        hs = o * jnp.tanh(cs)
    return hs


def reference(x, path_2, W1, b1, W2, b2, W_ih, W_hh, b_ih, b_hh):
    # feature encoder
    h = jax.nn.relu(x @ W1.T + b1)
    h = jax.nn.relu(h @ W2.T + b2)
    # PathConv (cutoff=2 -> single conv on length-2 paths)
    seq = h[path_2]  # gather: [P, 2, H]
    hp = _lstm_last_h(seq, W_ih, W_hh, b_ih, b_hh)  # [P, H]
    agg = jnp.zeros((x.shape[0], H), dtype=h.dtype).at[path_2[:, -1]].add(hp)
    # residuals=True, bn=Identity, then ReLU
    out = jax.nn.relu(agg + h)
    return out

if __name__ == "__main__":
    import jax
    _d = setup_inputs()
    print(jax.jit(kernel)(*tuple(_d.values())))

</pallas_src>

<mosaic_0001>
#map = affine_map<(d0, d1) -> (0, 0)>
module attributes {stable_mosaic.version = 14 : i64} {
  func.func @run(%arg0: i32, %arg1: i32, %arg2: memref<2560x128xi32, #tpu.memory_space<hbm>>, %arg3: memref<2560x128xi32, #tpu.memory_space<hbm>>, %arg4: memref<10240x512xf32, #tpu.memory_space<hbm>>, %arg5: memref<10240x640xf32, #tpu.memory_space<hbm>>, %arg6: memref<10240x128xf32, #tpu.memory_space<hbm>>, %arg7: memref<20480x128xf32, #tpu.memory_space<hbm>>, %arg8: memref<2x8x128xi32, #tpu.memory_space<vmem>>, %arg9: memref<2x8x128xi32, #tpu.memory_space<vmem>>, %arg10: memref<8x512xf32, #tpu.memory_space<vmem>>, %arg11: memref<8x512xf32, #tpu.memory_space<vmem>>, %arg12: memref<8x640xf32, #tpu.memory_space<vmem>>, %arg13: memref<8x640xf32, #tpu.memory_space<vmem>>, %arg14: memref<128x128xf32, #tpu.memory_space<vmem>>, %arg15: memref<10240x128xf32, #tpu.memory_space<vmem_shared>>, %arg16: memref<!tpu.dma_semaphore, #tpu.memory_space<semaphore_mem>>, %arg17: memref<!tpu.dma_semaphore, #tpu.memory_space<semaphore_mem>>, %arg18: memref<!tpu.dma_semaphore, #tpu.memory_space<semaphore_mem>>) attributes {dimension_semantics = [#tpu.dimension_semantics<core_parallel>, #tpu.dimension_semantics<subcore_parallel>], iteration_bounds = array<i64: 2, 16>, scalar_prefetch = 0 : i64, scratch_operands = 11 : i64, tpu.core_type = #tpu.core_type<sc_vector_subcore>, window_params = [{transform_indices = #map}, {transform_indices = #map}, {transform_indices = #map}, {transform_indices = #map}, {transform_indices = #map}, {transform_indices = #map}]} {
    %mul3A = arith.constant 2 : i32
    %mul3A_0 = arith.muli %arg1, %mul3A : i32
    %add3A = arith.addi %mul3A_0, %arg0 : i32
    %mul3A_1 = arith.constant 640 : i32
    %mul3A_2 = arith.muli %arg1, %mul3A_1 : i32
    "tpu.region"() ({
      %run_scoped3A_94 = tpu.sem_alloc : memref<!tpu.dma_semaphore, #tpu.memory_space<semaphore_mem>>
      %dma_start3A_95 = arith.constant 0 : i32
      %dma_start3A_96 = tpu.memref_slice %arg15[%mul3A_2, %dma_start3A_95] : memref<10240x128xf32, #tpu.memory_space<vmem_shared>> -> memref<640x128xf32, #tpu.memory_space<vmem_shared>>
      %dma_start3A_97 = arith.constant 0 : i32
      %dma_start3A_98 = tpu.memref_slice %arg6[%mul3A_2, %dma_start3A_97] : memref<10240x128xf32, #tpu.memory_space<hbm>> -> memref<640x128xf32, #tpu.memory_space<hbm>>
      tpu.enqueue_dma source(%dma_start3A_98 : memref<640x128xf32, #tpu.memory_space<hbm>>) target(%dma_start3A_96 : memref<640x128xf32, #tpu.memory_space<vmem_shared>>) target_semaphore(%run_scoped3A_94 : memref<!tpu.dma_semaphore, #tpu.memory_space<semaphore_mem>>)
      %dma_wait3A = arith.constant 0 : i32
      %dma_wait3A_99 = tpu.memref_slice %arg15[%mul3A_2, %dma_wait3A] : memref<10240x128xf32, #tpu.memory_space<vmem_shared>> -> memref<640x128xf32, #tpu.memory_space<vmem_shared>>
      %dma_wait3A_100 = arith.constant 0 : i32
      %dma_wait3A_101 = tpu.memref_slice %arg6[%mul3A_2, %dma_wait3A_100] : memref<10240x128xf32, #tpu.memory_space<hbm>> -> memref<640x128xf32, #tpu.memory_space<hbm>>
      tpu.wait_dma2 semaphore(%run_scoped3A_94 : memref<!tpu.dma_semaphore, #tpu.memory_space<semaphore_mem>>) src(%dma_wait3A_101 : memref<640x128xf32, #tpu.memory_space<hbm>>) dst(%dma_wait3A_99 : memref<640x128xf32, #tpu.memory_space<vmem_shared>>)
      tpu.yield
    }) : () -> ()
    %barrier3A = arith.constant 0 : index
    tpu.barrier barrier_id(%barrier3A)
    %mul3A_3 = arith.constant 80 : i32
    %mul3A_4 = arith.muli %add3A, %mul3A_3 : i32
    %add3A_5 = arith.constant 0 : i32
    %add3A_6 = arith.addi %mul3A_4, %add3A_5 : i32
    %multiple_of3A = tpu.assume_multiple %add3A_6, 8 : i32
    %run_scoped3A = arith.constant 0 : i32
    "tpu.region"() ({
      %run_scoped3A_94 = tpu.sem_alloc : memref<!tpu.dma_semaphore, #tpu.memory_space<semaphore_mem>>
      %dma_start3A_95 = arith.constant 0 : i32
      %dma_start3A_96 = arith.constant 0 : i32
      %dma_start3A_97 = tpu.memref_slice %arg8[%run_scoped3A, %dma_start3A_95, %dma_start3A_96] : memref<2x8x128xi32, #tpu.memory_space<vmem>> -> memref<1x8x128xi32, #tpu.memory_space<vmem>>
      %dma_start3A_98 = tpu.memref_squeeze %dma_start3A_97 : memref<1x8x128xi32, #tpu.memory_space<vmem>> -> memref<8x128xi32, #tpu.memory_space<vmem>>
      %dma_start3A_99 = arith.constant 0 : i32
      %dma_start3A_100 = tpu.memref_slice %arg2[%multiple_of3A, %dma_start3A_99] : memref<2560x128xi32, #tpu.memory_space<hbm>> -> memref<8x128xi32, #tpu.memory_space<hbm>>
      %dma_start3A_101 = arith.constant 0 : i32
      %dma_start3A_102 = arith.constant 0 : i32
      %dma_start3A_103 = tpu.memref_slice %arg8[%run_scoped3A, %dma_start3A_101, %dma_start3A_102] : memref<2x8x128xi32, #tpu.memory_space<vmem>> -> memref<1x8x128xi32, #tpu.memory_space<vmem>>
      %dma_start3A_104 = tpu.memref_squeeze %dma_start3A_103 : memref<1x8x128xi32, #tpu.memory_space<vmem>> -> memref<8x128xi32, #tpu.memory_space<vmem>>
      %dma_start3A_105 = arith.constant 0 : i32
      %dma_start3A_106 = tpu.memref_slice %arg2[%multiple_of3A, %dma_start3A_105] : memref<2560x128xi32, #tpu.memory_space<hbm>> -> memref<8x128xi32, #tpu.memory_space<hbm>>
      tpu.enqueue_dma source(%dma_start3A_106 : memref<8x128xi32, #tpu.memory_space<hbm>>) target(%dma_start3A_104 : memref<8x128xi32, #tpu.memory_space<vmem>>) target_semaphore(%run_scoped3A_94 : memref<!tpu.dma_semaphore, #tpu.memory_space<semaphore_mem>>)
      %dma_wait3A = arith.constant 0 : i32
      %dma_wait3A_107 = arith.constant 0 : i32
      %dma_wait3A_108 = tpu.memref_slice %arg8[%run_scoped3A, %dma_wait3A, %dma_wait3A_107] : memref<2x8x128xi32, #tpu.memory_space<vmem>> -> memref<1x8x128xi32, #tpu.memory_space<vmem>>
      %dma_wait3A_109 = tpu.memref_squeeze %dma_wait3A_108 : memref<1x8x128xi32, #tpu.memory_space<vmem>> -> memref<8x128xi32, #tpu.memory_space<vmem>>
      %dma_wait3A_110 = arith.constant 0 : i32
      %dma_wait3A_111 = tpu.memref_slice %arg2[%multiple_of3A, %dma_wait3A_110] : memref<2560x128xi32, #tpu.memory_space<hbm>> -> memref<8x128xi32, #tpu.memory_space<hbm>>
      %dma_wait3A_112 = arith.constant 0 : i32
      %dma_wait3A_113 = arith.constant 0 : i32
      %dma_wait3A_114 = tpu.memref_slice %arg8[%run_scoped3A, %dma_wait3A_112, %dma_wait3A_113] : memref<2x8x128xi32, #tpu.memory_space<vmem>> -> memref<1x8x128xi32, #tpu.memory_space<vmem>>
      %dma_wait3A_115 = tpu.memref_squeeze %dma_wait3A_114 : memref<1x8x128xi32, #tpu.memory_space<vmem>> -> memref<8x128xi32, #tpu.memory_space<vmem>>
      %dma_wait3A_116 = arith.constant 0 : i32
      %dma_wait3A_117 = tpu.memref_slice %arg2[%multiple_of3A, %dma_wait3A_116] : memref<2560x128xi32, #tpu.memory_space<hbm>> -> memref<8x128xi32, #tpu.memory_space<hbm>>
      tpu.wait_dma2 semaphore(%run_scoped3A_94 : memref<!tpu.dma_semaphore, #tpu.memory_space<semaphore_mem>>) src(%dma_wait3A_117 : memref<8x128xi32, #tpu.memory_space<hbm>>) dst(%dma_wait3A_115 : memref<8x128xi32, #tpu.memory_space<vmem>>)
      tpu.yield
    }) : () -> ()
    %run_scoped3A_7 = arith.constant 0 : i32
    "tpu.region"() ({
      %run_scoped3A_94 = tpu.sem_alloc : memref<!tpu.dma_semaphore, #tpu.memory_space<semaphore_mem>>
      %dma_start3A_95 = arith.constant 0 : i32
      %dma_start3A_96 = arith.constant 0 : i32
      %dma_start3A_97 = tpu.memref_slice %arg9[%run_scoped3A_7, %dma_start3A_95, %dma_start3A_96] : memref<2x8x128xi32, #tpu.memory_space<vmem>> -> memref<1x8x128xi32, #tpu.memory_space<vmem>>
      %dma_start3A_98 = tpu.memref_squeeze %dma_start3A_97 : memref<1x8x128xi32, #tpu.memory_space<vmem>> -> memref<8x128xi32, #tpu.memory_space<vmem>>
      %dma_start3A_99 = arith.constant 0 : i32
      %dma_start3A_100 = tpu.memref_slice %arg3[%multiple_of3A, %dma_start3A_99] : memref<2560x128xi32, #tpu.memory_space<hbm>> -> memref<8x128xi32, #tpu.memory_space<hbm>>
      %dma_start3A_101 = arith.constant 0 : i32
      %dma_start3A_102 = arith.constant 0 : i32
      %dma_start3A_103 = tpu.memref_slice %arg9[%run_scoped3A_7, %dma_start3A_101, %dma_start3A_102] : memref<2x8x128xi32, #tpu.memory_space<vmem>> -> memref<1x8x128xi32, #tpu.memory_space<vmem>>
      %dma_start3A_104 = tpu.memref_squeeze %dma_start3A_103 : memref<1x8x128xi32, #tpu.memory_space<vmem>> -> memref<8x128xi32, #tpu.memory_space<vmem>>
      %dma_start3A_105 = arith.constant 0 : i32
      %dma_start3A_106 = tpu.memref_slice %arg3[%multiple_of3A, %dma_start3A_105] : memref<2560x128xi32, #tpu.memory_space<hbm>> -> memref<8x128xi32, #tpu.memory_space<hbm>>
      tpu.enqueue_dma source(%dma_start3A_106 : memref<8x128xi32, #tpu.memory_space<hbm>>) target(%dma_start3A_104 : memref<8x128xi32, #tpu.memory_space<vmem>>) target_semaphore(%run_scoped3A_94 : memref<!tpu.dma_semaphore, #tpu.memory_space<semaphore_mem>>)
      %dma_wait3A = arith.constant 0 : i32
      %dma_wait3A_107 = arith.constant 0 : i32
      %dma_wait3A_108 = tpu.memref_slice %arg9[%run_scoped3A_7, %dma_wait3A, %dma_wait3A_107] : memref<2x8x128xi32, #tpu.memory_space<vmem>> -> memref<1x8x128xi32, #tpu.memory_space<vmem>>
      %dma_wait3A_109 = tpu.memref_squeeze %dma_wait3A_108 : memref<1x8x128xi32, #tpu.memory_space<vmem>> -> memref<8x128xi32, #tpu.memory_space<vmem>>
      %dma_wait3A_110 = arith.constant 0 : i32
      %dma_wait3A_111 = tpu.memref_slice %arg3[%multiple_of3A, %dma_wait3A_110] : memref<2560x128xi32, #tpu.memory_space<hbm>> -> memref<8x128xi32, #tpu.memory_space<hbm>>
      %dma_wait3A_112 = arith.constant 0 : i32
      %dma_wait3A_113 = arith.constant 0 : i32
      %dma_wait3A_114 = tpu.memref_slice %arg9[%run_scoped3A_7, %dma_wait3A_112, %dma_wait3A_113] : memref<2x8x128xi32, #tpu.memory_space<vmem>> -> memref<1x8x128xi32, #tpu.memory_space<vmem>>
      %dma_wait3A_115 = tpu.memref_squeeze %dma_wait3A_114 : memref<1x8x128xi32, #tpu.memory_space<vmem>> -> memref<8x128xi32, #tpu.memory_space<vmem>>
      %dma_wait3A_116 = arith.constant 0 : i32
      %dma_wait3A_117 = tpu.memref_slice %arg3[%multiple_of3A, %dma_wait3A_116] : memref<2560x128xi32, #tpu.memory_space<hbm>> -> memref<8x128xi32, #tpu.memory_space<hbm>>
      tpu.wait_dma2 semaphore(%run_scoped3A_94 : memref<!tpu.dma_semaphore, #tpu.memory_space<semaphore_mem>>) src(%dma_wait3A_117 : memref<8x128xi32, #tpu.memory_space<hbm>>) dst(%dma_wait3A_115 : memref<8x128xi32, #tpu.memory_space<vmem>>)
      tpu.yield
    }) : () -> ()
    %add3A_8 = arith.constant 8 : i32
    %add3A_9 = arith.addi %mul3A_4, %add3A_8 : i32
    %multiple_of3A_10 = tpu.assume_multiple %add3A_9, 8 : i32
    %dma_start3A = arith.constant 1 : i32
    %dma_start3A_11 = arith.constant 0 : i32
    %dma_start3A_12 = arith.constant 0 : i32
    %dma_start3A_13 = tpu.memref_slice %arg8[%dma_start3A, %dma_start3A_11, %dma_start3A_12] : memref<2x8x128xi32, #tpu.memory_space<vmem>> -> memref<1x8x128xi32, #tpu.memory_space<vmem>>
    %dma_start3A_14 = tpu.memref_squeeze %dma_start3A_13 : memref<1x8x128xi32, #tpu.memory_space<vmem>> -> memref<8x128xi32, #tpu.memory_space<vmem>>
    %dma_start3A_15 = arith.constant 0 : i32
    %dma_start3A_16 = tpu.memref_slice %arg2[%multiple_of3A_10, %dma_start3A_15] : memref<2560x128xi32, #tpu.memory_space<hbm>> -> memref<8x128xi32, #tpu.memory_space<hbm>>
    %dma_start3A_17 = arith.constant 0 : i32
    %dma_start3A_18 = arith.constant 0 : i32
    %dma_start3A_19 = tpu.memref_slice %arg8[%dma_start3A, %dma_start3A_17, %dma_start3A_18] : memref<2x8x128xi32, #tpu.memory_space<vmem>> -> memref<1x8x128xi32, #tpu.memory_space<vmem>>
    %dma_start3A_20 = tpu.memref_squeeze %dma_start3A_19 : memref<1x8x128xi32, #tpu.memory_space<vmem>> -> memref<8x128xi32, #tpu.memory_space<vmem>>
    %dma_start3A_21 = arith.constant 0 : i32
    %dma_start3A_22 = tpu.memref_slice %arg2[%multiple_of3A_10, %dma_start3A_21] : memref<2560x128xi32, #tpu.memory_space<hbm>> -> memref<8x128xi32, #tpu.memory_space<hbm>>
    tpu.enqueue_dma source(%dma_start3A_22 : memref<8x128xi32, #tpu.memory_space<hbm>>) target(%dma_start3A_20 : memref<8x128xi32, #tpu.memory_space<vmem>>) target_semaphore(%arg18 : memref<!tpu.dma_semaphore, #tpu.memory_space<semaphore_mem>>)
    %dma_start3A_23 = arith.constant 1 : i32
    %dma_start3A_24 = arith.constant 0 : i32
    %dma_start3A_25 = arith.constant 0 : i32
    %dma_start3A_26 = tpu.memref_slice %arg9[%dma_start3A_23, %dma_start3A_24, %dma_start3A_25] : memref<2x8x128xi32, #tpu.memory_space<vmem>> -> memref<1x8x128xi32, #tpu.memory_space<vmem>>
    %dma_start3A_27 = tpu.memref_squeeze %dma_start3A_26 : memref<1x8x128xi32, #tpu.memory_space<vmem>> -> memref<8x128xi32, #tpu.memory_space<vmem>>
    %dma_start3A_28 = arith.constant 0 : i32
    %dma_start3A_29 = tpu.memref_slice %arg3[%multiple_of3A_10, %dma_start3A_28] : memref<2560x128xi32, #tpu.memory_space<hbm>> -> memref<8x128xi32, #tpu.memory_space<hbm>>
    %dma_start3A_30 = arith.constant 0 : i32
    %dma_start3A_31 = arith.constant 0 : i32
    %dma_start3A_32 = tpu.memref_slice %arg9[%dma_start3A_23, %dma_start3A_30, %dma_start3A_31] : memref<2x8x128xi32, #tpu.memory_space<vmem>> -> memref<1x8x128xi32, #tpu.memory_space<vmem>>
    %dma_start3A_33 = tpu.memref_squeeze %dma_start3A_32 : memref<1x8x128xi32, #tpu.memory_space<vmem>> -> memref<8x128xi32, #tpu.memory_space<vmem>>
    %dma_start3A_34 = arith.constant 0 : i32
    %dma_start3A_35 = tpu.memref_slice %arg3[%multiple_of3A_10, %dma_start3A_34] : memref<2560x128xi32, #tpu.memory_space<hbm>> -> memref<8x128xi32, #tpu.memory_space<hbm>>
    tpu.enqueue_dma source(%dma_start3A_35 : memref<8x128xi32, #tpu.memory_space<hbm>>) target(%dma_start3A_33 : memref<8x128xi32, #tpu.memory_space<vmem>>) target_semaphore(%arg18 : memref<!tpu.dma_semaphore, #tpu.memory_space<semaphore_mem>>)
    %div3A = arith.constant 0 : i32
    %div3A_36 = arith.constant 128 : i32
    %div3A_37 = arith.divsi %div3A, %div3A_36 : i32
    %rem3A = arith.constant 2 : i32
    %rem3A_38 = arith.remsi %div3A_37, %rem3A : i32
    %div3A_39 = arith.constant 0 : i32
    %div3A_40 = arith.constant 16 : i32
    %div3A_41 = arith.divsi %div3A_39, %div3A_40 : i32
    %rem3A_42 = arith.constant 8 : i32
    %rem3A_43 = arith.remsi %div3A_41, %rem3A_42 : i32
    %rem3A_44 = arith.constant 0 : i32
    %rem3A_45 = arith.constant 16 : i32
    %rem3A_46 = arith.remsi %rem3A_44, %rem3A_45 : i32
    %mul3A_47 = arith.constant 8 : i32
    %mul3A_48 = arith.muli %rem3A_46, %mul3A_47 : i32
    %dma_start3A_49 = tpu.memref_slice %arg9[%rem3A_38, %rem3A_43, %mul3A_48] : memref<2x8x128xi32, #tpu.memory_space<vmem>> -> memref<1x1x8xi32, #tpu.memory_space<vmem>>
    %dma_start3A_50 = tpu.memref_squeeze %dma_start3A_49 : memref<1x1x8xi32, #tpu.memory_space<vmem>> -> memref<8xi32, #tpu.memory_space<vmem>>
    %dma_start3A_51 = arith.constant 0 : i32
    %dma_start3A_52 = arith.constant 0 : i32
    %dma_start3A_53 = tpu.memref_slice %arg4[%dma_start3A_51, %dma_start3A_52] : memref<10240x512xf32, #tpu.memory_space<hbm>> -> memref<10240x512xf32, #tpu.memory_space<hbm>>
    tpu.enqueue_indirect_dma source(%dma_start3A_53 : memref<10240x512xf32, #tpu.memory_space<hbm>>) target(%arg10 : memref<8x512xf32, #tpu.memory_space<vmem>>) offsets(%dma_start3A_50 : memref<8xi32, #tpu.memory_space<vmem>>) semaphore(%arg16 : memref<!tpu.dma_semaphore, #tpu.memory_space<semaphore_mem>>)
    %dma_start3A_54 = tpu.memref_slice %arg8[%rem3A_38, %rem3A_43, %mul3A_48] : memref<2x8x128xi32, #tpu.memory_space<vmem>> -> memref<1x1x8xi32, #tpu.memory_space<vmem>>
    %dma_start3A_55 = tpu.memref_squeeze %dma_start3A_54 : memref<1x1x8xi32, #tpu.memory_space<vmem>> -> memref<8xi32, #tpu.memory_space<vmem>>
    %dma_start3A_56 = arith.constant 0 : i32
    %dma_start3A_57 = arith.constant 0 : i32
    %dma_start3A_58 = tpu.memref_slice %arg5[%dma_start3A_56, %dma_start3A_57] : memref<10240x640xf32, #tpu.memory_space<hbm>> -> memref<10240x640xf32, #tpu.memory_space<hbm>>
    tpu.enqueue_indirect_dma source(%dma_start3A_58 : memref<10240x640xf32, #tpu.memory_space<hbm>>) target(%arg12 : memref<8x640xf32, #tpu.memory_space<vmem>>) offsets(%dma_start3A_55 : memref<8xi32, #tpu.memory_space<vmem>>) semaphore(%arg16 : memref<!tpu.dma_semaphore, #tpu.memory_space<semaphore_mem>>)
    %div3A_59 = arith.constant 1 : i32
    %div3A_60 = arith.constant 128 : i32
    %div3A_61 = arith.divsi %div3A_59, %div3A_60 : i32
    %rem3A_62 = arith.constant 2 : i32
    %rem3A_63 = arith.remsi %div3A_61, %rem3A_62 : i32
    %div3A_64 = arith.constant 1 : i32
    %div3A_65 = arith.constant 16 : i32
    %div3A_66 = arith.divsi %div3A_64, %div3A_65 : i32
    %rem3A_67 = arith.constant 8 : i32
    %rem3A_68 = arith.remsi %div3A_66, %rem3A_67 : i32
    %rem3A_69 = arith.constant 1 : i32
    %rem3A_70 = arith.constant 16 : i32
    %rem3A_71 = arith.remsi %rem3A_69, %rem3A_70 : i32
    %mul3A_72 = arith.constant 8 : i32
    %mul3A_73 = arith.muli %rem3A_71, %mul3A_72 : i32
    %dma_start3A_74 = tpu.memref_slice %arg9[%rem3A_63, %rem3A_68, %mul3A_73] : memref<2x8x128xi32, #tpu.memory_space<vmem>> -> memref<1x1x8xi32, #tpu.memory_space<vmem>>
    %dma_start3A_75 = tpu.memref_squeeze %dma_start3A_74 : memref<1x1x8xi32, #tpu.memory_space<vmem>> -> memref<8xi32, #tpu.memory_space<vmem>>
    %dma_start3A_76 = arith.constant 0 : i32
    %dma_start3A_77 = arith.constant 0 : i32
    %dma_start3A_78 = tpu.memref_slice %arg4[%dma_start3A_76, %dma_start3A_77] : memref<10240x512xf32, #tpu.memory_space<hbm>> -> memref<10240x512xf32, #tpu.memory_space<hbm>>
    tpu.enqueue_indirect_dma source(%dma_start3A_78 : memref<10240x512xf32, #tpu.memory_space<hbm>>) target(%arg11 : memref<8x512xf32, #tpu.memory_space<vmem>>) offsets(%dma_start3A_75 : memref<8xi32, #tpu.memory_space<vmem>>) semaphore(%arg17 : memref<!tpu.dma_semaphore, #tpu.memory_space<semaphore_mem>>)
    %dma_start3A_79 = tpu.memref_slice %arg8[%rem3A_63, %rem3A_68, %mul3A_73] : memref<2x8x128xi32, #tpu.memory_space<vmem>> -> memref<1x1x8xi32, #tpu.memory_space<vmem>>
    %dma_start3A_80 = tpu.memref_squeeze %dma_start3A_79 : memref<1x1x8xi32, #tpu.memory_space<vmem>> -> memref<8xi32, #tpu.memory_space<vmem>>
    %dma_start3A_81 = arith.constant 0 : i32
    %dma_start3A_82 = arith.constant 0 : i32
    %dma_start3A_83 = tpu.memref_slice %arg5[%dma_start3A_81, %dma_start3A_82] : memref<10240x640xf32, #tpu.memory_space<hbm>> -> memref<10240x640xf32, #tpu.memory_space<hbm>>
    tpu.enqueue_indirect_dma source(%dma_start3A_83 : memref<10240x640xf32, #tpu.memory_space<hbm>>) target(%arg13 : memref<8x640xf32, #tpu.memory_space<vmem>>) offsets(%dma_start3A_80 : memref<8xi32, #tpu.memory_space<vmem>>) semaphore(%arg17 : memref<!tpu.dma_semaphore, #tpu.memory_space<semaphore_mem>>)
    %scan3A = arith.constant 0 : i32
    %scan3A_84 = arith.constant 0 : i32
    %scan3A_85 = arith.constant 640 : i32
    %scan3A_86 = arith.addi %scan3A_84, %scan3A_85 : i32
    %scan3A_87 = arith.constant 1 : i32
    scf.for %scan3A_94 = %scan3A_84 to %scan3A_86 step %scan3A_87  : i32 {
      %mul3A_95 = arith.constant 2 : i32
      %mul3A_96 = arith.muli %mul3A_95, %scan3A_94 : i32
      %add3A_97 = arith.constant 0 : i32
      %add3A_98 = arith.addi %mul3A_96, %add3A_97 : i32
      %div3A_99 = arith.constant 128 : i32
      %div3A_100 = arith.divsi %add3A_98, %div3A_99 : i32
      %rem3A_101 = arith.constant 128 : i32
      %rem3A_102 = arith.remsi %add3A_98, %rem3A_101 : i32
      %eq3A = arith.constant 0 : i32
      %eq3A_103 = arith.cmpi eq, %rem3A_102, %eq3A : i32
      %convert_element_type3A = arith.extui %eq3A_103 : i1 to i32
      %cond3A = arith.constant 0 : i32
      %cond3A_104 = arith.cmpi ne, %convert_element_type3A, %cond3A : i32
      scf.if %cond3A_104 {
        %ge3A = arith.constant 1 : i32
        %ge3A_208 = arith.cmpi sge, %div3A_100, %ge3A : i32
        %add3A_209 = arith.constant 1 : i32
        %add3A_210 = arith.addi %div3A_100, %add3A_209 : i32
        %lt3A_211 = arith.constant 10 : i32
        %lt3A_212 = arith.cmpi slt, %add3A_210, %lt3A_211 : i32
        %and3A_213 = arith.andi %ge3A_208, %lt3A_212 : i1
        %convert_element_type3A_214 = arith.extui %and3A_213 : i1 to i32
        %cond3A_215 = arith.constant 0 : i32
        %cond3A_216 = arith.cmpi ne, %convert_element_type3A_214, %cond3A_215 : i32
        scf.if %cond3A_216 {
          %add3A_217 = arith.constant 1 : i32
          %add3A_218 = arith.addi %div3A_100, %add3A_217 : i32
          %rem3A_219 = arith.constant 2 : i32
          %rem3A_220 = arith.remsi %add3A_218, %rem3A_219 : i32
          %mul3A_221 = arith.constant 8 : i32
          %mul3A_222 = arith.muli %add3A_218, %mul3A_221 : i32
          %add3A_223 = arith.addi %mul3A_4, %mul3A_222 : i32
          %multiple_of3A_224 = tpu.assume_multiple %add3A_223, 8 : i32
          %eq3A_225 = arith.constant 0 : i32
          %eq3A_226 = arith.cmpi eq, %rem3A_220, %eq3A_225 : i32
          %convert_element_type3A_227 = arith.extui %eq3A_226 : i1 to i32
          %cond3A_228 = arith.constant 0 : i32
          %cond3A_229 = arith.cmpi ne, %convert_element_type3A_227, %cond3A_228 : i32
          scf.if %cond3A_229 {
            %dma_start3A_235 = arith.constant 0 : i32
            %dma_start3A_236 = arith.constant 0 : i32
            %dma_start3A_237 = arith.constant 0 : i32
            %dma_start3A_238 = tpu.memref_slice %arg8[%dma_start3A_235, %dma_start3A_236, %dma_start3A_237] : memref<2x8x128xi32, #tpu.memory_space<vmem>> -> memref<1x8x128xi32, #tpu.memory_space<vmem>>
            %dma_start3A_239 = tpu.memref_squeeze %dma_start3A_238 : memref<1x8x128xi32, #tpu.memory_space<vmem>> -> memref<8x128xi32, #tpu.memory_space<vmem>>
            %dma_start3A_240 = arith.constant 0 : i32
            %dma_start3A_241 = tpu.memref_slice %arg2[%multiple_of3A_224, %dma_start3A_240] : memref<2560x128xi32, #tpu.memory_space<hbm>> -> memref<8x128xi32, #tpu.memory_space<hbm>>
            %dma_start3A_242 = arith.constant 0 : i32
            %dma_start3A_243 = arith.constant 0 : i32
            %dma_start3A_244 = tpu.memref_slice %arg8[%dma_start3A_235, %dma_start3A_242, %dma_start3A_243] : memref<2x8x128xi32, #tpu.memory_space<vmem>> -> memref<1x8x128xi32, #tpu.memory_space<vmem>>
            %dma_start3A_245 = tpu.memref_squeeze %dma_start3A_244 : memref<1x8x128xi32, #tpu.memory_space<vmem>> -> memref<8x128xi32, #tpu.memory_space<vmem>>
            %dma_start3A_246 = arith.constant 0 : i32
            %dma_start3A_247 = tpu.memref_slice %arg2[%multiple_of3A_224, %dma_start3A_246] : memref<2560x128xi32, #tpu.memory_space<hbm>> -> memref<8x128xi32, #tpu.memory_space<hbm>>
            tpu.enqueue_dma source(%dma_start3A_247 : memref<8x128xi32, #tpu.memory_space<hbm>>) target(%dma_start3A_245 : memref<8x128xi32, #tpu.memory_space<vmem>>) target_semaphore(%arg18 : memref<!tpu.dma_semaphore, #tpu.memory_space<semaphore_mem>>)
            %dma_start3A_248 = arith.constant 0 : i32
            %dma_start3A_249 = arith.constant 0 : i32
            %dma_start3A_250 = arith.constant 0 : i32
            %dma_start3A_251 = tpu.memref_slice %arg9[%dma_start3A_248, %dma_start3A_249, %dma_start3A_250] : memref<2x8x128xi32, #tpu.memory_space<vmem>> -> memref<1x8x128xi32, #tpu.memory_space<vmem>>
            %dma_start3A_252 = tpu.memref_squeeze %dma_start3A_251 : memref<1x8x128xi32, #tpu.memory_space<vmem>> -> memref<8x128xi32, #tpu.memory_space<vmem>>
            %dma_start3A_253 = arith.constant 0 : i32
            %dma_start3A_254 = tpu.memref_slice %arg3[%multiple_of3A_224, %dma_start3A_253] : memref<2560x128xi32, #tpu.memory_space<hbm>> -> memref<8x128xi32, #tpu.memory_space<hbm>>
            %dma_start3A_255 = arith.constant 0 : i32
            %dma_start3A_256 = arith.constant 0 : i32
            %dma_start3A_257 = tpu.memref_slice %arg9[%dma_start3A_248, %dma_start3A_255, %dma_start3A_256] : memref<2x8x128xi32, #tpu.memory_space<vmem>> -> memref<1x8x128xi32, #tpu.memory_space<vmem>>
            %dma_start3A_258 = tpu.memref_squeeze %dma_start3A_257 : memref<1x8x128xi32, #tpu.memory_space<vmem>> -> memref<8x128xi32, #tpu.memory_space<vmem>>
            %dma_start3A_259 = arith.constant 0 : i32
            %dma_start3A_260 = tpu.memref_slice %arg3[%multiple_of3A_224, %dma_start3A_259] : memref<2560x128xi32, #tpu.memory_space<hbm>> -> memref<8x128xi32, #tpu.memory_space<hbm>>
            tpu.enqueue_dma source(%dma_start3A_260 : memref<8x128xi32, #tpu.memory_space<hbm>>) target(%dma_start3A_258 : memref<8x128xi32, #tpu.memory_space<vmem>>) target_semaphore(%arg18 : memref<!tpu.dma_semaphore, #tpu.memory_space<semaphore_mem>>)
          } else {
          }
          %eq3A_230 = arith.constant 1 : i32
          %eq3A_231 = arith.cmpi eq, %rem3A_220, %eq3A_230 : i32
          %convert_element_type3A_232 = arith.extui %eq3A_231 : i1 to i32
          %cond3A_233 = arith.constant 0 : i32
          %cond3A_234 = arith.cmpi ne, %convert_element_type3A_232, %cond3A_233 : i32
          scf.if %cond3A_234 {
            %dma_start3A_235 = arith.constant 1 : i32
            %dma_start3A_236 = arith.constant 0 : i32
            %dma_start3A_237 = arith.constant 0 : i32
            %dma_start3A_238 = tpu.memref_slice %arg8[%dma_start3A_235, %dma_start3A_236, %dma_start3A_237] : memref<2x8x128xi32, #tpu.memory_space<vmem>> -> memref<1x8x128xi32, #tpu.memory_space<vmem>>
            %dma_start3A_239 = tpu.memref_squeeze %dma_start3A_238 : memref<1x8x128xi32, #tpu.memory_space<vmem>> -> memref<8x128xi32, #tpu.memory_space<vmem>>
            %dma_start3A_240 = arith.constant 0 : i32
            %dma_start3A_241 = tpu.memref_slice %arg2[%multiple_of3A_224, %dma_start3A_240] : memref<2560x128xi32, #tpu.memory_space<hbm>> -> memref<8x128xi32, #tpu.memory_space<hbm>>
            %dma_start3A_242 = arith.constant 0 : i32
            %dma_start3A_243 = arith.constant 0 : i32
            %dma_start3A_244 = tpu.memref_slice %arg8[%dma_start3A_235, %dma_start3A_242, %dma_start3A_243] : memref<2x8x128xi32, #tpu.memory_space<vmem>> -> memref<1x8x128xi32, #tpu.memory_space<vmem>>
            %dma_start3A_245 = tpu.memref_squeeze %dma_start3A_244 : memref<1x8x128xi32, #tpu.memory_space<vmem>> -> memref<8x128xi32, #tpu.memory_space<vmem>>
            %dma_start3A_246 = arith.constant 0 : i32
            %dma_start3A_247 = tpu.memref_slice %arg2[%multiple_of3A_224, %dma_start3A_246] : memref<2560x128xi32, #tpu.memory_space<hbm>> -> memref<8x128xi32, #tpu.memory_space<hbm>>
            tpu.enqueue_dma source(%dma_start3A_247 : memref<8x128xi32, #tpu.memory_space<hbm>>) target(%dma_start3A_245 : memref<8x128xi32, #tpu.memory_space<vmem>>) target_semaphore(%arg18 : memref<!tpu.dma_semaphore, #tpu.memory_space<semaphore_mem>>)
            %dma_start3A_248 = arith.constant 1 : i32
            %dma_start3A_249 = arith.constant 0 : i32
            %dma_start3A_250 = arith.constant 0 : i32
            %dma_start3A_251 = tpu.memref_slice %arg9[%dma_start3A_248, %dma_start3A_249, %dma_start3A_250] : memref<2x8x128xi32, #tpu.memory_space<vmem>> -> memref<1x8x128xi32, #tpu.memory_space<vmem>>
            %dma_start3A_252 = tpu.memref_squeeze %dma_start3A_251 : memref<1x8x128xi32, #tpu.memory_space<vmem>> -> memref<8x128xi32, #tpu.memory_space<vmem>>
            %dma_start3A_253 = arith.constant 0 : i32
            %dma_start3A_254 = tpu.memref_slice %arg3[%multiple_of3A_224, %dma_start3A_253] : memref<2560x128xi32, #tpu.memory_space<hbm>> -> memref<8x128xi32, #tpu.memory_space<hbm>>
            %dma_start3A_255 = arith.constant 0 : i32
            %dma_start3A_256 = arith.constant 0 : i32
            %dma_start3A_257 = tpu.memref_slice %arg9[%dma_start3A_248, %dma_start3A_255, %dma_start3A_256] : memref<2x8x128xi32, #tpu.memory_space<vmem>> -> memref<1x8x128xi32, #tpu.memory_space<vmem>>
            %dma_start3A_258 = tpu.memref_squeeze %dma_start3A_257 : memref<1x8x128xi32, #tpu.memory_space<vmem>> -> memref<8x128xi32, #tpu.memory_space<vmem>>
            %dma_start3A_259 = arith.constant 0 : i32
            %dma_start3A_260 = tpu.memref_slice %arg3[%multiple_of3A_224, %dma_start3A_259] : memref<2560x128xi32, #tpu.memory_space<hbm>> -> memref<8x128xi32, #tpu.memory_space<hbm>>
            tpu.enqueue_dma source(%dma_start3A_260 : memref<8x128xi32, #tpu.memory_space<hbm>>) target(%dma_start3A_258 : memref<8x128xi32, #tpu.memory_space<vmem>>) target_semaphore(%arg18 : memref<!tpu.dma_semaphore, #tpu.memory_space<semaphore_mem>>)
          } else {
          }
        } else {
        }
      } else {
      }
      %rem3A_105 = arith.constant 128 : i32
      %rem3A_106 = arith.remsi %add3A_98, %rem3A_105 : i32
      %eq3A_107 = arith.constant 112 : i32
      %eq3A_108 = arith.cmpi eq, %rem3A_106, %eq3A_107 : i32
      %lt3A = arith.constant 9 : i32
      %lt3A_109 = arith.cmpi slt, %div3A_100, %lt3A : i32
      %and3A = arith.andi %eq3A_108, %lt3A_109 : i1
      %convert_element_type3A_110 = arith.extui %and3A : i1 to i32
      %cond3A_111 = arith.constant 0 : i32
      %cond3A_112 = arith.cmpi ne, %convert_element_type3A_110, %cond3A_111 : i32
      scf.if %cond3A_112 {
        %multiple_of3A_208 = tpu.assume_multiple %mul3A_4, 8 : i32
        %dma_wait3A_209 = arith.constant 0 : i32
        %dma_wait3A_210 = arith.constant 0 : i32
        %dma_wait3A_211 = arith.constant 0 : i32
        %dma_wait3A_212 = tpu.memref_slice %arg8[%dma_wait3A_209, %dma_wait3A_210, %dma_wait3A_211] : memref<2x8x128xi32, #tpu.memory_space<vmem>> -> memref<1x8x128xi32, #tpu.memory_space<vmem>>
        %dma_wait3A_213 = tpu.memref_squeeze %dma_wait3A_212 : memref<1x8x128xi32, #tpu.memory_space<vmem>> -> memref<8x128xi32, #tpu.memory_space<vmem>>
        %dma_wait3A_214 = arith.constant 0 : i32
        %dma_wait3A_215 = tpu.memref_slice %arg2[%multiple_of3A_208, %dma_wait3A_214] : memref<2560x128xi32, #tpu.memory_space<hbm>> -> memref<8x128xi32, #tpu.memory_space<hbm>>
        %dma_wait3A_216 = arith.constant 0 : i32
        %dma_wait3A_217 = arith.constant 0 : i32
        %dma_wait3A_218 = tpu.memref_slice %arg8[%dma_wait3A_209, %dma_wait3A_216, %dma_wait3A_217] : memref<2x8x128xi32, #tpu.memory_space<vmem>> -> memref<1x8x128xi32, #tpu.memory_space<vmem>>
        %dma_wait3A_219 = tpu.memref_squeeze %dma_wait3A_218 : memref<1x8x128xi32, #tpu.memory_space<vmem>> -> memref<8x128xi32, #tpu.memory_space<vmem>>
        %dma_wait3A_220 = arith.constant 0 : i32
        %dma_wait3A_221 = tpu.memref_slice %arg2[%multiple_of3A_208, %dma_wait3A_220] : memref<2560x128xi32, #tpu.memory_space<hbm>> -> memref<8x128xi32, #tpu.memory_space<hbm>>
        tpu.wait_dma2 semaphore(%arg18 : memref<!tpu.dma_semaphore, #tpu.memory_space<semaphore_mem>>) src(%dma_wait3A_221 : memref<8x128xi32, #tpu.memory_space<hbm>>) dst(%dma_wait3A_219 : memref<8x128xi32, #tpu.memory_space<vmem>>)
        %multiple_of3A_222 = tpu.assume_multiple %mul3A_4, 8 : i32
        %dma_wait3A_223 = arith.constant 0 : i32
        %dma_wait3A_224 = arith.constant 0 : i32
        %dma_wait3A_225 = arith.constant 0 : i32
        %dma_wait3A_226 = tpu.memref_slice %arg9[%dma_wait3A_223, %dma_wait3A_224, %dma_wait3A_225] : memref<2x8x128xi32, #tpu.memory_space<vmem>> -> memref<1x8x128xi32, #tpu.memory_space<vmem>>
        %dma_wait3A_227 = tpu.memref_squeeze %dma_wait3A_226 : memref<1x8x128xi32, #tpu.memory_space<vmem>> -> memref<8x128xi32, #tpu.memory_space<vmem>>
        %dma_wait3A_228 = arith.constant 0 : i32
        %dma_wait3A_229 = tpu.memref_slice %arg3[%multiple_of3A_222, %dma_wait3A_228] : memref<2560x128xi32, #tpu.memory_space<hbm>> -> memref<8x128xi32, #tpu.memory_space<hbm>>
        %dma_wait3A_230 = arith.constant 0 : i32
        %dma_wait3A_231 = arith.constant 0 : i32
        %dma_wait3A_232 = tpu.memref_slice %arg9[%dma_wait3A_223, %dma_wait3A_230, %dma_wait3A_231] : memref<2x8x128xi32, #tpu.memory_space<vmem>> -> memref<1x8x128xi32, #tpu.memory_space<vmem>>
        %dma_wait3A_233 = tpu.memref_squeeze %dma_wait3A_232 : memref<1x8x128xi32, #tpu.memory_space<vmem>> -> memref<8x128xi32, #tpu.memory_space<vmem>>
        %dma_wait3A_234 = arith.constant 0 : i32
        %dma_wait3A_235 = tpu.memref_slice %arg3[%multiple_of3A_222, %dma_wait3A_234] : memref<2560x128xi32, #tpu.memory_space<hbm>> -> memref<8x128xi32, #tpu.memory_space<hbm>>
        tpu.wait_dma2 semaphore(%arg18 : memref<!tpu.dma_semaphore, #tpu.memory_space<semaphore_mem>>) src(%dma_wait3A_235 : memref<8x128xi32, #tpu.memory_space<hbm>>) dst(%dma_wait3A_233 : memref<8x128xi32, #tpu.memory_space<vmem>>)
      } else {
      }
      %dma_wait3A = arith.constant 0 : i32
      %dma_wait3A_113 = arith.constant 0 : i32
      %dma_wait3A_114 = arith.constant 0 : i32
      %dma_wait3A_115 = tpu.memref_slice %arg9[%dma_wait3A, %dma_wait3A_113, %dma_wait3A_114] : memref<2x8x128xi32, #tpu.memory_space<vmem>> -> memref<1x1x8xi32, #tpu.memory_space<vmem>>
      %dma_wait3A_116 = tpu.memref_squeeze %dma_wait3A_115 : memref<1x1x8xi32, #tpu.memory_space<vmem>> -> memref<8xi32, #tpu.memory_space<vmem>>
      %dma_wait3A_117 = arith.constant 0 : i32
      %dma_wait3A_118 = arith.constant 0 : i32
      %dma_wait3A_119 = tpu.memref_slice %arg4[%dma_wait3A_117, %dma_wait3A_118] : memref<10240x512xf32, #tpu.memory_space<hbm>> -> memref<10240x512xf32, #tpu.memory_space<hbm>>
      tpu.wait_indirect_dma semaphore(%arg16 : memref<!tpu.dma_semaphore, #tpu.memory_space<semaphore_mem>>) src(%dma_wait3A_119 : memref<10240x512xf32, #tpu.memory_space<hbm>>) dst(%arg10 : memref<8x512xf32, #tpu.memory_space<vmem>>)
      %dma_wait3A_120 = arith.constant 0 : i32
      %dma_wait3A_121 = arith.constant 0 : i32
      %dma_wait3A_122 = arith.constant 0 : i32
      %dma_wait3A_123 = tpu.memref_slice %arg8[%dma_wait3A_120, %dma_wait3A_121, %dma_wait3A_122] : memref<2x8x128xi32, #tpu.memory_space<vmem>> -> memref<1x1x8xi32, #tpu.memory_space<vmem>>
      %dma_wait3A_124 = tpu.memref_squeeze %dma_wait3A_123 : memref<1x1x8xi32, #tpu.memory_space<vmem>> -> memref<8xi32, #tpu.memory_space<vmem>>
      %dma_wait3A_125 = arith.constant 0 : i32
      %dma_wait3A_126 = arith.constant 0 : i32
      %dma_wait3A_127 = tpu.memref_slice %arg5[%dma_wait3A_125, %dma_wait3A_126] : memref<10240x640xf32, #tpu.memory_space<hbm>> -> memref<10240x640xf32, #tpu.memory_space<hbm>>
      tpu.wait_indirect_dma semaphore(%arg16 : memref<!tpu.dma_semaphore, #tpu.memory_space<semaphore_mem>>) src(%dma_wait3A_127 : memref<10240x640xf32, #tpu.memory_space<hbm>>) dst(%arg12 : memref<8x640xf32, #tpu.memory_space<vmem>>)
      %rem3A_128 = arith.constant 16 : i32
      %rem3A_129 = arith.remsi %add3A_98, %rem3A_128 : i32
      %mul3A_130 = arith.constant 8 : i32
      %mul3A_131 = arith.muli %rem3A_129, %mul3A_130 : i32
      %parallel_loop3A = arith.constant 0 : i32
      %parallel_loop3A_132 = arith.constant 64 : i32
      %parallel_loop3A_133 = arith.constant 1 : i32
      scf.for %parallel_loop3A_208 = %parallel_loop3A to %parallel_loop3A_132 step %parallel_loop3A_133  : i32 {
        %parallel_loop3A_209 = arith.constant 8 : i32
        %parallel_loop3A_210 = arith.divsi %parallel_loop3A_208, %parallel_loop3A_209 : i32
        %parallel_loop3A_211 = arith.constant 8 : i32
        %parallel_loop3A_212 = arith.remsi %parallel_loop3A_208, %parallel_loop3A_211 : i32
        %parallel_loop3A_213 = arith.constant 16 : i32
        %parallel_loop3A_214 = arith.muli %parallel_loop3A_212, %parallel_loop3A_213 : i32
        %parallel_loop3A_215 = arith.constant 16 : i32
        %parallel_loop3A_216 = arith.muli %parallel_loop3A_212, %parallel_loop3A_215 : i32
        %parallel_loop3A_217 = arith.index_cast %parallel_loop3A_210 : i32 to index
        %parallel_loop3A_218 = arith.index_cast %parallel_loop3A_216 : i32 to index
        %parallel_loop3A_219 = tpu.vector_load %arg10[%parallel_loop3A_217, %parallel_loop3A_218] {strides = array<i32>} : memref<8x512xf32, #tpu.memory_space<vmem>>, vector<1x16xf32>,
        %parallel_loop3A_220 = vector.shape_cast %parallel_loop3A_219 : vector<1x16xf32> to vector<16xf32>
        %parallel_loop3A_221 = arith.constant 16 : i32
        %parallel_loop3A_222 = arith.muli %parallel_loop3A_212, %parallel_loop3A_221 : i32
        %parallel_loop3A_223 = arith.index_cast %parallel_loop3A_210 : i32 to index
        %parallel_loop3A_224 = arith.index_cast %parallel_loop3A_222 : i32 to index
        %parallel_loop3A_225 = tpu.vector_load %arg12[%parallel_loop3A_223, %parallel_loop3A_224] {strides = array<i32>} : memref<8x640xf32, #tpu.memory_space<vmem>>, vector<1x16xf32>,
        %parallel_loop3A_226 = vector.shape_cast %parallel_loop3A_225 : vector<1x16xf32> to vector<16xf32>
        %parallel_loop3A_227 = arith.addf %parallel_loop3A_220, %parallel_loop3A_226 : vector<16xf32>
        %parallel_loop3A_228 = arith.constant 16 : i32
        %parallel_loop3A_229 = arith.muli %parallel_loop3A_212, %parallel_loop3A_228 : i32
        %parallel_loop3A_230 = arith.constant 128 : i32
        %parallel_loop3A_231 = arith.addi %parallel_loop3A_230, %parallel_loop3A_229 : i32
        %parallel_loop3A_232 = arith.index_cast %parallel_loop3A_210 : i32 to index
        %parallel_loop3A_233 = arith.index_cast %parallel_loop3A_231 : i32 to index
        %parallel_loop3A_234 = tpu.vector_load %arg10[%parallel_loop3A_232, %parallel_loop3A_233] {strides = array<i32>} : memref<8x512xf32, #tpu.memory_space<vmem>>, vector<1x16xf32>,
        %parallel_loop3A_235 = vector.shape_cast %parallel_loop3A_234 : vector<1x16xf32> to vector<16xf32>
        %parallel_loop3A_236 = arith.constant 16 : i32
        %parallel_loop3A_237 = arith.muli %parallel_loop3A_212, %parallel_loop3A_236 : i32
        %parallel_loop3A_238 = arith.constant 128 : i32
        %parallel_loop3A_239 = arith.addi %parallel_loop3A_238, %parallel_loop3A_237 : i32
        %parallel_loop3A_240 = arith.index_cast %parallel_loop3A_210 : i32 to index
        %parallel_loop3A_241 = arith.index_cast %parallel_loop3A_239 : i32 to index
        %parallel_loop3A_242 = tpu.vector_load %arg12[%parallel_loop3A_240, %parallel_loop3A_241] {strides = array<i32>} : memref<8x640xf32, #tpu.memory_space<vmem>>, vector<1x16xf32>,
        %parallel_loop3A_243 = vector.shape_cast %parallel_loop3A_242 : vector<1x16xf32> to vector<16xf32>
        %parallel_loop3A_244 = arith.addf %parallel_loop3A_235, %parallel_loop3A_243 : vector<16xf32>
        %parallel_loop3A_245 = arith.constant 16 : i32
        %parallel_loop3A_246 = arith.muli %parallel_loop3A_212, %parallel_loop3A_245 : i32
        %parallel_loop3A_247 = arith.constant 256 : i32
        %parallel_loop3A_248 = arith.addi %parallel_loop3A_247, %parallel_loop3A_246 : i32
        %parallel_loop3A_249 = arith.index_cast %parallel_loop3A_210 : i32 to index
        %parallel_loop3A_250 = arith.index_cast %parallel_loop3A_248 : i32 to index
        %parallel_loop3A_251 = tpu.vector_load %arg10[%parallel_loop3A_249, %parallel_loop3A_250] {strides = array<i32>} : memref<8x512xf32, #tpu.memory_space<vmem>>, vector<1x16xf32>,
        %parallel_loop3A_252 = vector.shape_cast %parallel_loop3A_251 : vector<1x16xf32> to vector<16xf32>
        %parallel_loop3A_253 = arith.constant 16 : i32
        %parallel_loop3A_254 = arith.muli %parallel_loop3A_212, %parallel_loop3A_253 : i32
        %parallel_loop3A_255 = arith.constant 256 : i32
        %parallel_loop3A_256 = arith.addi %parallel_loop3A_255, %parallel_loop3A_254 : i32
        %parallel_loop3A_257 = arith.index_cast %parallel_loop3A_210 : i32 to index
        %parallel_loop3A_258 = arith.index_cast %parallel_loop3A_256 : i32 to index
        %parallel_loop3A_259 = tpu.vector_load %arg12[%parallel_loop3A_257, %parallel_loop3A_258] {strides = array<i32>} : memref<8x640xf32, #tpu.memory_space<vmem>>, vector<1x16xf32>,
        %parallel_loop3A_260 = vector.shape_cast %parallel_loop3A_259 : vector<1x16xf32> to vector<16xf32>
        %parallel_loop3A_261 = arith.addf %parallel_loop3A_252, %parallel_loop3A_260 : vector<16xf32>
        %parallel_loop3A_262 = arith.constant 16 : i32
        %parallel_loop3A_263 = arith.muli %parallel_loop3A_212, %parallel_loop3A_262 : i32
        %parallel_loop3A_264 = arith.constant 384 : i32
        %parallel_loop3A_265 = arith.addi %parallel_loop3A_264, %parallel_loop3A_263 : i32
        %parallel_loop3A_266 = arith.index_cast %parallel_loop3A_210 : i32 to index
        %parallel_loop3A_267 = arith.index_cast %parallel_loop3A_265 : i32 to index
        %parallel_loop3A_268 = tpu.vector_load %arg10[%parallel_loop3A_266, %parallel_loop3A_267] {strides = array<i32>} : memref<8x512xf32, #tpu.memory_space<vmem>>, vector<1x16xf32>,
        %parallel_loop3A_269 = vector.shape_cast %parallel_loop3A_268 : vector<1x16xf32> to vector<16xf32>
        %parallel_loop3A_270 = arith.constant 16 : i32
        %parallel_loop3A_271 = arith.muli %parallel_loop3A_212, %parallel_loop3A_270 : i32
        %parallel_loop3A_272 = arith.constant 384 : i32
        %parallel_loop3A_273 = arith.addi %parallel_loop3A_272, %parallel_loop3A_271 : i32
        %parallel_loop3A_274 = arith.index_cast %parallel_loop3A_210 : i32 to index
        %parallel_loop3A_275 = arith.index_cast %parallel_loop3A_273 : i32 to index
        %parallel_loop3A_276 = tpu.vector_load %arg12[%parallel_loop3A_274, %parallel_loop3A_275] {strides = array<i32>} : memref<8x640xf32, #tpu.memory_space<vmem>>, vector<1x16xf32>,
        %parallel_loop3A_277 = vector.shape_cast %parallel_loop3A_276 : vector<1x16xf32> to vector<16xf32>
        %parallel_loop3A_278 = arith.addf %parallel_loop3A_269, %parallel_loop3A_277 : vector<16xf32>
        %parallel_loop3A_279 = arith.constant 16 : i32
        %parallel_loop3A_280 = arith.muli %parallel_loop3A_212, %parallel_loop3A_279 : i32
        %parallel_loop3A_281 = arith.constant 512 : i32
        %parallel_loop3A_282 = arith.addi %parallel_loop3A_281, %parallel_loop3A_280 : i32
        %parallel_loop3A_283 = arith.index_cast %parallel_loop3A_210 : i32 to index
        %parallel_loop3A_284 = arith.index_cast %parallel_loop3A_282 : i32 to index
        %parallel_loop3A_285 = tpu.vector_load %arg12[%parallel_loop3A_283, %parallel_loop3A_284] {strides = array<i32>} : memref<8x640xf32, #tpu.memory_space<vmem>>, vector<1x16xf32>,
        %parallel_loop3A_286 = vector.shape_cast %parallel_loop3A_285 : vector<1x16xf32> to vector<16xf32>
        %parallel_loop3A_287 = arith.constant 0.000000e+00 : f32
        %parallel_loop3A_288 = vector.broadcast %parallel_loop3A_287 : f32 to vector<16xf32>
        %parallel_loop3A_289 = arith.subf %parallel_loop3A_288, %parallel_loop3A_244 : vector<16xf32>
        %parallel_loop3A_290 = math.exp %parallel_loop3A_289 : vector<16xf32>
        %parallel_loop3A_291 = arith.constant 1.000000e+00 : f32
        %parallel_loop3A_292 = vector.broadcast %parallel_loop3A_291 : f32 to vector<16xf32>
        %parallel_loop3A_293 = arith.addf %parallel_loop3A_292, %parallel_loop3A_290 : vector<16xf32>
        %parallel_loop3A_294 = arith.constant 1.000000e+00 : f32
        %parallel_loop3A_295 = vector.broadcast %parallel_loop3A_294 : f32 to vector<16xf32>
        %parallel_loop3A_296 = arith.divf %parallel_loop3A_295, %parallel_loop3A_293 : vector<16xf32>
        %parallel_loop3A_297 = arith.mulf %parallel_loop3A_296, %parallel_loop3A_286 : vector<16xf32>
        %parallel_loop3A_298 = arith.constant 0.000000e+00 : f32
        %parallel_loop3A_299 = vector.broadcast %parallel_loop3A_298 : f32 to vector<16xf32>
        %parallel_loop3A_300 = arith.subf %parallel_loop3A_299, %parallel_loop3A_227 : vector<16xf32>
        %parallel_loop3A_301 = math.exp %parallel_loop3A_300 : vector<16xf32>
        %parallel_loop3A_302 = arith.constant 1.000000e+00 : f32
        %parallel_loop3A_303 = vector.broadcast %parallel_loop3A_302 : f32 to vector<16xf32>
        %parallel_loop3A_304 = arith.addf %parallel_loop3A_303, %parallel_loop3A_301 : vector<16xf32>
        %parallel_loop3A_305 = arith.constant 1.000000e+00 : f32
        %parallel_loop3A_306 = vector.broadcast %parallel_loop3A_305 : f32 to vector<16xf32>
        %parallel_loop3A_307 = arith.divf %parallel_loop3A_306, %parallel_loop3A_304 : vector<16xf32>
        %parallel_loop3A_308 = arith.constant -2.000000e+00 : f32
        %parallel_loop3A_309 = vector.broadcast %parallel_loop3A_308 : f32 to vector<16xf32>
        %parallel_loop3A_310 = arith.mulf %parallel_loop3A_309, %parallel_loop3A_261 : vector<16xf32>
        %parallel_loop3A_311 = math.exp %parallel_loop3A_310 : vector<16xf32>
        %parallel_loop3A_312 = arith.constant 1.000000e+00 : f32
        %parallel_loop3A_313 = vector.broadcast %parallel_loop3A_312 : f32 to vector<16xf32>
        %parallel_loop3A_314 = arith.addf %parallel_loop3A_313, %parallel_loop3A_311 : vector<16xf32>
        %parallel_loop3A_315 = arith.constant 2.000000e+00 : f32
        %parallel_loop3A_316 = vector.broadcast %parallel_loop3A_315 : f32 to vector<16xf32>
        %parallel_loop3A_317 = arith.divf %parallel_loop3A_316, %parallel_loop3A_314 : vector<16xf32>
        %parallel_loop3A_318 = arith.constant 1.000000e+00 : f32
        %parallel_loop3A_319 = vector.broadcast %parallel_loop3A_318 : f32 to vector<16xf32>
        %parallel_loop3A_320 = arith.subf %parallel_loop3A_317, %parallel_loop3A_319 : vector<16xf32>
        %parallel_loop3A_321 = arith.mulf %parallel_loop3A_307, %parallel_loop3A_320 : vector<16xf32>
        %parallel_loop3A_322 = arith.addf %parallel_loop3A_297, %parallel_loop3A_321 : vector<16xf32>
        %parallel_loop3A_323 = arith.constant 0.000000e+00 : f32
        %parallel_loop3A_324 = vector.broadcast %parallel_loop3A_323 : f32 to vector<16xf32>
        %parallel_loop3A_325 = arith.subf %parallel_loop3A_324, %parallel_loop3A_278 : vector<16xf32>
        %parallel_loop3A_326 = math.exp %parallel_loop3A_325 : vector<16xf32>
        %parallel_loop3A_327 = arith.constant 1.000000e+00 : f32
        %parallel_loop3A_328 = vector.broadcast %parallel_loop3A_327 : f32 to vector<16xf32>
        %parallel_loop3A_329 = arith.addf %parallel_loop3A_328, %parallel_loop3A_326 : vector<16xf32>
        %parallel_loop3A_330 = arith.constant 1.000000e+00 : f32
        %parallel_loop3A_331 = vector.broadcast %parallel_loop3A_330 : f32 to vector<16xf32>
        %parallel_loop3A_332 = arith.divf %parallel_loop3A_331, %parallel_loop3A_329 : vector<16xf32>
        %parallel_loop3A_333 = arith.constant -2.000000e+00 : f32
        %parallel_loop3A_334 = vector.broadcast %parallel_loop3A_333 : f32 to vector<16xf32>
        %parallel_loop3A_335 = arith.mulf %parallel_loop3A_334, %parallel_loop3A_322 : vector<16xf32>
        %parallel_loop3A_336 = math.exp %parallel_loop3A_335 : vector<16xf32>
        %parallel_loop3A_337 = arith.constant 1.000000e+00 : f32
        %parallel_loop3A_338 = vector.broadcast %parallel_loop3A_337 : f32 to vector<16xf32>
        %parallel_loop3A_339 = arith.addf %parallel_loop3A_338, %parallel_loop3A_336 : vector<16xf32>
        %parallel_loop3A_340 = arith.constant 2.000000e+00 : f32
        %parallel_loop3A_341 = vector.broadcast %parallel_loop3A_340 : f32 to vector<16xf32>
        %parallel_loop3A_342 = arith.divf %parallel_loop3A_341, %parallel_loop3A_339 : vector<16xf32>
        %parallel_loop3A_343 = arith.constant 1.000000e+00 : f32
        %parallel_loop3A_344 = vector.broadcast %parallel_loop3A_343 : f32 to vector<16xf32>
        %parallel_loop3A_345 = arith.subf %parallel_loop3A_342, %parallel_loop3A_344 : vector<16xf32>
        %parallel_loop3A_346 = arith.mulf %parallel_loop3A_332, %parallel_loop3A_345 : vector<16xf32>
        %parallel_loop3A_347 = arith.addi %mul3A_131, %parallel_loop3A_210 : i32
        %parallel_loop3A_348 = arith.index_cast %parallel_loop3A_347 : i32 to index
        %parallel_loop3A_349 = arith.index_cast %parallel_loop3A_214 : i32 to index
        %parallel_loop3A_350 = tpu.vector_load %arg14[%parallel_loop3A_348, %parallel_loop3A_349] {strides = array<i32>} : memref<128x128xf32, #tpu.memory_space<vmem>>, vector<1x16xf32>,
        %parallel_loop3A_351 = vector.shape_cast %parallel_loop3A_350 : vector<1x16xf32> to vector<16xf32>
        %parallel_loop3A_352 = vector.shape_cast %parallel_loop3A_346 : vector<16xf32> to vector<1x16xf32>
        tpu.vector_store %arg14[%parallel_loop3A_348, %parallel_loop3A_349], %parallel_loop3A_352 {strides = array<i32>} : memref<128x128xf32, #tpu.memory_space<vmem>>, vector<1x16xf32>,
      } {sc.loop_unroll_factor = 8 : i64, sc.parallel_access}
      %add3A_134 = arith.constant 2 : i32
      %add3A_135 = arith.addi %add3A_98, %add3A_134 : i32
      %lt3A_136 = arith.constant 1280 : i32
      %lt3A_137 = arith.cmpi slt, %add3A_135, %lt3A_136 : i32
      %convert_element_type3A_138 = arith.extui %lt3A_137 : i1 to i32
      %cond3A_139 = arith.constant 0 : i32
      %cond3A_140 = arith.cmpi ne, %convert_element_type3A_138, %cond3A_139 : i32
      scf.if %cond3A_140 {
        %add3A_208 = arith.constant 2 : i32
        %add3A_209 = arith.addi %add3A_98, %add3A_208 : i32
        %div3A_210 = arith.constant 128 : i32
        %div3A_211 = arith.divsi %add3A_209, %div3A_210 : i32
        %rem3A_212 = arith.constant 2 : i32
        %rem3A_213 = arith.remsi %div3A_211, %rem3A_212 : i32
        %div3A_214 = arith.constant 16 : i32
        %div3A_215 = arith.divsi %add3A_209, %div3A_214 : i32
        %rem3A_216 = arith.constant 8 : i32
        %rem3A_217 = arith.remsi %div3A_215, %rem3A_216 : i32
        %rem3A_218 = arith.constant 16 : i32
        %rem3A_219 = arith.remsi %add3A_209, %rem3A_218 : i32
        %mul3A_220 = arith.constant 8 : i32
        %mul3A_221 = arith.muli %rem3A_219, %mul3A_220 : i32
        %dma_start3A_222 = tpu.memref_slice %arg9[%rem3A_213, %rem3A_217, %mul3A_221] : memref<2x8x128xi32, #tpu.memory_space<vmem>> -> memref<1x1x8xi32, #tpu.memory_space<vmem>>
        %dma_start3A_223 = tpu.memref_squeeze %dma_start3A_222 : memref<1x1x8xi32, #tpu.memory_space<vmem>> -> memref<8xi32, #tpu.memory_space<vmem>>
        %dma_start3A_224 = arith.constant 0 : i32
        %dma_start3A_225 = arith.constant 0 : i32
        %dma_start3A_226 = tpu.memref_slice %arg4[%dma_start3A_224, %dma_start3A_225] : memref<10240x512xf32, #tpu.memory_space<hbm>> -> memref<10240x512xf32, #tpu.memory_space<hbm>>
        tpu.enqueue_indirect_dma source(%dma_start3A_226 : memref<10240x512xf32, #tpu.memory_space<hbm>>) target(%arg10 : memref<8x512xf32, #tpu.memory_space<vmem>>) offsets(%dma_start3A_223 : memref<8xi32, #tpu.memory_space<vmem>>) semaphore(%arg16 : memref<!tpu.dma_semaphore, #tpu.memory_space<semaphore_mem>>)
        %dma_start3A_227 = tpu.memref_slice %arg8[%rem3A_213, %rem3A_217, %mul3A_221] : memref<2x8x128xi32, #tpu.memory_space<vmem>> -> memref<1x1x8xi32, #tpu.memory_space<vmem>>
        %dma_start3A_228 = tpu.memref_squeeze %dma_start3A_227 : memref<1x1x8xi32, #tpu.memory_space<vmem>> -> memref<8xi32, #tpu.memory_space<vmem>>
        %dma_start3A_229 = arith.constant 0 : i32
        %dma_start3A_230 = arith.constant 0 : i32
        %dma_start3A_231 = tpu.memref_slice %arg5[%dma_start3A_229, %dma_start3A_230] : memref<10240x640xf32, #tpu.memory_space<hbm>> -> memref<10240x640xf32, #tpu.memory_space<hbm>>
        tpu.enqueue_indirect_dma source(%dma_start3A_231 : memref<10240x640xf32, #tpu.memory_space<hbm>>) target(%arg12 : memref<8x640xf32, #tpu.memory_space<vmem>>) offsets(%dma_start3A_228 : memref<8xi32, #tpu.memory_space<vmem>>) semaphore(%arg16 : memref<!tpu.dma_semaphore, #tpu.memory_space<semaphore_mem>>)
      } else {
      }
      %rem3A_141 = arith.constant 16 : i32
      %rem3A_142 = arith.remsi %add3A_98, %rem3A_141 : i32
      %eq3A_143 = arith.constant 15 : i32
      %eq3A_144 = arith.cmpi eq, %rem3A_142, %eq3A_143 : i32
      %convert_element_type3A_145 = arith.extui %eq3A_144 : i1 to i32
      %cond3A_146 = arith.constant 0 : i32
      %cond3A_147 = arith.cmpi ne, %convert_element_type3A_145, %cond3A_146 : i32
      scf.if %cond3A_147 {
        %div3A_208 = arith.constant 128 : i32
        %div3A_209 = arith.divsi %add3A_98, %div3A_208 : i32
        %rem3A_210 = arith.constant 2 : i32
        %rem3A_211 = arith.remsi %div3A_209, %rem3A_210 : i32
        %div3A_212 = arith.constant 16 : i32
        %div3A_213 = arith.divsi %add3A_98, %div3A_212 : i32
        %rem3A_214 = arith.constant 8 : i32
        %rem3A_215 = arith.remsi %div3A_213, %rem3A_214 : i32
        "tpu.region"() ({
          %run_scoped3A_216 = tpu.sem_alloc : memref<!tpu.dma_semaphore, #tpu.memory_space<semaphore_mem>>
          %dma_start3A_217 = arith.constant 0 : i32
          %dma_start3A_218 = tpu.memref_slice %arg9[%rem3A_211, %rem3A_215, %dma_start3A_217] : memref<2x8x128xi32, #tpu.memory_space<vmem>> -> memref<1x1x128xi32, #tpu.memory_space<vmem>>
          %dma_start3A_219 = tpu.memref_squeeze %dma_start3A_218 : memref<1x1x128xi32, #tpu.memory_space<vmem>> -> memref<128xi32, #tpu.memory_space<vmem>>
          %dma_start3A_220 = arith.constant 0 : i32
          %dma_start3A_221 = arith.constant 0 : i32
          %dma_start3A_222 = tpu.memref_slice %arg15[%dma_start3A_220, %dma_start3A_221] : memref<10240x128xf32, #tpu.memory_space<vmem_shared>> -> memref<10240x128xf32, #tpu.memory_space<vmem_shared>>
          tpu.enqueue_indirect_dma source(%arg14 : memref<128x128xf32, #tpu.memory_space<vmem>>) target(%dma_start3A_222 : memref<10240x128xf32, #tpu.memory_space<vmem_shared>>) offsets(%dma_start3A_219 : memref<128xi32, #tpu.memory_space<vmem>>) semaphore(%run_scoped3A_216 : memref<!tpu.dma_semaphore, #tpu.memory_space<semaphore_mem>>) {add = true}
          %dma_wait3A_223 = arith.constant 0 : i32
          %dma_wait3A_224 = tpu.memref_slice %arg9[%rem3A_211, %rem3A_215, %dma_wait3A_223] : memref<2x8x128xi32, #tpu.memory_space<vmem>> -> memref<1x1x128xi32, #tpu.memory_space<vmem>>
          %dma_wait3A_225 = tpu.memref_squeeze %dma_wait3A_224 : memref<1x1x128xi32, #tpu.memory_space<vmem>> -> memref<128xi32, #tpu.memory_space<vmem>>
          %dma_wait3A_226 = arith.constant 0 : i32
          %dma_wait3A_227 = arith.constant 0 : i32
          %dma_wait3A_228 = tpu.memref_slice %arg15[%dma_wait3A_226, %dma_wait3A_227] : memref<10240x128xf32, #tpu.memory_space<vmem_shared>> -> memref<10240x128xf32, #tpu.memory_space<vmem_shared>>
          tpu.wait_indirect_dma semaphore(%run_scoped3A_216 : memref<!tpu.dma_semaphore, #tpu.memory_space<semaphore_mem>>) src(%arg14 : memref<128x128xf32, #tpu.memory_space<vmem>>) dst(%dma_wait3A_228 : memref<10240x128xf32, #tpu.memory_space<vmem_shared>>)
          tpu.yield
        }) : () -> ()
      } else {
      }
      %mul3A_148 = arith.constant 2 : i32
      %mul3A_149 = arith.muli %mul3A_148, %scan3A_94 : i32
      %add3A_150 = arith.constant 1 : i32
      %add3A_151 = arith.addi %mul3A_149, %add3A_150 : i32
      %div3A_152 = arith.constant 128 : i32
      %div3A_153 = arith.divsi %add3A_151, %div3A_152 : i32
      %rem3A_154 = arith.constant 128 : i32
      %rem3A_155 = arith.remsi %add3A_151, %rem3A_154 : i32
      %eq3A_156 = arith.constant 0 : i32
      %eq3A_157 = arith.cmpi eq, %rem3A_155, %eq3A_156 : i32
      %convert_element_type3A_158 = arith.extui %eq3A_157 : i1 to i32
      %cond3A_159 = arith.constant 0 : i32
      %cond3A_160 = arith.cmpi ne, %convert_element_type3A_158, %cond3A_159 : i32
      scf.if %cond3A_160 {
        %ge3A = arith.constant 1 : i32
        %ge3A_208 = arith.cmpi sge, %div3A_153, %ge3A : i32
        %add3A_209 = arith.constant 1 : i32
        %add3A_210 = arith.addi %div3A_153, %add3A_209 : i32
        %lt3A_211 = arith.constant 10 : i32
        %lt3A_212 = arith.cmpi slt, %add3A_210, %lt3A_211 : i32
        %and3A_213 = arith.andi %ge3A_208, %lt3A_212 : i1
        %convert_element_type3A_214 = arith.extui %and3A_213 : i1 to i32
        %cond3A_215 = arith.constant 0 : i32
        %cond3A_216 = arith.cmpi ne, %convert_element_type3A_214, %cond3A_215 : i32
        scf.if %cond3A_216 {
          %add3A_217 = arith.constant 1 : i32
          %add3A_218 = arith.addi %div3A_153, %add3A_217 : i32
          %rem3A_219 = arith.constant 2 : i32
          %rem3A_220 = arith.remsi %add3A_218, %rem3A_219 : i32
          %mul3A_221 = arith.constant 8 : i32
          %mul3A_222 = arith.muli %add3A_218, %mul3A_221 : i32
          %add3A_223 = arith.addi %mul3A_4, %mul3A_222 : i32
          %multiple_of3A_224 = tpu.assume_multiple %add3A_223, 8 : i32
          %eq3A_225 = arith.constant 0 : i32
          %eq3A_226 = arith.cmpi eq, %rem3A_220, %eq3A_225 : i32
          %convert_element_type3A_227 = arith.extui %eq3A_226 : i1 to i32
          %cond3A_228 = arith.constant 0 : i32
          %cond3A_229 = arith.cmpi ne, %convert_element_type3A_227, %cond3A_228 : i32
          scf.if %cond3A_229 {
            %dma_start3A_235 = arith.constant 0 : i32
            %dma_start3A_236 = arith.constant 0 : i32
            %dma_start3A_237 = arith.constant 0 : i32
            %dma_start3A_238 = tpu.memref_slice %arg8[%dma_start3A_235, %dma_start3A_236, %dma_start3A_237] : memref<2x8x128xi32, #tpu.memory_space<vmem>> -> memref<1x8x128xi32, #tpu.memory_space<vmem>>
            %dma_start3A_239 = tpu.memref_squeeze %dma_start3A_238 : memref<1x8x128xi32, #tpu.memory_space<vmem>> -> memref<8x128xi32, #tpu.memory_space<vmem>>
            %dma_start3A_240 = arith.constant 0 : i32
            %dma_start3A_241 = tpu.memref_slice %arg2[%multiple_of3A_224, %dma_start3A_240] : memref<2560x128xi32, #tpu.memory_space<hbm>> -> memref<8x128xi32, #tpu.memory_space<hbm>>
            %dma_start3A_242 = arith.constant 0 : i32
            %dma_start3A_243 = arith.constant 0 : i32
            %dma_start3A_244 = tpu.memref_slice %arg8[%dma_start3A_235, %dma_start3A_242, %dma_start3A_243] : memref<2x8x128xi32, #tpu.memory_space<vmem>> -> memref<1x8x128xi32, #tpu.memory_space<vmem>>
            %dma_start3A_245 = tpu.memref_squeeze %dma_start3A_244 : memref<1x8x128xi32, #tpu.memory_space<vmem>> -> memref<8x128xi32, #tpu.memory_space<vmem>>
            %dma_start3A_246 = arith.constant 0 : i32
            %dma_start3A_247 = tpu.memref_slice %arg2[%multiple_of3A_224, %dma_start3A_246] : memref<2560x128xi32, #tpu.memory_space<hbm>> -> memref<8x128xi32, #tpu.memory_space<hbm>>
            tpu.enqueue_dma source(%dma_start3A_247 : memref<8x128xi32, #tpu.memory_space<hbm>>) target(%dma_start3A_245 : memref<8x128xi32, #tpu.memory_space<vmem>>) target_semaphore(%arg18 : memref<!tpu.dma_semaphore, #tpu.memory_space<semaphore_mem>>)
            %dma_start3A_248 = arith.constant 0 : i32
            %dma_start3A_249 = arith.constant 0 : i32
            %dma_start3A_250 = arith.constant 0 : i32
            %dma_start3A_251 = tpu.memref_slice %arg9[%dma_start3A_248, %dma_start3A_249, %dma_start3A_250] : memref<2x8x128xi32, #tpu.memory_space<vmem>> -> memref<1x8x128xi32, #tpu.memory_space<vmem>>
            %dma_start3A_252 = tpu.memref_squeeze %dma_start3A_251 : memref<1x8x128xi32, #tpu.memory_space<vmem>> -> memref<8x128xi32, #tpu.memory_space<vmem>>
            %dma_start3A_253 = arith.constant 0 : i32
            %dma_start3A_254 = tpu.memref_slice %arg3[%multiple_of3A_224, %dma_start3A_253] : memref<2560x128xi32, #tpu.memory_space<hbm>> -> memref<8x128xi32, #tpu.memory_space<hbm>>
            %dma_start3A_255 = arith.constant 0 : i32
            %dma_start3A_256 = arith.constant 0 : i32
            %dma_start3A_257 = tpu.memref_slice %arg9[%dma_start3A_248, %dma_start3A_255, %dma_start3A_256] : memref<2x8x128xi32, #tpu.memory_space<vmem>> -> memref<1x8x128xi32, #tpu.memory_space<vmem>>
            %dma_start3A_258 = tpu.memref_squeeze %dma_start3A_257 : memref<1x8x128xi32, #tpu.memory_space<vmem>> -> memref<8x128xi32, #tpu.memory_space<vmem>>
            %dma_start3A_259 = arith.constant 0 : i32
            %dma_start3A_260 = tpu.memref_slice %arg3[%multiple_of3A_224, %dma_start3A_259] : memref<2560x128xi32, #tpu.memory_space<hbm>> -> memref<8x128xi32, #tpu.memory_space<hbm>>
            tpu.enqueue_dma source(%dma_start3A_260 : memref<8x128xi32, #tpu.memory_space<hbm>>) target(%dma_start3A_258 : memref<8x128xi32, #tpu.memory_space<vmem>>) target_semaphore(%arg18 : memref<!tpu.dma_semaphore, #tpu.memory_space<semaphore_mem>>)
          } else {
          }
          %eq3A_230 = arith.constant 1 : i32
          %eq3A_231 = arith.cmpi eq, %rem3A_220, %eq3A_230 : i32
          %convert_element_type3A_232 = arith.extui %eq3A_231 : i1 to i32
          %cond3A_233 = arith.constant 0 : i32
          %cond3A_234 = arith.cmpi ne, %convert_element_type3A_232, %cond3A_233 : i32
          scf.if %cond3A_234 {
            %dma_start3A_235 = arith.constant 1 : i32
            %dma_start3A_236 = arith.constant 0 : i32
            %dma_start3A_237 = arith.constant 0 : i32
            %dma_start3A_238 = tpu.memref_slice %arg8[%dma_start3A_235, %dma_start3A_236, %dma_start3A_237] : memref<2x8x128xi32, #tpu.memory_space<vmem>> -> memref<1x8x128xi32, #tpu.memory_space<vmem>>
            %dma_start3A_239 = tpu.memref_squeeze %dma_start3A_238 : memref<1x8x128xi32, #tpu.memory_space<vmem>> -> memref<8x128xi32, #tpu.memory_space<vmem>>
            %dma_start3A_240 = arith.constant 0 : i32
            %dma_start3A_241 = tpu.memref_slice %arg2[%multiple_of3A_224, %dma_start3A_240] : memref<2560x128xi32, #tpu.memory_space<hbm>> -> memref<8x128xi32, #tpu.memory_space<hbm>>
            %dma_start3A_242 = arith.constant 0 : i32
            %dma_start3A_243 = arith.constant 0 : i32
            %dma_start3A_244 = tpu.memref_slice %arg8[%dma_start3A_235, %dma_start3A_242, %dma_start3A_243] : memref<2x8x128xi32, #tpu.memory_space<vmem>> -> memref<1x8x128xi32, #tpu.memory_space<vmem>>
            %dma_start3A_245 = tpu.memref_squeeze %dma_start3A_244 : memref<1x8x128xi32, #tpu.memory_space<vmem>> -> memref<8x128xi32, #tpu.memory_space<vmem>>
            %dma_start3A_246 = arith.constant 0 : i32
            %dma_start3A_247 = tpu.memref_slice %arg2[%multiple_of3A_224, %dma_start3A_246] : memref<2560x128xi32, #tpu.memory_space<hbm>> -> memref<8x128xi32, #tpu.memory_space<hbm>>
            tpu.enqueue_dma source(%dma_start3A_247 : memref<8x128xi32, #tpu.memory_space<hbm>>) target(%dma_start3A_245 : memref<8x128xi32, #tpu.memory_space<vmem>>) target_semaphore(%arg18 : memref<!tpu.dma_semaphore, #tpu.memory_space<semaphore_mem>>)
            %dma_start3A_248 = arith.constant 1 : i32
            %dma_start3A_249 = arith.constant 0 : i32
            %dma_start3A_250 = arith.constant 0 : i32
            %dma_start3A_251 = tpu.memref_slice %arg9[%dma_start3A_248, %dma_start3A_249, %dma_start3A_250] : memref<2x8x128xi32, #tpu.memory_space<vmem>> -> memref<1x8x128xi32, #tpu.memory_space<vmem>>
            %dma_start3A_252 = tpu.memref_squeeze %dma_start3A_251 : memref<1x8x128xi32, #tpu.memory_space<vmem>> -> memref<8x128xi32, #tpu.memory_space<vmem>>
            %dma_start3A_253 = arith.constant 0 : i32
            %dma_start3A_254 = tpu.memref_slice %arg3[%multiple_of3A_224, %dma_start3A_253] : memref<2560x128xi32, #tpu.memory_space<hbm>> -> memref<8x128xi32, #tpu.memory_space<hbm>>
            %dma_start3A_255 = arith.constant 0 : i32
            %dma_start3A_256 = arith.constant 0 : i32
            %dma_start3A_257 = tpu.memref_slice %arg9[%dma_start3A_248, %dma_start3A_255, %dma_start3A_256] : memref<2x8x128xi32, #tpu.memory_space<vmem>> -> memref<1x8x128xi32, #tpu.memory_space<vmem>>
            %dma_start3A_258 = tpu.memref_squeeze %dma_start3A_257 : memref<1x8x128xi32, #tpu.memory_space<vmem>> -> memref<8x128xi32, #tpu.memory_space<vmem>>
            %dma_start3A_259 = arith.constant 0 : i32
            %dma_start3A_260 = tpu.memref_slice %arg3[%multiple_of3A_224, %dma_start3A_259] : memref<2560x128xi32, #tpu.memory_space<hbm>> -> memref<8x128xi32, #tpu.memory_space<hbm>>
            tpu.enqueue_dma source(%dma_start3A_260 : memref<8x128xi32, #tpu.memory_space<hbm>>) target(%dma_start3A_258 : memref<8x128xi32, #tpu.memory_space<vmem>>) target_semaphore(%arg18 : memref<!tpu.dma_semaphore, #tpu.memory_space<semaphore_mem>>)
          } else {
          }
        } else {
        }
      } else {
      }
      %rem3A_161 = arith.constant 128 : i32
      %rem3A_162 = arith.remsi %add3A_151, %rem3A_161 : i32
      %eq3A_163 = arith.constant 112 : i32
      %eq3A_164 = arith.cmpi eq, %rem3A_162, %eq3A_163 : i32
      %lt3A_165 = arith.constant 9 : i32
      %lt3A_166 = arith.cmpi slt, %div3A_153, %lt3A_165 : i32
      %and3A_167 = arith.andi %eq3A_164, %lt3A_166 : i1
      %convert_element_type3A_168 = arith.extui %and3A_167 : i1 to i32
      %cond3A_169 = arith.constant 0 : i32
      %cond3A_170 = arith.cmpi ne, %convert_element_type3A_168, %cond3A_169 : i32
      scf.if %cond3A_170 {
        %multiple_of3A_208 = tpu.assume_multiple %mul3A_4, 8 : i32
        %dma_wait3A_209 = arith.constant 0 : i32
        %dma_wait3A_210 = arith.constant 0 : i32
        %dma_wait3A_211 = arith.constant 0 : i32
        %dma_wait3A_212 = tpu.memref_slice %arg8[%dma_wait3A_209, %dma_wait3A_210, %dma_wait3A_211] : memref<2x8x128xi32, #tpu.memory_space<vmem>> -> memref<1x8x128xi32, #tpu.memory_space<vmem>>
        %dma_wait3A_213 = tpu.memref_squeeze %dma_wait3A_212 : memref<1x8x128xi32, #tpu.memory_space<vmem>> -> memref<8x128xi32, #tpu.memory_space<vmem>>
        %dma_wait3A_214 = arith.constant 0 : i32
        %dma_wait3A_215 = tpu.memref_slice %arg2[%multiple_of3A_208, %dma_wait3A_214] : memref<2560x128xi32, #tpu.memory_space<hbm>> -> memref<8x128xi32, #tpu.memory_space<hbm>>
        %dma_wait3A_216 = arith.constant 0 : i32
        %dma_wait3A_217 = arith.constant 0 : i32
        %dma_wait3A_218 = tpu.memref_slice %arg8[%dma_wait3A_209, %dma_wait3A_216, %dma_wait3A_217] : memref<2x8x128xi32, #tpu.memory_space<vmem>> -> memref<1x8x128xi32, #tpu.memory_space<vmem>>
        %dma_wait3A_219 = tpu.memref_squeeze %dma_wait3A_218 : memref<1x8x128xi32, #tpu.memory_space<vmem>> -> memref<8x128xi32, #tpu.memory_space<vmem>>
        %dma_wait3A_220 = arith.constant 0 : i32
        %dma_wait3A_221 = tpu.memref_slice %arg2[%multiple_of3A_208, %dma_wait3A_220] : memref<2560x128xi32, #tpu.memory_space<hbm>> -> memref<8x128xi32, #tpu.memory_space<hbm>>
        tpu.wait_dma2 semaphore(%arg18 : memref<!tpu.dma_semaphore, #tpu.memory_space<semaphore_mem>>) src(%dma_wait3A_221 : memref<8x128xi32, #tpu.memory_space<hbm>>) dst(%dma_wait3A_219 : memref<8x128xi32, #tpu.memory_space<vmem>>)
        %multiple_of3A_222 = tpu.assume_multiple %mul3A_4, 8 : i32
        %dma_wait3A_223 = arith.constant 0 : i32
        %dma_wait3A_224 = arith.constant 0 : i32
        %dma_wait3A_225 = arith.constant 0 : i32
        %dma_wait3A_226 = tpu.memref_slice %arg9[%dma_wait3A_223, %dma_wait3A_224, %dma_wait3A_225] : memref<2x8x128xi32, #tpu.memory_space<vmem>> -> memref<1x8x128xi32, #tpu.memory_space<vmem>>
        %dma_wait3A_227 = tpu.memref_squeeze %dma_wait3A_226 : memref<1x8x128xi32, #tpu.memory_space<vmem>> -> memref<8x128xi32, #tpu.memory_space<vmem>>
        %dma_wait3A_228 = arith.constant 0 : i32
        %dma_wait3A_229 = tpu.memref_slice %arg3[%multiple_of3A_222, %dma_wait3A_228] : memref<2560x128xi32, #tpu.memory_space<hbm>> -> memref<8x128xi32, #tpu.memory_space<hbm>>
        %dma_wait3A_230 = arith.constant 0 : i32
        %dma_wait3A_231 = arith.constant 0 : i32
        %dma_wait3A_232 = tpu.memref_slice %arg9[%dma_wait3A_223, %dma_wait3A_230, %dma_wait3A_231] : memref<2x8x128xi32, #tpu.memory_space<vmem>> -> memref<1x8x128xi32, #tpu.memory_space<vmem>>
        %dma_wait3A_233 = tpu.memref_squeeze %dma_wait3A_232 : memref<1x8x128xi32, #tpu.memory_space<vmem>> -> memref<8x128xi32, #tpu.memory_space<vmem>>
        %dma_wait3A_234 = arith.constant 0 : i32
        %dma_wait3A_235 = tpu.memref_slice %arg3[%multiple_of3A_222, %dma_wait3A_234] : memref<2560x128xi32, #tpu.memory_space<hbm>> -> memref<8x128xi32, #tpu.memory_space<hbm>>
        tpu.wait_dma2 semaphore(%arg18 : memref<!tpu.dma_semaphore, #tpu.memory_space<semaphore_mem>>) src(%dma_wait3A_235 : memref<8x128xi32, #tpu.memory_space<hbm>>) dst(%dma_wait3A_233 : memref<8x128xi32, #tpu.memory_space<vmem>>)
      } else {
      }
      %dma_wait3A_171 = arith.constant 0 : i32
      %dma_wait3A_172 = arith.constant 0 : i32
      %dma_wait3A_173 = arith.constant 0 : i32
      %dma_wait3A_174 = tpu.memref_slice %arg9[%dma_wait3A_171, %dma_wait3A_172, %dma_wait3A_173] : memref<2x8x128xi32, #tpu.memory_space<vmem>> -> memref<1x1x8xi32, #tpu.memory_space<vmem>>
      %dma_wait3A_175 = tpu.memref_squeeze %dma_wait3A_174 : memref<1x1x8xi32, #tpu.memory_space<vmem>> -> memref<8xi32, #tpu.memory_space<vmem>>
      %dma_wait3A_176 = arith.constant 0 : i32
      %dma_wait3A_177 = arith.constant 0 : i32
      %dma_wait3A_178 = tpu.memref_slice %arg4[%dma_wait3A_176, %dma_wait3A_177] : memref<10240x512xf32, #tpu.memory_space<hbm>> -> memref<10240x512xf32, #tpu.memory_space<hbm>>
      tpu.wait_indirect_dma semaphore(%arg17 : memref<!tpu.dma_semaphore, #tpu.memory_space<semaphore_mem>>) src(%dma_wait3A_178 : memref<10240x512xf32, #tpu.memory_space<hbm>>) dst(%arg11 : memref<8x512xf32, #tpu.memory_space<vmem>>)
      %dma_wait3A_179 = arith.constant 0 : i32
      %dma_wait3A_180 = arith.constant 0 : i32
      %dma_wait3A_181 = arith.constant 0 : i32
      %dma_wait3A_182 = tpu.memref_slice %arg8[%dma_wait3A_179, %dma_wait3A_180, %dma_wait3A_181] : memref<2x8x128xi32, #tpu.memory_space<vmem>> -> memref<1x1x8xi32, #tpu.memory_space<vmem>>
      %dma_wait3A_183 = tpu.memref_squeeze %dma_wait3A_182 : memref<1x1x8xi32, #tpu.memory_space<vmem>> -> memref<8xi32, #tpu.memory_space<vmem>>
      %dma_wait3A_184 = arith.constant 0 : i32
      %dma_wait3A_185 = arith.constant 0 : i32
      %dma_wait3A_186 = tpu.memref_slice %arg5[%dma_wait3A_184, %dma_wait3A_185] : memref<10240x640xf32, #tpu.memory_space<hbm>> -> memref<10240x640xf32, #tpu.memory_space<hbm>>
      tpu.wait_indirect_dma semaphore(%arg17 : memref<!tpu.dma_semaphore, #tpu.memory_space<semaphore_mem>>) src(%dma_wait3A_186 : memref<10240x640xf32, #tpu.memory_space<hbm>>) dst(%arg13 : memref<8x640xf32, #tpu.memory_space<vmem>>)
      %rem3A_187 = arith.constant 16 : i32
      %rem3A_188 = arith.remsi %add3A_151, %rem3A_187 : i32
      %mul3A_189 = arith.constant 8 : i32
      %mul3A_190 = arith.muli %rem3A_188, %mul3A_189 : i32
      %parallel_loop3A_191 = arith.constant 0 : i32
      %parallel_loop3A_192 = arith.constant 64 : i32
      %parallel_loop3A_193 = arith.constant 1 : i32
      scf.for %parallel_loop3A_208 = %parallel_loop3A_191 to %parallel_loop3A_192 step %parallel_loop3A_193  : i32 {
        %parallel_loop3A_209 = arith.constant 8 : i32
        %parallel_loop3A_210 = arith.divsi %parallel_loop3A_208, %parallel_loop3A_209 : i32
        %parallel_loop3A_211 = arith.constant 8 : i32
        %parallel_loop3A_212 = arith.remsi %parallel_loop3A_208, %parallel_loop3A_211 : i32
        %parallel_loop3A_213 = arith.constant 16 : i32
        %parallel_loop3A_214 = arith.muli %parallel_loop3A_212, %parallel_loop3A_213 : i32
        %parallel_loop3A_215 = arith.constant 16 : i32
        %parallel_loop3A_216 = arith.muli %parallel_loop3A_212, %parallel_loop3A_215 : i32
        %parallel_loop3A_217 = arith.index_cast %parallel_loop3A_210 : i32 to index
        %parallel_loop3A_218 = arith.index_cast %parallel_loop3A_216 : i32 to index
        %parallel_loop3A_219 = tpu.vector_load %arg11[%parallel_loop3A_217, %parallel_loop3A_218] {strides = array<i32>} : memref<8x512xf32, #tpu.memory_space<vmem>>, vector<1x16xf32>,
        %parallel_loop3A_220 = vector.shape_cast %parallel_loop3A_219 : vector<1x16xf32> to vector<16xf32>
        %parallel_loop3A_221 = arith.constant 16 : i32
        %parallel_loop3A_222 = arith.muli %parallel_loop3A_212, %parallel_loop3A_221 : i32
        %parallel_loop3A_223 = arith.index_cast %parallel_loop3A_210 : i32 to index
        %parallel_loop3A_224 = arith.index_cast %parallel_loop3A_222 : i32 to index
        %parallel_loop3A_225 = tpu.vector_load %arg13[%parallel_loop3A_223, %parallel_loop3A_224] {strides = array<i32>} : memref<8x640xf32, #tpu.memory_space<vmem>>, vector<1x16xf32>,
        %parallel_loop3A_226 = vector.shape_cast %parallel_loop3A_225 : vector<1x16xf32> to vector<16xf32>
        %parallel_loop3A_227 = arith.addf %parallel_loop3A_220, %parallel_loop3A_226 : vector<16xf32>
        %parallel_loop3A_228 = arith.constant 16 : i32
        %parallel_loop3A_229 = arith.muli %parallel_loop3A_212, %parallel_loop3A_228 : i32
        %parallel_loop3A_230 = arith.constant 128 : i32
        %parallel_loop3A_231 = arith.addi %parallel_loop3A_230, %parallel_loop3A_229 : i32
        %parallel_loop3A_232 = arith.index_cast %parallel_loop3A_210 : i32 to index
        %parallel_loop3A_233 = arith.index_cast %parallel_loop3A_231 : i32 to index
        %parallel_loop3A_234 = tpu.vector_load %arg11[%parallel_loop3A_232, %parallel_loop3A_233] {strides = array<i32>} : memref<8x512xf32, #tpu.memory_space<vmem>>, vector<1x16xf32>,
        %parallel_loop3A_235 = vector.shape_cast %parallel_loop3A_234 : vector<1x16xf32> to vector<16xf32>
        %parallel_loop3A_236 = arith.constant 16 : i32
        %parallel_loop3A_237 = arith.muli %parallel_loop3A_212, %parallel_loop3A_236 : i32
        %parallel_loop3A_238 = arith.constant 128 : i32
        %parallel_loop3A_239 = arith.addi %parallel_loop3A_238, %parallel_loop3A_237 : i32
        %parallel_loop3A_240 = arith.index_cast %parallel_loop3A_210 : i32 to index
        %parallel_loop3A_241 = arith.index_cast %parallel_loop3A_239 : i32 to index
        %parallel_loop3A_242 = tpu.vector_load %arg13[%parallel_loop3A_240, %parallel_loop3A_241] {strides = array<i32>} : memref<8x640xf32, #tpu.memory_space<vmem>>, vector<1x16xf32>,
        %parallel_loop3A_243 = vector.shape_cast %parallel_loop3A_242 : vector<1x16xf32> to vector<16xf32>
        %parallel_loop3A_244 = arith.addf %parallel_loop3A_235, %parallel_loop3A_243 : vector<16xf32>
        %parallel_loop3A_245 = arith.constant 16 : i32
        %parallel_loop3A_246 = arith.muli %parallel_loop3A_212, %parallel_loop3A_245 : i32
        %parallel_loop3A_247 = arith.constant 256 : i32
        %parallel_loop3A_248 = arith.addi %parallel_loop3A_247, %parallel_loop3A_246 : i32
        %parallel_loop3A_249 = arith.index_cast %parallel_loop3A_210 : i32 to index
        %parallel_loop3A_250 = arith.index_cast %parallel_loop3A_248 : i32 to index
        %parallel_loop3A_251 = tpu.vector_load %arg11[%parallel_loop3A_249, %parallel_loop3A_250] {strides = array<i32>} : memref<8x512xf32, #tpu.memory_space<vmem>>, vector<1x16xf32>,
        %parallel_loop3A_252 = vector.shape_cast %parallel_loop3A_251 : vector<1x16xf32> to vector<16xf32>
        %parallel_loop3A_253 = arith.constant 16 : i32
        %parallel_loop3A_254 = arith.muli %parallel_loop3A_212, %parallel_loop3A_253 : i32
        %parallel_loop3A_255 = arith.constant 256 : i32
        %parallel_loop3A_256 = arith.addi %parallel_loop3A_255, %parallel_loop3A_254 : i32
        %parallel_loop3A_257 = arith.index_cast %parallel_loop3A_210 : i32 to index
        %parallel_loop3A_258 = arith.index_cast %parallel_loop3A_256 : i32 to index
        %parallel_loop3A_259 = tpu.vector_load %arg13[%parallel_loop3A_257, %parallel_loop3A_258] {strides = array<i32>} : memref<8x640xf32, #tpu.memory_space<vmem>>, vector<1x16xf32>,
        %parallel_loop3A_260 = vector.shape_cast %parallel_loop3A_259 : vector<1x16xf32> to vector<16xf32>
        %parallel_loop3A_261 = arith.addf %parallel_loop3A_252, %parallel_loop3A_260 : vector<16xf32>
        %parallel_loop3A_262 = arith.constant 16 : i32
        %parallel_loop3A_263 = arith.muli %parallel_loop3A_212, %parallel_loop3A_262 : i32
        %parallel_loop3A_264 = arith.constant 384 : i32
        %parallel_loop3A_265 = arith.addi %parallel_loop3A_264, %parallel_loop3A_263 : i32
        %parallel_loop3A_266 = arith.index_cast %parallel_loop3A_210 : i32 to index
        %parallel_loop3A_267 = arith.index_cast %parallel_loop3A_265 : i32 to index
        %parallel_loop3A_268 = tpu.vector_load %arg11[%parallel_loop3A_266, %parallel_loop3A_267] {strides = array<i32>} : memref<8x512xf32, #tpu.memory_space<vmem>>, vector<1x16xf32>,
        %parallel_loop3A_269 = vector.shape_cast %parallel_loop3A_268 : vector<1x16xf32> to vector<16xf32>
        %parallel_loop3A_270 = arith.constant 16 : i32
        %parallel_loop3A_271 = arith.muli %parallel_loop3A_212, %parallel_loop3A_270 : i32
        %parallel_loop3A_272 = arith.constant 384 : i32
        %parallel_loop3A_273 = arith.addi %parallel_loop3A_272, %parallel_loop3A_271 : i32
        %parallel_loop3A_274 = arith.index_cast %parallel_loop3A_210 : i32 to index
        %parallel_loop3A_275 = arith.index_cast %parallel_loop3A_273 : i32 to index
        %parallel_loop3A_276 = tpu.vector_load %arg13[%parallel_loop3A_274, %parallel_loop3A_275] {strides = array<i32>} : memref<8x640xf32, #tpu.memory_space<vmem>>, vector<1x16xf32>,
        %parallel_loop3A_277 = vector.shape_cast %parallel_loop3A_276 : vector<1x16xf32> to vector<16xf32>
        %parallel_loop3A_278 = arith.addf %parallel_loop3A_269, %parallel_loop3A_277 : vector<16xf32>
        %parallel_loop3A_279 = arith.constant 16 : i32
        %parallel_loop3A_280 = arith.muli %parallel_loop3A_212, %parallel_loop3A_279 : i32
        %parallel_loop3A_281 = arith.constant 512 : i32
        %parallel_loop3A_282 = arith.addi %parallel_loop3A_281, %parallel_loop3A_280 : i32
        %parallel_loop3A_283 = arith.index_cast %parallel_loop3A_210 : i32 to index
        %parallel_loop3A_284 = arith.index_cast %parallel_loop3A_282 : i32 to index
        %parallel_loop3A_285 = tpu.vector_load %arg13[%parallel_loop3A_283, %parallel_loop3A_284] {strides = array<i32>} : memref<8x640xf32, #tpu.memory_space<vmem>>, vector<1x16xf32>,
        %parallel_loop3A_286 = vector.shape_cast %parallel_loop3A_285 : vector<1x16xf32> to vector<16xf32>
        %parallel_loop3A_287 = arith.constant 0.000000e+00 : f32
        %parallel_loop3A_288 = vector.broadcast %parallel_loop3A_287 : f32 to vector<16xf32>
        %parallel_loop3A_289 = arith.subf %parallel_loop3A_288, %parallel_loop3A_244 : vector<16xf32>
        %parallel_loop3A_290 = math.exp %parallel_loop3A_289 : vector<16xf32>
        %parallel_loop3A_291 = arith.constant 1.000000e+00 : f32
        %parallel_loop3A_292 = vector.broadcast %parallel_loop3A_291 : f32 to vector<16xf32>
        %parallel_loop3A_293 = arith.addf %parallel_loop3A_292, %parallel_loop3A_290 : vector<16xf32>
        %parallel_loop3A_294 = arith.constant 1.000000e+00 : f32
        %parallel_loop3A_295 = vector.broadcast %parallel_loop3A_294 : f32 to vector<16xf32>
        %parallel_loop3A_296 = arith.divf %parallel_loop3A_295, %parallel_loop3A_293 : vector<16xf32>
        %parallel_loop3A_297 = arith.mulf %parallel_loop3A_296, %parallel_loop3A_286 : vector<16xf32>
        %parallel_loop3A_298 = arith.constant 0.000000e+00 : f32
        %parallel_loop3A_299 = vector.broadcast %parallel_loop3A_298 : f32 to vector<16xf32>
        %parallel_loop3A_300 = arith.subf %parallel_loop3A_299, %parallel_loop3A_227 : vector<16xf32>
        %parallel_loop3A_301 = math.exp %parallel_loop3A_300 : vector<16xf32>
        %parallel_loop3A_302 = arith.constant 1.000000e+00 : f32
        %parallel_loop3A_303 = vector.broadcast %parallel_loop3A_302 : f32 to vector<16xf32>
        %parallel_loop3A_304 = arith.addf %parallel_loop3A_303, %parallel_loop3A_301 : vector<16xf32>
        %parallel_loop3A_305 = arith.constant 1.000000e+00 : f32
        %parallel_loop3A_306 = vector.broadcast %parallel_loop3A_305 : f32 to vector<16xf32>
        %parallel_loop3A_307 = arith.divf %parallel_loop3A_306, %parallel_loop3A_304 : vector<16xf32>
        %parallel_loop3A_308 = arith.constant -2.000000e+00 : f32
        %parallel_loop3A_309 = vector.broadcast %parallel_loop3A_308 : f32 to vector<16xf32>
        %parallel_loop3A_310 = arith.mulf %parallel_loop3A_309, %parallel_loop3A_261 : vector<16xf32>
        %parallel_loop3A_311 = math.exp %parallel_loop3A_310 : vector<16xf32>
        %parallel_loop3A_312 = arith.constant 1.000000e+00 : f32
        %parallel_loop3A_313 = vector.broadcast %parallel_loop3A_312 : f32 to vector<16xf32>
        %parallel_loop3A_314 = arith.addf %parallel_loop3A_313, %parallel_loop3A_311 : vector<16xf32>
        %parallel_loop3A_315 = arith.constant 2.000000e+00 : f32
        %parallel_loop3A_316 = vector.broadcast %parallel_loop3A_315 : f32 to vector<16xf32>
        %parallel_loop3A_317 = arith.divf %parallel_loop3A_316, %parallel_loop3A_314 : vector<16xf32>
        %parallel_loop3A_318 = arith.constant 1.000000e+00 : f32
        %parallel_loop3A_319 = vector.broadcast %parallel_loop3A_318 : f32 to vector<16xf32>
        %parallel_loop3A_320 = arith.subf %parallel_loop3A_317, %parallel_loop3A_319 : vector<16xf32>
        %parallel_loop3A_321 = arith.mulf %parallel_loop3A_307, %parallel_loop3A_320 : vector<16xf32>
        %parallel_loop3A_322 = arith.addf %parallel_loop3A_297, %parallel_loop3A_321 : vector<16xf32>
        %parallel_loop3A_323 = arith.constant 0.000000e+00 : f32
        %parallel_loop3A_324 = vector.broadcast %parallel_loop3A_323 : f32 to vector<16xf32>
        %parallel_loop3A_325 = arith.subf %parallel_loop3A_324, %parallel_loop3A_278 : vector<16xf32>
        %parallel_loop3A_326 = math.exp %parallel_loop3A_325 : vector<16xf32>
        %parallel_loop3A_327 = arith.constant 1.000000e+00 : f32
        %parallel_loop3A_328 = vector.broadcast %parallel_loop3A_327 : f32 to vector<16xf32>
        %parallel_loop3A_329 = arith.addf %parallel_loop3A_328, %parallel_loop3A_326 : vector<16xf32>
        %parallel_loop3A_330 = arith.constant 1.000000e+00 : f32
        %parallel_loop3A_331 = vector.broadcast %parallel_loop3A_330 : f32 to vector<16xf32>
        %parallel_loop3A_332 = arith.divf %parallel_loop3A_331, %parallel_loop3A_329 : vector<16xf32>
        %parallel_loop3A_333 = arith.constant -2.000000e+00 : f32
        %parallel_loop3A_334 = vector.broadcast %parallel_loop3A_333 : f32 to vector<16xf32>
        %parallel_loop3A_335 = arith.mulf %parallel_loop3A_334, %parallel_loop3A_322 : vector<16xf32>
        %parallel_loop3A_336 = math.exp %parallel_loop3A_335 : vector<16xf32>
        %parallel_loop3A_337 = arith.constant 1.000000e+00 : f32
        %parallel_loop3A_338 = vector.broadcast %parallel_loop3A_337 : f32 to vector<16xf32>
        %parallel_loop3A_339 = arith.addf %parallel_loop3A_338, %parallel_loop3A_336 : vector<16xf32>
        %parallel_loop3A_340 = arith.constant 2.000000e+00 : f32
        %parallel_loop3A_341 = vector.broadcast %parallel_loop3A_340 : f32 to vector<16xf32>
        %parallel_loop3A_342 = arith.divf %parallel_loop3A_341, %parallel_loop3A_339 : vector<16xf32>
        %parallel_loop3A_343 = arith.constant 1.000000e+00 : f32
        %parallel_loop3A_344 = vector.broadcast %parallel_loop3A_343 : f32 to vector<16xf32>
        %parallel_loop3A_345 = arith.subf %parallel_loop3A_342, %parallel_loop3A_344 : vector<16xf32>
        %parallel_loop3A_346 = arith.mulf %parallel_loop3A_332, %parallel_loop3A_345 : vector<16xf32>
        %parallel_loop3A_347 = arith.addi %mul3A_190, %parallel_loop3A_210 : i32
        %parallel_loop3A_348 = arith.index_cast %parallel_loop3A_347 : i32 to index
        %parallel_loop3A_349 = arith.index_cast %parallel_loop3A_214 : i32 to index
        %parallel_loop3A_350 = tpu.vector_load %arg14[%parallel_loop3A_348, %parallel_loop3A_349] {strides = array<i32>} : memref<128x128xf32, #tpu.memory_space<vmem>>, vector<1x16xf32>,
        %parallel_loop3A_351 = vector.shape_cast %parallel_loop3A_350 : vector<1x16xf32> to vector<16xf32>
        %parallel_loop3A_352 = vector.shape_cast %parallel_loop3A_346 : vector<16xf32> to vector<1x16xf32>
        tpu.vector_store %arg14[%parallel_loop3A_348, %parallel_loop3A_349], %parallel_loop3A_352 {strides = array<i32>} : memref<128x128xf32, #tpu.memory_space<vmem>>, vector<1x16xf32>,
      } {sc.loop_unroll_factor = 8 : i64, sc.parallel_access}
      %add3A_194 = arith.constant 2 : i32
      %add3A_195 = arith.addi %add3A_151, %add3A_194 : i32
      %lt3A_196 = arith.constant 1280 : i32
      %lt3A_197 = arith.cmpi slt, %add3A_195, %lt3A_196 : i32
      %convert_element_type3A_198 = arith.extui %lt3A_197 : i1 to i32
      %cond3A_199 = arith.constant 0 : i32
      %cond3A_200 = arith.cmpi ne, %convert_element_type3A_198, %cond3A_199 : i32
      scf.if %cond3A_200 {
        %add3A_208 = arith.constant 2 : i32
        %add3A_209 = arith.addi %add3A_151, %add3A_208 : i32
        %div3A_210 = arith.constant 128 : i32
        %div3A_211 = arith.divsi %add3A_209, %div3A_210 : i32
        %rem3A_212 = arith.constant 2 : i32
        %rem3A_213 = arith.remsi %div3A_211, %rem3A_212 : i32
        %div3A_214 = arith.constant 16 : i32
        %div3A_215 = arith.divsi %add3A_209, %div3A_214 : i32
        %rem3A_216 = arith.constant 8 : i32
        %rem3A_217 = arith.remsi %div3A_215, %rem3A_216 : i32
        %rem3A_218 = arith.constant 16 : i32
        %rem3A_219 = arith.remsi %add3A_209, %rem3A_218 : i32
        %mul3A_220 = arith.constant 8 : i32
        %mul3A_221 = arith.muli %rem3A_219, %mul3A_220 : i32
        %dma_start3A_222 = tpu.memref_slice %arg9[%rem3A_213, %rem3A_217, %mul3A_221] : memref<2x8x128xi32, #tpu.memory_space<vmem>> -> memref<1x1x8xi32, #tpu.memory_space<vmem>>
        %dma_start3A_223 = tpu.memref_squeeze %dma_start3A_222 : memref<1x1x8xi32, #tpu.memory_space<vmem>> -> memref<8xi32, #tpu.memory_space<vmem>>
        %dma_start3A_224 = arith.constant 0 : i32
        %dma_start3A_225 = arith.constant 0 : i32
        %dma_start3A_226 = tpu.memref_slice %arg4[%dma_start3A_224, %dma_start3A_225] : memref<10240x512xf32, #tpu.memory_space<hbm>> -> memref<10240x512xf32, #tpu.memory_space<hbm>>
        tpu.enqueue_indirect_dma source(%dma_start3A_226 : memref<10240x512xf32, #tpu.memory_space<hbm>>) target(%arg11 : memref<8x512xf32, #tpu.memory_space<vmem>>) offsets(%dma_start3A_223 : memref<8xi32, #tpu.memory_space<vmem>>) semaphore(%arg17 : memref<!tpu.dma_semaphore, #tpu.memory_space<semaphore_mem>>)
        %dma_start3A_227 = tpu.memref_slice %arg8[%rem3A_213, %rem3A_217, %mul3A_221] : memref<2x8x128xi32, #tpu.memory_space<vmem>> -> memref<1x1x8xi32, #tpu.memory_space<vmem>>
        %dma_start3A_228 = tpu.memref_squeeze %dma_start3A_227 : memref<1x1x8xi32, #tpu.memory_space<vmem>> -> memref<8xi32, #tpu.memory_space<vmem>>
        %dma_start3A_229 = arith.constant 0 : i32
        %dma_start3A_230 = arith.constant 0 : i32
        %dma_start3A_231 = tpu.memref_slice %arg5[%dma_start3A_229, %dma_start3A_230] : memref<10240x640xf32, #tpu.memory_space<hbm>> -> memref<10240x640xf32, #tpu.memory_space<hbm>>
        tpu.enqueue_indirect_dma source(%dma_start3A_231 : memref<10240x640xf32, #tpu.memory_space<hbm>>) target(%arg13 : memref<8x640xf32, #tpu.memory_space<vmem>>) offsets(%dma_start3A_228 : memref<8xi32, #tpu.memory_space<vmem>>) semaphore(%arg17 : memref<!tpu.dma_semaphore, #tpu.memory_space<semaphore_mem>>)
      } else {
      }
      %rem3A_201 = arith.constant 16 : i32
      %rem3A_202 = arith.remsi %add3A_151, %rem3A_201 : i32
      %eq3A_203 = arith.constant 15 : i32
      %eq3A_204 = arith.cmpi eq, %rem3A_202, %eq3A_203 : i32
      %convert_element_type3A_205 = arith.extui %eq3A_204 : i1 to i32
      %cond3A_206 = arith.constant 0 : i32
      %cond3A_207 = arith.cmpi ne, %convert_element_type3A_205, %cond3A_206 : i32
      scf.if %cond3A_207 {
        %div3A_208 = arith.constant 128 : i32
        %div3A_209 = arith.divsi %add3A_151, %div3A_208 : i32
        %rem3A_210 = arith.constant 2 : i32
        %rem3A_211 = arith.remsi %div3A_209, %rem3A_210 : i32
        %div3A_212 = arith.constant 16 : i32
        %div3A_213 = arith.divsi %add3A_151, %div3A_212 : i32
        %rem3A_214 = arith.constant 8 : i32
        %rem3A_215 = arith.remsi %div3A_213, %rem3A_214 : i32
        "tpu.region"() ({
          %run_scoped3A_216 = tpu.sem_alloc : memref<!tpu.dma_semaphore, #tpu.memory_space<semaphore_mem>>
          %dma_start3A_217 = arith.constant 0 : i32
          %dma_start3A_218 = tpu.memref_slice %arg9[%rem3A_211, %rem3A_215, %dma_start3A_217] : memref<2x8x128xi32, #tpu.memory_space<vmem>> -> memref<1x1x128xi32, #tpu.memory_space<vmem>>
          %dma_start3A_219 = tpu.memref_squeeze %dma_start3A_218 : memref<1x1x128xi32, #tpu.memory_space<vmem>> -> memref<128xi32, #tpu.memory_space<vmem>>
          %dma_start3A_220 = arith.constant 0 : i32
          %dma_start3A_221 = arith.constant 0 : i32
          %dma_start3A_222 = tpu.memref_slice %arg15[%dma_start3A_220, %dma_start3A_221] : memref<10240x128xf32, #tpu.memory_space<vmem_shared>> -> memref<10240x128xf32, #tpu.memory_space<vmem_shared>>
          tpu.enqueue_indirect_dma source(%arg14 : memref<128x128xf32, #tpu.memory_space<vmem>>) target(%dma_start3A_222 : memref<10240x128xf32, #tpu.memory_space<vmem_shared>>) offsets(%dma_start3A_219 : memref<128xi32, #tpu.memory_space<vmem>>) semaphore(%run_scoped3A_216 : memref<!tpu.dma_semaphore, #tpu.memory_space<semaphore_mem>>) {add = true}
          %dma_wait3A_223 = arith.constant 0 : i32
          %dma_wait3A_224 = tpu.memref_slice %arg9[%rem3A_211, %rem3A_215, %dma_wait3A_223] : memref<2x8x128xi32, #tpu.memory_space<vmem>> -> memref<1x1x128xi32, #tpu.memory_space<vmem>>
          %dma_wait3A_225 = tpu.memref_squeeze %dma_wait3A_224 : memref<1x1x128xi32, #tpu.memory_space<vmem>> -> memref<128xi32, #tpu.memory_space<vmem>>
          %dma_wait3A_226 = arith.constant 0 : i32
          %dma_wait3A_227 = arith.constant 0 : i32
          %dma_wait3A_228 = tpu.memref_slice %arg15[%dma_wait3A_226, %dma_wait3A_227] : memref<10240x128xf32, #tpu.memory_space<vmem_shared>> -> memref<10240x128xf32, #tpu.memory_space<vmem_shared>>
          tpu.wait_indirect_dma semaphore(%run_scoped3A_216 : memref<!tpu.dma_semaphore, #tpu.memory_space<semaphore_mem>>) src(%arg14 : memref<128x128xf32, #tpu.memory_space<vmem>>) dst(%dma_wait3A_228 : memref<10240x128xf32, #tpu.memory_space<vmem_shared>>)
          tpu.yield
        }) : () -> ()
      } else {
      }
    }
    %scan3A_88 = arith.constant 640 : i32
    %barrier3A_89 = arith.constant 0 : index
    tpu.barrier barrier_id(%barrier3A_89)
    %mul3A_90 = arith.constant 10240 : i32
    %mul3A_91 = arith.muli %arg0, %mul3A_90 : i32
    %add3A_92 = arith.addi %mul3A_91, %mul3A_2 : i32
    %multiple_of3A_93 = tpu.assume_multiple %add3A_92, 8 : i32
    "tpu.region"() ({
      %run_scoped3A_94 = tpu.sem_alloc : memref<!tpu.dma_semaphore, #tpu.memory_space<semaphore_mem>>
      %dma_start3A_95 = arith.constant 0 : i32
      %dma_start3A_96 = tpu.memref_slice %arg7[%multiple_of3A_93, %dma_start3A_95] : memref<20480x128xf32, #tpu.memory_space<hbm>> -> memref<640x128xf32, #tpu.memory_space<hbm>>
      %dma_start3A_97 = arith.constant 0 : i32
      %dma_start3A_98 = tpu.memref_slice %arg15[%mul3A_2, %dma_start3A_97] : memref<10240x128xf32, #tpu.memory_space<vmem_shared>> -> memref<640x128xf32, #tpu.memory_space<vmem_shared>>
      tpu.enqueue_dma source(%dma_start3A_98 : memref<640x128xf32, #tpu.memory_space<vmem_shared>>) target(%dma_start3A_96 : memref<640x128xf32, #tpu.memory_space<hbm>>) target_semaphore(%run_scoped3A_94 : memref<!tpu.dma_semaphore, #tpu.memory_space<semaphore_mem>>)
      %dma_wait3A = arith.constant 0 : i32
      %dma_wait3A_99 = tpu.memref_slice %arg7[%multiple_of3A_93, %dma_wait3A] : memref<20480x128xf32, #tpu.memory_space<hbm>> -> memref<640x128xf32, #tpu.memory_space<hbm>>
      %dma_wait3A_100 = arith.constant 0 : i32
      %dma_wait3A_101 = tpu.memref_slice %arg15[%mul3A_2, %dma_wait3A_100] : memref<10240x128xf32, #tpu.memory_space<vmem_shared>> -> memref<640x128xf32, #tpu.memory_space<vmem_shared>>
      tpu.wait_dma2 semaphore(%run_scoped3A_94 : memref<!tpu.dma_semaphore, #tpu.memory_space<semaphore_mem>>) src(%dma_wait3A_101 : memref<640x128xf32, #tpu.memory_space<vmem_shared>>) dst(%dma_wait3A_99 : memref<640x128xf32, #tpu.memory_space<hbm>>)
      tpu.yield
    }) : () -> ()
    return
  }
}

module attributes {stable_mosaic.version = 14 : i64} {
  func.func @_tables_body(%arg0: i32, %arg1: memref<1024x128xf32, #tpu.memory_space<vmem>>, %arg2: memref<128x128xf32, #tpu.memory_space<vmem>>, %arg3: memref<1x128xf32, #tpu.memory_space<vmem>>, %arg4: memref<128x128xf32, #tpu.memory_space<vmem>>, %arg5: memref<1x128xf32, #tpu.memory_space<vmem>>, %arg6: memref<128x512xf32, #tpu.memory_space<vmem>>, %arg7: memref<1x512xf32, #tpu.memory_space<vmem>>, %arg8: memref<128x512xf32, #tpu.memory_space<vmem>>, %arg9: memref<1024x128xf32, #tpu.memory_space<vmem>>, %arg10: memref<1024x512xf32, #tpu.memory_space<vmem>>, %arg11: memref<1024x640xf32, #tpu.memory_space<vmem>>) attributes {dimension_semantics = [#tpu.dimension_semantics<parallel>], iteration_bounds = array<i64: 10>, scalar_prefetch = 0 : i64, scratch_operands = 0 : i64, tpu.core_type = #tpu.core_type<tc>, window_params = [{transform_indices = @transform_0, window_bounds = array<i64: 1024, 128>}, {pipeline_mode = #tpu.pipeline_mode<synchronous>, transform_indices = @transform_1, window_bounds = array<i64: 128, 128>}, {pipeline_mode = #tpu.pipeline_mode<synchronous>, transform_indices = @transform_2, window_bounds = array<i64: 1, 128>}, {pipeline_mode = #tpu.pipeline_mode<synchronous>, transform_indices = @transform_3, window_bounds = array<i64: 128, 128>}, {pipeline_mode = #tpu.pipeline_mode<synchronous>, transform_indices = @transform_4, window_bounds = array<i64: 1, 128>}, {pipeline_mode = #tpu.pipeline_mode<synchronous>, transform_indices = @transform_5, window_bounds = array<i64: 128, 512>}, {pipeline_mode = #tpu.pipeline_mode<synchronous>, transform_indices = @transform_6, window_bounds = array<i64: 1, 512>}, {pipeline_mode = #tpu.pipeline_mode<synchronous>, transform_indices = @transform_7, window_bounds = array<i64: 128, 512>}, {transform_indices = @transform_8, window_bounds = array<i64: 1024, 128>}, {transform_indices = @transform_9, window_bounds = array<i64: 1024, 512>}, {transform_indices = @transform_10, window_bounds = array<i64: 1024, 640>}]} {
    %get3A = arith.constant 0 : index
    %get3A_0 = arith.constant 0 : index
    %get3A_1 = vector.load %arg1[%get3A, %get3A_0] : memref<1024x128xf32, #tpu.memory_space<vmem>>, vector<1024x128xf32>
    %get3A_2 = arith.constant 0 : index
    %get3A_3 = arith.constant 0 : index
    %get3A_4 = vector.load %arg2[%get3A_2, %get3A_3] : memref<128x128xf32, #tpu.memory_space<vmem>>, vector<128x128xf32>
    %dot_general3A = arith.constant dense<0.000000e+00> : vector<1024x128xf32>
    %dot_general3A_5 = tpu.matmul %get3A_1, %get3A_4, %dot_general3A {dimension_numbers = #tpu.dot_dimension_numbers<[1], [0], [0], [1], [0, 0, 1, 1], [], []>, transpose_lhs_hint = false} : vector<1024x128xf32>, vector<128x128xf32>, vector<1024x128xf32> -> vector<1024x128xf32>
    %get3A_6 = arith.constant 0 : index
    %get3A_7 = arith.constant 0 : index
    %get3A_8 = vector.load %arg3[%get3A_6, %get3A_7] : memref<1x128xf32, #tpu.memory_space<vmem>>, vector<1x128xf32>
    %add3A = vector.broadcast %get3A_8 : vector<1x128xf32> to vector<1024x128xf32>
    %add3A_9 = arith.addf %dot_general3A_5, %add3A : vector<1024x128xf32>
    %max3A = arith.constant 0.000000e+00 : f32
    %max3A_10 = vector.broadcast %max3A : f32 to vector<1024x128xf32>
    %max3A_11 = arith.maximumf %add3A_9, %max3A_10 : vector<1024x128xf32>
    %get3A_12 = arith.constant 0 : index
    %get3A_13 = arith.constant 0 : index
    %get3A_14 = vector.load %arg4[%get3A_12, %get3A_13] : memref<128x128xf32, #tpu.memory_space<vmem>>, vector<128x128xf32>
    %dot_general3A_15 = arith.constant dense<0.000000e+00> : vector<1024x128xf32>
    %dot_general3A_16 = tpu.matmul %max3A_11, %get3A_14, %dot_general3A_15 {dimension_numbers = #tpu.dot_dimension_numbers<[1], [0], [0], [1], [0, 0, 1, 1], [], []>, transpose_lhs_hint = false} : vector<1024x128xf32>, vector<128x128xf32>, vector<1024x128xf32> -> vector<1024x128xf32>
    %get3A_17 = arith.constant 0 : index
    %get3A_18 = arith.constant 0 : index
    %get3A_19 = vector.load %arg5[%get3A_17, %get3A_18] : memref<1x128xf32, #tpu.memory_space<vmem>>, vector<1x128xf32>
    %add3A_20 = vector.broadcast %get3A_19 : vector<1x128xf32> to vector<1024x128xf32>
    %add3A_21 = arith.addf %dot_general3A_16, %add3A_20 : vector<1024x128xf32>
    %max3A_22 = arith.constant 0.000000e+00 : f32
    %max3A_23 = vector.broadcast %max3A_22 : f32 to vector<1024x128xf32>
    %max3A_24 = arith.maximumf %add3A_21, %max3A_23 : vector<1024x128xf32>
    %swap3A = arith.constant 0 : index
    %swap3A_25 = arith.constant 0 : index
    %swap3A_26 = vector.load %arg9[%swap3A, %swap3A_25] : memref<1024x128xf32, #tpu.memory_space<vmem>>, vector<1024x128xf32>
    tpu.vector_store %arg9[%swap3A, %swap3A_25], %max3A_24 {strides = array<i32>} : memref<1024x128xf32, #tpu.memory_space<vmem>>, vector<1024x128xf32>,
    %get3A_27 = arith.constant 0 : index
    %get3A_28 = arith.constant 0 : index
    %get3A_29 = vector.load %arg6[%get3A_27, %get3A_28] : memref<128x512xf32, #tpu.memory_space<vmem>>, vector<128x512xf32>
    %dot_general3A_30 = arith.constant dense<0.000000e+00> : vector<1024x512xf32>
    %dot_general3A_31 = tpu.matmul %max3A_24, %get3A_29, %dot_general3A_30 {dimension_numbers = #tpu.dot_dimension_numbers<[1], [0], [0], [1], [0, 0, 1, 1], [], []>, transpose_lhs_hint = false} : vector<1024x128xf32>, vector<128x512xf32>, vector<1024x512xf32> -> vector<1024x512xf32>
    %get3A_32 = arith.constant 0 : index
    %get3A_33 = arith.constant 0 : index
    %get3A_34 = vector.load %arg7[%get3A_32, %get3A_33] : memref<1x512xf32, #tpu.memory_space<vmem>>, vector<1x512xf32>
    %add3A_35 = vector.broadcast %get3A_34 : vector<1x512xf32> to vector<1024x512xf32>
    %add3A_36 = arith.addf %dot_general3A_31, %add3A_35 : vector<1024x512xf32>
    %swap3A_37 = arith.constant 0 : index
    %swap3A_38 = arith.constant 0 : index
    %swap3A_39 = vector.load %arg10[%swap3A_37, %swap3A_38] : memref<1024x512xf32, #tpu.memory_space<vmem>>, vector<1024x512xf32>
    tpu.vector_store %arg10[%swap3A_37, %swap3A_38], %add3A_36 {strides = array<i32>} : memref<1024x512xf32, #tpu.memory_space<vmem>>, vector<1024x512xf32>,
    %slice3A = vector.extract_strided_slice %add3A_36 {offsets = [0, 0], sizes = [1024, 128], strides = [1, 1]} : vector<1024x512xf32> to vector<1024x128xf32>
    %logistic3A = arith.negf %slice3A : vector<1024x128xf32>
    %logistic3A_40 = math.exp %logistic3A : vector<1024x128xf32>
    %logistic3A_41 = arith.constant 1.000000e+00 : f32
    %logistic3A_42 = vector.broadcast %logistic3A_41 : f32 to vector<1024x128xf32>
    %logistic3A_43 = arith.addf %logistic3A_42, %logistic3A_40 : vector<1024x128xf32>
    %logistic3A_44 = arith.divf %logistic3A_42, %logistic3A_43 : vector<1024x128xf32>
    %slice3A_45 = vector.extract_strided_slice %add3A_36 {offsets = [0, 256], sizes = [1024, 128], strides = [1, 1]} : vector<1024x512xf32> to vector<1024x128xf32>
    %tanh3A = math.tanh %slice3A_45 : vector<1024x128xf32>
    %slice3A_46 = vector.extract_strided_slice %add3A_36 {offsets = [0, 384], sizes = [1024, 128], strides = [1, 1]} : vector<1024x512xf32> to vector<1024x128xf32>
    %logistic3A_47 = arith.negf %slice3A_46 : vector<1024x128xf32>
    %logistic3A_48 = math.exp %logistic3A_47 : vector<1024x128xf32>
    %logistic3A_49 = arith.constant 1.000000e+00 : f32
    %logistic3A_50 = vector.broadcast %logistic3A_49 : f32 to vector<1024x128xf32>
    %logistic3A_51 = arith.addf %logistic3A_50, %logistic3A_48 : vector<1024x128xf32>
    %logistic3A_52 = arith.divf %logistic3A_50, %logistic3A_51 : vector<1024x128xf32>
    %mul3A = arith.mulf %logistic3A_44, %tanh3A : vector<1024x128xf32>
    %tanh3A_53 = math.tanh %mul3A : vector<1024x128xf32>
    %mul3A_54 = arith.mulf %logistic3A_52, %tanh3A_53 : vector<1024x128xf32>
    %get3A_55 = arith.constant 0 : index
    %get3A_56 = arith.constant 0 : index
    %get3A_57 = vector.load %arg8[%get3A_55, %get3A_56] : memref<128x512xf32, #tpu.memory_space<vmem>>, vector<128x512xf32>
    %dot_general3A_58 = arith.constant dense<0.000000e+00> : vector<1024x512xf32>
    %dot_general3A_59 = tpu.matmul %mul3A_54, %get3A_57, %dot_general3A_58 {dimension_numbers = #tpu.dot_dimension_numbers<[1], [0], [0], [1], [0, 0, 1, 1], [], []>, transpose_lhs_hint = false} : vector<1024x128xf32>, vector<128x512xf32>, vector<1024x512xf32> -> vector<1024x512xf32>
    %swap3A_60 = arith.constant 0 : index
    %swap3A_61 = arith.constant 0 : index
    %swap3A_62 = vector.load %arg11[%swap3A_60, %swap3A_61] : memref<1024x640xf32, #tpu.memory_space<vmem>>, vector<1024x512xf32>
    tpu.vector_store %arg11[%swap3A_60, %swap3A_61], %dot_general3A_59 {strides = array<i32>} : memref<1024x640xf32, #tpu.memory_space<vmem>>, vector<1024x512xf32>,
    %swap3A_63 = arith.constant 0 : index
    %swap3A_64 = arith.constant 512 : index
    %swap3A_65 = vector.load %arg11[%swap3A_63, %swap3A_64] : memref<1024x640xf32, #tpu.memory_space<vmem>>, vector<1024x128xf32>
    tpu.vector_store %arg11[%swap3A_63, %swap3A_64], %mul3A {strides = array<i32>} : memref<1024x640xf32, #tpu.memory_space<vmem>>, vector<1024x128xf32>,
    return
  }
  func.func @transform_0(%arg0: i32) -> (i32, i32) {
    %c0_i32 = arith.constant 0 : i32
    %c0_i32_0 = arith.constant 0 : i32
    return %arg0, %c0_i32 : i32, i32
  }
  func.func @transform_1(%arg0: i32) -> (i32, i32) {
    %c0_i32 = arith.constant 0 : i32
    %c0_i32_0 = arith.constant 0 : i32
    %c0_i32_1 = arith.constant 0 : i32
    return %c0_i32, %c0_i32_0 : i32, i32
  }
  func.func @transform_2(%arg0: i32) -> (i32, i32) {
    %c0_i32 = arith.constant 0 : i32
    %c0_i32_0 = arith.constant 0 : i32
    %c0_i32_1 = arith.constant 0 : i32
    return %c0_i32, %c0_i32_0 : i32, i32
  }
  func.func @transform_3(%arg0: i32) -> (i32, i32) {
    %c0_i32 = arith.constant 0 : i32
    %c0_i32_0 = arith.constant 0 : i32
    %c0_i32_1 = arith.constant 0 : i32
    return %c0_i32, %c0_i32_0 : i32, i32
  }
  func.func @transform_4(%arg0: i32) -> (i32, i32) {
    %c0_i32 = arith.constant 0 : i32
    %c0_i32_0 = arith.constant 0 : i32
    %c0_i32_1 = arith.constant 0 : i32
    return %c0_i32, %c0_i32_0 : i32, i32
  }
  func.func @transform_5(%arg0: i32) -> (i32, i32) {
    %c0_i32 = arith.constant 0 : i32
    %c0_i32_0 = arith.constant 0 : i32
    %c0_i32_1 = arith.constant 0 : i32
    return %c0_i32, %c0_i32_0 : i32, i32
  }
  func.func @transform_6(%arg0: i32) -> (i32, i32) {
    %c0_i32 = arith.constant 0 : i32
    %c0_i32_0 = arith.constant 0 : i32
    %c0_i32_1 = arith.constant 0 : i32
    return %c0_i32, %c0_i32_0 : i32, i32
  }
  func.func @transform_7(%arg0: i32) -> (i32, i32) {
    %c0_i32 = arith.constant 0 : i32
    %c0_i32_0 = arith.constant 0 : i32
    %c0_i32_1 = arith.constant 0 : i32
    return %c0_i32, %c0_i32_0 : i32, i32
  }
  func.func @transform_8(%arg0: i32) -> (i32, i32) {
    %c0_i32 = arith.constant 0 : i32
    %c0_i32_0 = arith.constant 0 : i32
    return %arg0, %c0_i32 : i32, i32
  }
  func.func @transform_9(%arg0: i32) -> (i32, i32) {
    %c0_i32 = arith.constant 0 : i32
    %c0_i32_0 = arith.constant 0 : i32
    return %arg0, %c0_i32 : i32, i32
  }
  func.func @transform_10(%arg0: i32) -> (i32, i32) {
    %c0_i32 = arith.constant 0 : i32
    %c0_i32_0 = arith.constant 0 : i32
    return %arg0, %c0_i32 : i32, i32
  }
}

module attributes {stable_mosaic.version = 14 : i64} {
  func.func @_final_body(%arg0: i32, %arg1: memref<1000x128xf32, #tpu.memory_space<vmem>>, %arg2: memref<1000x128xf32, #tpu.memory_space<vmem>>, %arg3: memref<1000x128xf32, #tpu.memory_space<vmem>>, %arg4: memref<1000x128xf32, #tpu.memory_space<vmem>>) attributes {dimension_semantics = [#tpu.dimension_semantics<parallel>], iteration_bounds = array<i64: 10>, scalar_prefetch = 0 : i64, scratch_operands = 0 : i64, tpu.core_type = #tpu.core_type<tc>, window_params = [{transform_indices = @transform_0, window_bounds = array<i64: 1000, 128>}, {transform_indices = @transform_1, window_bounds = array<i64: 1000, 128>}, {transform_indices = @transform_2, window_bounds = array<i64: 1000, 128>}, {transform_indices = @transform_3, window_bounds = array<i64: 1000, 128>}]} {
    %get3A = arith.constant 0 : index
    %get3A_0 = arith.constant 0 : index
    %get3A_1 = vector.load %arg1[%get3A, %get3A_0] : memref<1000x128xf32, #tpu.memory_space<vmem>>, vector<1000x128xf32>
    %get3A_2 = arith.constant 0 : index
    %get3A_3 = arith.constant 0 : index
    %get3A_4 = vector.load %arg2[%get3A_2, %get3A_3] : memref<1000x128xf32, #tpu.memory_space<vmem>>, vector<1000x128xf32>
    %add3A = arith.addf %get3A_1, %get3A_4 : vector<1000x128xf32>
    %get3A_5 = arith.constant 0 : index
    %get3A_6 = arith.constant 0 : index
    %get3A_7 = vector.load %arg3[%get3A_5, %get3A_6] : memref<1000x128xf32, #tpu.memory_space<vmem>>, vector<1000x128xf32>
    %add3A_8 = arith.addf %add3A, %get3A_7 : vector<1000x128xf32>
    %max3A = arith.constant 0.000000e+00 : f32
    %max3A_9 = vector.broadcast %max3A : f32 to vector<1000x128xf32>
    %max3A_10 = arith.maximumf %add3A_8, %max3A_9 : vector<1000x128xf32>
    %swap3A = arith.constant 0 : index
    %swap3A_11 = arith.constant 0 : index
    %swap3A_12 = vector.load %arg4[%swap3A, %swap3A_11] : memref<1000x128xf32, #tpu.memory_space<vmem>>, vector<1000x128xf32>
    tpu.vector_store %arg4[%swap3A, %swap3A_11], %max3A_10 {strides = array<i32>} : memref<1000x128xf32, #tpu.memory_space<vmem>>, vector<1000x128xf32>,
    return
  }
  func.func @transform_0(%arg0: i32) -> (i32, i32) {
    %c0_i32 = arith.constant 0 : i32
    %c0_i32_0 = arith.constant 0 : i32
    return %arg0, %c0_i32 : i32, i32
  }
  func.func @transform_1(%arg0: i32) -> (i32, i32) {
    %c0_i32 = arith.constant 0 : i32
    %c0_i32_0 = arith.constant 0 : i32
    return %arg0, %c0_i32 : i32, i32
  }
  func.func @transform_2(%arg0: i32) -> (i32, i32) {
    %c0_i32 = arith.constant 0 : i32
    %c0_i32_0 = arith.constant 0 : i32
    return %arg0, %c0_i32 : i32, i32
  }
  func.func @transform_3(%arg0: i32) -> (i32, i32) {
    %c0_i32 = arith.constant 0 : i32
    %c0_i32_0 = arith.constant 0 : i32
    return %arg0, %c0_i32 : i32, i32
  }
}

</mosaic_0001>

<sc_bundles>
// kernel: kernel.5.cloned.1.call-start
scs
__scs_entry_jumppad:
0x0: {  	(pc) =	sbr.rel $0x88, $3  }
0x1: {  	(tag) =	ssettag $0x0;
	lr =	simm.s32 $0x1  }
0x2: {  	[smem:$0x3F97] =	sst lr;
	_ =	strace $0xD0000000  }
0x3: {  	_ = 	snop  }
0x4: {  	_ = 	snop  }
0x5: {  	_ = 	snop  }
0x6: {  	_ = 	snop  }
0x7: {  	_ = 	snop  }
__scs_overlays_trampoline_lowered:
0x8: {  	[smem:$0x3FA6] =	sst s0  }
0x9: {  	[smem:$0x3FA7] =	sst s1  }
0xa: {  	[smem:$0x3FA8] =	sst s2  }
0xb: {  	[smem:$0x3FA9] =	sst s3  }
0xc: {  	[smem:$0x3FAA] =	sst s4  }
0xd: {  	[smem:$0x3FAB] =	sst s5  }
0xe: {  	[smem:$0x3FAC] =	sst s6  }
0xf: {  	[smem:$0x3FAD] =	sst s7  }
0x10: {  	[smem:$0x3FAE] =	sst s8  }
0x11: {  	[smem:$0x3FAF] =	sst s9;
	s0 =	simm.s32 @!p0 $0x0  }
0x12: {  	s1 =	sld [smem:$0x3F95];
	s0 =	simm.s32 @p0 $0x1  }
0x13: {  	[smem:$0x3FB0] =	sst s0;
	s0 =	simm.s32 @!p1 $0x0  }
0x14: {  	s2 =	sld [smem:$0x3F94];
	s0 =	simm.s32 @p1 $0x1  }
0x15: {  	[smem:$0x3FB1] =	sst s0;
	s0 =	simm.s32 @!p2 $0x0  }
0x16: {  	s3 =	sld [smem:$0x3FDB];
	s0 =	simm.s32 @p2 $0x1  }
0x17: {  	s4 =	simm.s32 $0x1BF5;
	[smem:$0x3FB3] =	sst s0  }
0x18: {  	s0 =	sld [smem:$0x3F96];
	_ =	swait.ge [sflag:s4], $0x0  }
0x19: {  	s7 =	sld [smem:$0x3F97]  }
0x1a: {  	s8 =	sadd.s32 $0xFFFFE003, lr  }
0x1b: {  	s9 =	sadd.s32 $0xFFFFFEF7, lr;
	s5 =	simm.s32 $0xFFFFFFFF;
	p2 =	slt.u32 s8, $0xFFFFF086  }
0x1c: {  	p1 =	slt.u32 s9, $0xF7A;
	s5 =	simm.s32 @!p2 $0x0  }
0x1d: {  	s5 =	simm.s32 @p1 $0x1;
	p0 =	seq.s32 s7, s2  }
0x1e: {  	s7 =	smul.u32 @!p0 $0xF7A, s2;
	p2 =	seq.s32 @!p0 s5, $0x0  }
0x1f: {  	s9 =	smul.u32 $0xF7A, s1;
	s8 =	simm.s32 @!p0 $0x1BF5;
	p2 =	por !p2, p0  }
0x20: {  	[sflag:s8] =	ssyncset.s32 @!p0 $0xFFFFF086;
	s6 =	sadd.s32 @!p0 s3, s7;
	s7 =	simm.s32 @!p0 $0x108  }
0x21: {  	s3 =	sadd.s32 s3, s9;
	s6 =	sadd.s32 @!p0 $0x88, s6;
	s7 =	simm.s32 @p2 $0x1082  }
0x22: {  	[simem:s7], [sflag:s8] =	dma.local @!p0 [hbm:s6], $0xF7A  }
0x23: {  	s9 =	sor.u32 $0xD0000000, s2;
	s6 =	simm.s32 $0x108;
	_ =	swait.ge @!p0 [sflag:s8], $0x0  }
0x24: {  	s3 =	sadd.s32 $0x88, s3;
	s6 =	simm.s32 @!p1 $0x1082;
	[sflag:s4] =	ssyncset.s32 $0xFFFFF086  }
0x25: {  	[simem:s6], [sflag:s4] =	dma.local [hbm:s3], $0xF7A  }
0x26: {  	[smem:$0x3F97] =	sst s1;
	(tag) =	ssettag s2;
	_ =	strace s9  }
0x27: {  	s1 =	sld [smem:$0x3FA7]  }
0x28: {  	s2 =	sld [smem:$0x3FA8]  }
0x29: {  	s4 =	sld [smem:$0x3FAA]  }
0x2a: {  	p0 =	seq.s32 s5, $0x0;
	s5 =	sld [smem:$0x3FAB]  }
0x2b: {  	s6 =	sld [smem:$0x3FAC]  }
0x2c: {  	s7 =	sld [smem:$0x3FAD]  }
0x2d: {  	s3 =	simm.s32 $0x108;
	s8 =	sld [smem:$0x3FAE]  }
0x2e: {  	s3 =	simm.s32 @!p0 $0x1082;
	s9 =	sld [smem:$0x3FAF]  }
0x2f: {  	lr =	sadd.s32 s0, s3;
	s0 =	sld [smem:$0x3FA6]  }
0x30: {  	s3 =	sld [smem:$0x3FA9]  }
0x31: {  	[smem:$0x3FB2] =	sst s10  }
0x32: {  	s10 =	sld [smem:$0x3FB0];
	_ =	sdelay $0x3  }
0x33: {  	p0 =	seq.s32 s10, $0x1;
	s10 =	sld [smem:$0x3FB2];
	_ =	sdelay $0x3  }
0x34: {  	[smem:$0x3FB2] =	sst s10  }
0x35: {  	s10 =	sld [smem:$0x3FB1];
	_ =	sdelay $0x3  }
0x36: {  	p1 =	seq.s32 s10, $0x1;
	s10 =	sld [smem:$0x3FB2];
	_ =	sdelay $0x3  }
0x37: {  	[smem:$0x3FB2] =	sst s10  }
0x38: {  	s10 =	sld [smem:$0x3FB3]  }
0x39: {  	_ = 	snop;
	(pc) =	sbr.ind lr, $3  }
0x3a: {  	_ = 	snop  }
0x3b: {  	_ = 	snop  }
0x3c: {  	p2 =	seq.s32 s10, $0x1;
	s10 =	sld [smem:$0x3FB2]  }
0x3d: {  	_ =	shalt  }
0x3e: {  	_ =	shalt  }
0x3f: {  	_ =	shalt  }
0x40: {  	_ =	shalt  }
0x41: {  	_ =	shalt  }
0x42: {  	_ =	shalt  }
0x43: {  	_ =	shalt  }
0x44: {  	_ =	shalt  }
0x45: {  	_ =	shalt  }
0x46: {  	_ =	shalt  }
0x47: {  	_ =	shalt  }
0x48: {  	_ =	shalt  }
0x49: {  	_ =	shalt  }
0x4a: {  	_ =	shalt  }
0x4b: {  	_ =	shalt  }
0x4c: {  	_ =	shalt  }
0x4d: {  	_ =	shalt  }
0x4e: {  	_ =	shalt  }
0x4f: {  	_ =	shalt  }
0x50: {  	_ =	shalt  }
0x51: {  	_ =	shalt  }
0x52: {  	_ =	shalt  }
0x53: {  	_ =	shalt  }
0x54: {  	_ =	shalt  }
0x55: {  	_ =	shalt  }
0x56: {  	_ =	shalt  }
0x57: {  	_ =	shalt  }
0x58: {  	_ =	shalt  }
0x59: {  	_ =	shalt  }
0x5a: {  	_ =	shalt  }
0x5b: {  	_ =	shalt  }
0x5c: {  	_ =	shalt  }
0x5d: {  	_ =	shalt  }
0x5e: {  	_ =	shalt  }
0x5f: {  	_ =	shalt  }
0x60: {  	_ =	shalt  }
0x61: {  	_ =	shalt  }
0x62: {  	_ =	shalt  }
0x63: {  	_ =	shalt  }
0x64: {  	_ =	shalt  }
0x65: {  	_ =	shalt  }
0x66: {  	_ =	shalt  }
0x67: {  	_ =	shalt  }
0x68: {  	_ =	shalt  }
0x69: {  	_ =	shalt  }
0x6a: {  	_ =	shalt  }
0x6b: {  	_ =	shalt  }
0x6c: {  	_ =	shalt  }
0x6d: {  	_ =	shalt  }
0x6e: {  	_ =	shalt  }
0x6f: {  	_ =	shalt  }
0x70: {  	_ =	shalt  }
0x71: {  	_ =	shalt  }
0x72: {  	_ =	shalt  }
0x73: {  	_ =	shalt  }
0x74: {  	_ =	shalt  }
0x75: {  	_ =	shalt  }
0x76: {  	_ =	shalt  }
0x77: {  	_ =	shalt  }
0x78: {  	_ =	shalt  }
0x79: {  	_ =	shalt  }
0x7a: {  	_ =	shalt  }
0x7b: {  	_ =	shalt  }
0x7c: {  	_ =	shalt  }
0x7d: {  	_ =	shalt  }
0x7e: {  	_ =	shalt  }
0x7f: {  	_ =	shalt  }
0x80: {  	_ =	shalt  }
0x81: {  	_ =	shalt  }
0x82: {  	_ =	shalt  }
0x83: {  	_ =	shalt  }
0x84: {  	_ =	shalt  }
0x85: {  	_ =	shalt  }
0x86: {  	_ =	shalt  }
0x87: {  	_ =	shalt  }
.Lfunc_end0:
.L_simem_size_0:
called_computation_lowered:
.L_overlay_start_0:
0x88: {  	s2 =	sld [smem:$0x3FD9]  }
0x89: {  	s3 =	sld [smem:$0x3FFE];
	_ =	sdelay $0x1  }
0x8a: {  	s1 =	srdreg.scid  }
0x8b: {  	s0 =	sand.u32 $0x1, s1  }
0x8c: {  	s17 =	sshll.u32 s0, $0xA;
	s2 =	sadd.s32 s3, s2  }
0x8d: {  	s2 =	sadd.s32 s2, s17  }
0x8e: {  	[smem:$0x3FBE] =	sst s2  }
0x8f: {  	_ = 	snop  }
0x90: {  	s2 =	sld [smem:$0x3FD0];
	(tm) =	ssettm $0x1  }
0x91: {  	s18 =	sld [smem:$0x3FFB];
	_ =	sdelay $0x3  }
0x92: {  	_ =	strace s18  }
0x93: {  	s3 =	sld [smem:$0x3FFC];
	_ =	sdelay $0x3  }
0x94: {  	_ =	strace s3  }
0x95: {  	s3 =	sld [smem:$0x3FFD];
	_ =	sdelay $0x3  }
0x96: {  	_ =	strace s3  }
0x97: {  	_ =	strace $0x8FFFFFFF  }
0x98: {  	s19 =	sld [smem:$0x3FDB];
	_ =	sdelay $0x1  }
0x99: {  	s4 =	simm.s32 $_scs_section_size  }
0x9a: {  	s5 =	simm.s32 $_size__tile_overlayer_lowered;
	s6 =	simm.s32 $_tile_overlayer_lowered  }
0x9b: {  	s22 =	simm.s32 $0x1BFF;
	s21 =	sshll.u32 s6, $0x1;
	s3 =	sadd.s32 s4, s19  }
0x9c: {  	s7 =	simm.s32 $0x0;
	s20 =	sshll.u32 s5, $0x1;
	s5 =	sadd.s32 s21, s3  }
0x9d: {  	[timem:s7], [sflag:s22] =	dma.local [hbm:s5], s20  }
0x9e: {  	_ =	swait.ge [sflag:s22], s20  }
0x9f: {  	s4 =	ssub.s32 $0x0, s20;
	[sflag:s22] =	ssyncset.done $0x0  }
0xa0: {  	[sflag:s22] =	ssyncadd.s32 s4;
	_ =	sdelay $0x1  }
0xa1: {  	s23 =	simm.s32 $0x1B8B  }
0xa2: {  	_ =	swait.ge [sflag:s23], $0x1  }
0xa3: {  	[sflag:s23] =	ssyncset.done $0x0  }
0xa4: {  	s25 =	simm.s32 $0x1B8E;
	s24 =	sld [smem:$0x3FFE];
	[sflag:s23] =	ssyncadd.s32 $0xFFFFFFFF  }
0xa5: {  	s26 =	simm.s32 $execute0_lowered;
	[smem:$0x3FD2] =	sst s25  }
0xa6: {  	s5 =	sshll.u32 s26, $0x1;
	_ =	strace $0x80000046;
	[dreg:$0x1] =	wrdreg $0xFFFFFFFF  }
0xa7: {  	s28 =	simm.s32 $_size_execute0_lowered;
	s3 =	sadd.s32 s3, s5;
	[dreg:$0x0] =	wrdreg $0x0  }
0xa8: {  	s5 =	sshll.u32 s28, $0x1;
	[dreg:$0x2] =	wrdreg s3  }
0xa9: {  	[dreg:$0x3] =	wrdreg s5  }
0xaa: {  	[dreg:$0x4] =	wrdreg $0xC0  }
0xab: {  	_ =	task [dreg:s7], $0x5FFFF  }
0xac: {  	[dreg:$0x1] =	wrdreg $0xFFFFFFFF  }
0xad: {  	[dreg:$0x0] =	wrdreg $0x60  }
0xae: {  	[dreg:$0x2] =	wrdreg s24  }
0xaf: {  	[dreg:$0x3] =	wrdreg s2  }
0xb0: {  	[dreg:$0x4] =	wrdreg $0x98000  }
0xb1: {  	[dreg:$0x5] =	wrdreg $0x9  }
0xb2: {  	_ =	task.clear_ibuf [dreg:s7], $0x6FFFF;
	_ =	strace $0x90000046  }
0xb3: {  	s29 =	simm.s32 $0x9;
	_ =	strace $0x80000048  }
0xb4: {  	_ =	swait.ge [sflag:s29], $0x1  }
0xb5: {  	[sflag:s29] =	ssyncadd.s32 $0xFFFFFFFF  }
0xb6: {  	_ =	strace $0x90000048  }
0xb7: {  	_ =	sfence  }
0xb8: {  	s30 =	sld [smem:$0x0];
	_ =	sdelay $0x2  }
0xb9: {  	s31 =	sshll.u32 s1, $0xD;
	s1 =	sshrl.u32 s1, $0x2  }
0xba: {  	s3 =	sand.u32 $0x4000, s31;
	s1 =	sadd.s32 s1, s30  }
0xbb: {  	s0 =	sor.u32 s3, s0;
	s1 =	sshll.u32 s1, $0x11  }
0xbc: {  	s0 =	sor.u32 s1, s0  }
0xbd: {  	s0 =	sadd.s32 $0x8F2B, s0  }
0xbe: {  	[sflag:s0] =	ssyncadd.remote.s32 $0x1  }
0xbf: {  	_ =	sfence.sel $0xFFFF  }
0xc0: {  	[dreg:$0x0] =	wrdreg $0xFFFFFFFF;
	(pc) =	sbr.abs _section_cstart, $3  }
0xc1: {  	[dreg:$0x1] =	wrdreg $0xFFFFFFFF  }
0xc2: {  	_ =	task.clear_ibuf [dreg:s7], $0x2FFFF;
	_ =	strace $0x9FFFFFFF  }
0xc3: {  	(tm) =	ssettm $0x7FFFFFFF  }
tec
execute0_lowered:
.L_overlay_start_1:
0x0: {  	(tag) =	ssettag $0x1  }
0x1: {  	s0 =	rddreg [dreg:$0x0]  }
0x2: {  	s2 =	rddreg [dreg:$0x1]  }
0x3: {  	s3 =	rddreg [dreg:$0x2];
	s4 =	simm.s32 $0x0  }
0x4: {  	s14 =	stileid.u32;
	s1 =	srdreg.scid;
	s28 =	simm.s32 $0x1  }
0x5: {  	s29 =	simm.s32 $0x2;
	s30 =	simm.s32 $0x0;
	[smem:$0x7FF] =	sst s4  }
0x6: {  	s8 =	smul.u32 $0x2800, s14;
	s1 =	sand.u32 $0x1, s1;
	s5 =	sadd.s32 $0xC00, s0  }
0x7: {  	s6 =	sadd.s32 $0xAC00, s0;
	s7 =	sadd.s32 $0xAAC00, s0;
	s19 =	sshll.u32 s14, $0x1  }
0x8: {  	s11 =	smul.u32 $0x50000, s14;
	s23 =	sshll.u32 s14, $0x6;
	s15 =	sadd.s32 $0xAD00, s0  }
0x9: {  	s16 =	sadd.s32 $0xAAD00, s0;
	s17 =	sadd.s32 $0xAAE00, s0;
	_ =	strace $0x80000047  }
0xa: {  	s9 =	smul.u32 $0x28000, s1;
	s13 =	ssub.s32 $0x2, s1;
	s1 =	sor.u32 s1, s19  }
0xb: {  	s10 =	sadd.s32 s8, s0;
	s20 =	sshrl.u32 s13, $0x1;
	s11 =	sshrl.u32 s11, $0x2  }
0xc: {  	s8 =	sadd.s32 s8, s9;
	s21 =	ssub.s32 s13, s20;
	s22 =	sadd.s32 s11, s3  }
0xd: {  	s10 =	sadd.s32 $0x172C00, s10;
	s12 =	sadd.s32 s8, s0;
	s8 =	smul.u32 $0x500, s1  }
0xe: {  	[dreg:$0x4] =	wrdreg s10;
	s10 =	sor.u32 $0x1C04, s23;
	s19 =	smax.u32 s21, $0x1  }
0xf: {  	s20 =	sshrl.u32 s22, $0x3;
	s21 =	simm.s32 $0x4;
	s25 =	sadd.s32 s5, s8  }
0x10: {  	s24 =	sor.u32 $0x80, s8;
	s26 =	sadd.s32 s2, s8;
	[dreg:$0x5] =	wrdreg s25  }
0x11: {  	v0 =	vlaneseq.u32;
	s22 =	simm.s32 $0x800;
	[dreg:$0x6] =	wrdreg s26;
	s31 =	sadd.s32 s5, s24  }
0x12: {  	vm0 =	vmmov $0xff;
	v1 =	vshrl.u32 v0, $0x3;
	s23 =	simm.s32 $0x400;
	s11 =	sadd.s32 s2, s24;
	[dreg:$0x7] =	wrdreg s31  }
0x13: {  	vm1 =	vmmov $0xffff;
	v0 =	vand.u32 $0x7, v0;
	v1 =	vmul.u32 $0x8, v1;
	s18 =	sadd.s32 $0x19AC00, s12;
	s24 =	simm.s32 $0xC00;
	[dreg:$0x8] =	wrdreg s11  }
.LBB2_1:
0x14: {  	s0 =	rddreg [dreg:$0x4]  }
0x15: {  	[spmem:s20], [sflag:s10] =	dma.local [hbm:s0], $0x2800  }
0x16: {  	_ =	swait.ge [sflag:s21], $0x2800  }
0x17: {  	[sflag:s21] =	ssyncset.done $0x0  }
0x18: {  	[sflag:s21] =	ssyncadd.s32 $0xFFFFD800  }
0x19: {  	[bflag:$0x0] =	sbarrier.arrive $0xFFFF  }
0x1a: {  	s11 =	rddreg [dreg:$0x5]  }
0x1b: {  	[tilespmem:s4], [sflag:$0x4] =	stream.linear.gather [hbm4b:s11+s4], $0x400, $0x38;
	[tilespmem:$0x1D800] =	vst v63  }
0x1c: {  	_ =	swait.ge [sflag:s21], $0x400  }
0x1d: {  	[sflag:s21] =	ssyncset.done $0x0  }
0x1e: {  	s12 =	rddreg [dreg:$0x6];
	[sflag:s21] =	ssyncadd.s32 $0xFFFFFC00  }
0x1f: {  	[tilespmem:s22], [sflag:$0x4] =	stream.linear.gather [hbm4b:s12+s4], $0x400, $0x38;
	[tilespmem:$0x1D800] =	vst v63  }
0x20: {  	_ =	swait.ge [sflag:s21], $0x400  }
0x21: {  	[sflag:s21] =	ssyncset.done $0x0  }
0x22: {  	s13 =	rddreg [dreg:$0x7];
	[sflag:s21] =	ssyncadd.s32 $0xFFFFFC00  }
0x23: {  	[tilespmem:s23], [sflag:$0x3] =	stream.linear.gather [hbm4b:s13+s4], $0x400, $0x38;
	[tilespmem:$0x1D800] =	vst v63  }
0x24: {  	s14 =	rddreg [dreg:$0x8]  }
0x25: {  	[tilespmem:s24], [sflag:$0x3] =	stream.linear.gather [hbm4b:s14+s4], $0x400, $0x38;
	[tilespmem:$0x1D800] =	vst v63  }
0x26: {  	v2 =	vld.msk [tilespmem:$0x800], $0xff;
	_ =	sdelay $0x4  }
0x27: {  	v3 =	vshll.u32 v2, $0x2  }
0x28: {  	v2 =	vand.u32 $0x7, v2;
	v3 =	vand.u32 $0xFFFFFFE0, v3  }
0x29: {  	v2 =	vor.u32 v2, v3  }
0x2a: {  	v2 =	vperm.xlane v2, v0;
	_ =	sdelay $0x1  }
0x2b: {  	v2 =	vadd.s32 v1, v2;
	_ =	sdelay $0x3  }
0x2c: {  	s25 =	simm.s32 $0x1000  }
0x2d: {  	[tilespmem:s25], [sflag:$0x1] =	stream.indirect_vreg.gather [hbm4b:s6+s4], $0x80, v2, vm1, $0xb8;
	[tilespmem:$0x1D800] =	vst v63  }
0x2e: {  	s26 =	simm.s32 $0x1800  }
0x2f: {  	[tilespmem:s26], [sflag:$0x1] =	stream.indirect_vreg.gather [hbm4b:s15+s4], $0x80, v2, vm1, $0xb8;
	[tilespmem:$0x1D800] =	vst v63  }
0x30: {  	v2 =	vld.msk [tilespmem:$0x0], $0xff;
	_ =	sdelay $0x4  }
0x31: {  	v3 =	vshrl.u32 v2, $0x3  }
0x32: {  	v3 =	vmul.u32 $0x28, v3  }
0x33: {  	v2 =	vand.u32 $0x7, v2  }
0x34: {  	v2 =	vor.u32 v2, v3  }
0x35: {  	v2 =	vperm.xlane v2, v0;
	_ =	sdelay $0x1  }
0x36: {  	v2 =	vadd.s32 v1, v2;
	_ =	sdelay $0x3  }
0x37: {  	s1 =	simm.s32 $0x3000  }
0x38: {  	[tilespmem:s1], [sflag:$0x1] =	stream.indirect_vreg.gather [hbm4b:s7+s4], $0x80, v2, vm1, $0xb8;
	[tilespmem:$0x1D800] =	vst v63  }
0x39: {  	s9 =	simm.s32 $0x3800  }
0x3a: {  	[tilespmem:s9], [sflag:$0x1] =	stream.indirect_vreg.gather [hbm4b:s16+s4], $0x80, v2, vm1, $0xb8;
	[tilespmem:$0x1D800] =	vst v63  }
0x3b: {  	s11 =	simm.s32 $0x4000  }
0x3c: {  	[tilespmem:s11], [sflag:$0x1] =	stream.indirect_vreg.gather [hbm4b:s17+s4], $0x80, v2, vm0, $0xb8;
	[tilespmem:$0x1D800] =	vst v63  }
0x3d: {  	v2 =	vld.msk [tilespmem:$0x808], $0xff;
	_ =	sdelay $0x4  }
0x3e: {  	v3 =	vshll.u32 v2, $0x2  }
0x3f: {  	v2 =	vand.u32 $0x7, v2;
	v3 =	vand.u32 $0xFFFFFFE0, v3  }
0x40: {  	v2 =	vor.u32 v2, v3  }
0x41: {  	v2 =	vperm.xlane v2, v0;
	_ =	sdelay $0x1  }
0x42: {  	v2 =	vadd.s32 v1, v2;
	_ =	sdelay $0x3  }
0x43: {  	s12 =	simm.s32 $0x2000  }
0x44: {  	[tilespmem:s12], [sflag:$0x2] =	stream.indirect_vreg.gather [hbm4b:s6+s4], $0x80, v2, vm1, $0xb8;
	[tilespmem:$0x1D800] =	vst v63  }
0x45: {  	s13 =	simm.s32 $0x2800  }
0x46: {  	[tilespmem:s13], [sflag:$0x2] =	stream.indirect_vreg.gather [hbm4b:s15+s4], $0x80, v2, vm1, $0xb8;
	[tilespmem:$0x1D800] =	vst v63  }
0x47: {  	v2 =	vld.msk [tilespmem:$0x8], $0xff;
	_ =	sdelay $0x4  }
0x48: {  	v3 =	vshrl.u32 v2, $0x3  }
0x49: {  	v3 =	vmul.u32 $0x28, v3  }
0x4a: {  	v2 =	vand.u32 $0x7, v2  }
0x4b: {  	v2 =	vor.u32 v2, v3  }
0x4c: {  	v2 =	vperm.xlane v2, v0;
	_ =	sdelay $0x1  }
0x4d: {  	v2 =	vadd.s32 v1, v2;
	_ =	sdelay $0x3  }
0x4e: {  	s14 =	simm.s32 $0x4400  }
0x4f: {  	[tilespmem:s14], [sflag:$0x2] =	stream.indirect_vreg.gather [hbm4b:s7+s4], $0x80, v2, vm1, $0xb8;
	[tilespmem:$0x1D800] =	vst v63  }
0x50: {  	s25 =	simm.s32 $0x4C00  }
0x51: {  	[tilespmem:s25], [sflag:$0x2] =	stream.indirect_vreg.gather [hbm4b:s16+s4], $0x80, v2, vm1, $0xb8;
	[tilespmem:$0x1D800] =	vst v63  }
0x52: {  	s31 =	simm.s32 $0x0;
	s0 =	simm.s32 $0x0;
	s26 =	simm.s32 $0x5400  }
0x53: {  	[tilespmem:s26], [sflag:$0x2] =	stream.indirect_vreg.gather [hbm4b:s17+s4], $0x80, v2, vm0, $0xb8;
	[tilespmem:$0x1D800] =	vst v63  }
.LBB2_2:
0x54: {  	s26 =	sshll.u32 s0, $0x1  }
0x55: {  	s1 =	sand.u32 $0x7E, s26  }
0x56: {  	s9 =	sadd.s32 $0xFFFFFF80, s26;
	p0 =	sne.s32 s1, $0x0  }
0x57: {  	p1 =	sgt.u32 @!p0 s9, $0x3FF  }
0x58: {  	p0 =	por p0, p1  }
.Ltmp0:
0x59: {  	_ = 	snop;
	(pc) =	sbr.rel @p0 .LBB2_6-.Ltmp0, $1  }
0x5a: {  	_ =	sdelay $0x3  }
0x5b: {  	s1 =	sshrl.u32 s0, $0x6  }
0x5c: {  	s1 =	sadd.s32 $0x1, s1  }
0x5d: {  	s9 =	sshll.u32 s1, $0x7;
	s1 =	sand.u32 $0x1, s1  }
0x5e: {  	p0 =	seq.s32 s1, $0x0  }
.Ltmp1:
0x5f: {  	_ = 	snop;
	(pc) =	sbr.rel @!p0 .LBB2_5-.Ltmp1, $3  }
0x60: {  	_ =	sdelay $0x1  }
0x61: {  	s9 =	sadd.s32 s8, s9  }
0x62: {  	s1 =	sadd.s32 s5, s9;
	s9 =	sadd.s32 s2, s9  }
0x63: {  	s11 =	sand.u32 $0x40, s0  }
0x64: {  	p0 =	sne.s32 s11, $0x0  }
.Ltmp2:
0x65: {  	_ = 	snop;
	(pc) =	sbr.rel @p0 .LBB2_7-.Ltmp2, $4  }
0x66: {  	_ = 	snop  }
0x67: {  	[tilespmem:s4], [sflag:$0x3] =	stream.linear.gather [hbm4b:s1+s4], $0x400, $0x38;
	[tilespmem:$0x1D800] =	vst v63  }
0x68: {  	_ = 	snop  }
0x69: {  	[tilespmem:s22], [sflag:$0x3] =	stream.linear.gather [hbm4b:s9+s4], $0x400, $0x38;
	[tilespmem:$0x1D800] =	vst v63  }
.LBB2_5:
.Ltmp3:
0x6a: {  	(pc) =	sbr.rel .LBB2_7-.Ltmp3, $4  }
0x6b: {  	_ = 	snop  }
0x6c: {  	[tilespmem:s23], [sflag:$0x3] =	stream.linear.gather [hbm4b:s1+s4], $0x400, $0x38;
	[tilespmem:$0x1D800] =	vst v63  }
0x6d: {  	_ = 	snop  }
0x6e: {  	[tilespmem:s24], [sflag:$0x3] =	stream.linear.gather [hbm4b:s9+s4], $0x400, $0x38;
	[tilespmem:$0x1D800] =	vst v63  }
.LBB2_6:
0x6f: {  	p0 =	sgt.u32 s0, $0x23F  }
0x70: {  	p1 =	sne.s32 @!p0 s1, $0x70  }
0x71: {  	p0 =	por p1, p0  }
0x72: {  	s1 =	simm.s32 @!p0 $0x3  }
0x73: {  	_ =	swait.ge @!p0 [sflag:s1], $0x400  }
0x74: {  	[sflag:s1] =	ssyncset.done @!p0 $0x0  }
0x75: {  	[sflag:s1] =	ssyncadd.s32 @!p0 $0xFFFFFC00  }
0x76: {  	_ =	swait.ge @!p0 [sflag:s1], $0x400  }
0x77: {  	[sflag:s1] =	ssyncset.done @!p0 $0x0  }
0x78: {  	[sflag:s1] =	ssyncadd.s32 @!p0 $0xFFFFFC00  }
.LBB2_7:
0x79: {  	_ =	swait.ge [sflag:s28], $0x1000  }
0x7a: {  	[sflag:s28] =	ssyncset.done $0x0  }
0x7b: {  	[sflag:s28] =	ssyncadd.s32 $0xFFFFF000  }
0x7c: {  	_ =	swait.ge [sflag:s28], $0x1400  }
0x7d: {  	[sflag:s28] =	ssyncset.done $0x0  }
0x7e: {  	s1 =	simm.s32 $0x1800;
	[sflag:s28] =	ssyncadd.s32 $0xFFFFEC00  }
0x7f: {  	s9 =	simm.s32 $0x3840;
	v2 =	vld [tilespmem:s1+$0x70]  }
0x80: {  	v3 =	vld [tilespmem:s9+$0x30]  }
0x81: {  	v4 =	vld [tilespmem:s1+$0xFFFFF870]  }
0x82: {  	v5 =	vld [tilespmem:s1+$0xFFFFFC70]  }
0x83: {  	v6 =	vld [tilespmem:s9+$0xFFFFFC30]  }
0x84: {  	v7 =	vld [tilespmem:s9+$0xFFFFF830]  }
0x85: {  	v8 =	vld [tilespmem:s1+$0x0];
	v2 =	vadd.f32 v3, v2  }
0x86: {  	v9 =	vld [tilespmem:s1+$0x10]  }
0x87: {  	v10 =	vld [tilespmem:s9+$0xFFFFFFD0];
	v2 =	vmul.f32 $-2.000000000e+00, v2  }
0x88: {  	v11 =	vld [tilespmem:s1+$0x30];
	v5 =	vadd.f32 v6, v5  }
0x89: {  	v3 =	vld [tilespmem:s9+$0xFFFFFFC0];
	v4 =	vadd.f32 v7, v4;
	v2 =	vmul.f32 $1.442695020e+00, v2  }
0x8a: {  	v6 =	vld [tilespmem:s1+$0x20];
	v5 =	vsub.f32 $0.0e+00, v5  }
0x8b: {  	v7 =	vld [tilespmem:s9+$0xFFFFFFE0];
	v4 =	vsub.f32 $0.0e+00, v4;
	(erf) = vpow2.f32 v2  }
0x8c: {  	v12 =	vld [tilespmem:s1+$0x40];
	v5 =	vmul.f32 $1.442695020e+00, v5  }
0x8d: {  	v20 =	vld [tilespmem:s1+$0x50];
	v4 =	vmul.f32 $1.442695020e+00, v4  }
0x8e: {  	v3 =	vadd.f32 v3, v8;
	v2 =	vld [tilespmem:s9+$0xFFFFFFF0];
	(erf) = vpow2.f32 v5  }
0x8f: {  	v21 =	vld [tilespmem:s9+$0x20];
	v5 =	vadd.f32 v10, v9;
	(erf) = vpow2.f32 v4  }
0x90: {  	v14 =	vld [tilespmem:s1+$0xFFFFF810];
	v3 =	vmul.f32 $-2.000000000e+00, v3;
	v4 =	vadd.f32 v7, v6  }
0x91: {  	v22 =	vld [tilespmem:s9+$0xFFFFF7D0];
	v5 =	vmul.f32 $-2.000000000e+00, v5  }
0x92: {  	v23 =	vld [tilespmem:s1+$0xFFFFFC10];
	v3 =	vmul.f32 $1.442695020e+00, v3;
	v4 =	vmul.f32 $-2.000000000e+00, v4  }
0x93: {  	v8 =	vld [tilespmem:s9+$0x0];
	v5 =	vmul.f32 $1.442695020e+00, v5;
	v11 =	vadd.f32 v2, v11  }
0x94: {  	v6 =	vld [tilespmem:s9+$0x10];
	(erf) = vpow2.f32 v3;
	v3 =	vmul.f32 $1.442695020e+00, v4;
	v13 =	vpop (erf)  }
0x95: {  	v7 =	vld [tilespmem:s1+$0x60];
	v11 =	vmul.f32 $-2.000000000e+00, v11;
	(erf) = vpow2.f32 v5;
	v13 =	vadd.f32 $1.000000000e+00, v13  }
0x96: {  	v4 =	vld [tilespmem:s1+$0xFFFFFC00];
	(erf) = vpow2.f32 v3  }
0x97: {  	v5 =	vld [tilespmem:s9+$0xFFFFFBC0];
	v3 =	vmul.f32 $1.442695020e+00, v11;
	v15 =	vpop (erf);
	(erf) = vrcp.f32 v13  }
0x98: {  	v25 =	vld [tilespmem:s1+$0xFFFFF820];
	v15 =	vadd.f32 $1.000000000e+00, v15;
	v16 =	vpop (erf)  }
0x99: {  	v26 =	vld [tilespmem:s9+$0xFFFFF7E0];
	v8 =	vadd.f32 v8, v12;
	v24 =	vadd.f32 $1.000000000e+00, v16;
	(erf) = vpow2.f32 v3  }
0x9a: {  	v27 =	vld [tilespmem:s1+$0xFFFFFC20];
	v6 =	vadd.f32 v6, v20;
	(erf) = vrcp.f32 v15  }
0x9b: {  	v8 =	vmul.f32 $-2.000000000e+00, v8;
	v7 =	vadd.f32 v21, v7;
	v3 =	vld [tilespmem:s9+$0xFFFFFBD0];
	(erf) = vrcp.f32 v24  }
0x9c: {  	v28 =	vld [tilespmem:s9+$0xFFFFFBE0];
	v6 =	vmul.f32 $-2.000000000e+00, v6;
	v4 =	vadd.f32 v5, v4  }
0x9d: {  	v30 =	vld [tilespmem:s1+$0xFFFFF830];
	v8 =	vmul.f32 $1.442695020e+00, v8;
	v7 =	vmul.f32 $-2.000000000e+00, v7;
	v5 =	vpop (erf)  }
0x9e: {  	v31 =	vld [tilespmem:s9+$0x830];
	v11 =	vadd.f32 v22, v14;
	v6 =	vmul.f32 $1.442695020e+00, v6;
	v4 =	vsub.f32 $0.0e+00, v4;
	v29 =	vpop (erf)  }
0x9f: {  	v34 =	vld [tilespmem:s9+$0xFFFFFBF0];
	v7 =	vmul.f32 $1.442695020e+00, v7;
	v5 =	vadd.f32 $1.000000000e+00, v5;
	(erf) = vpow2.f32 v8;
	v17 =	vpop (erf)  }
0xa0: {  	v8 =	vld [tilespmem:s9+$0xFFFFF7F0];
	v4 =	vmul.f32 $1.442695020e+00, v4;
	(erf) = vpow2.f32 v6;
	v3 =	vadd.f32 v3, v23;
	v32 =	vpop (erf)  }
0xa1: {  	v35 =	vld [tilespmem:s9+$0xFFFFF800];
	v6 =	vsub.f32 $0.0e+00, v11;
	(erf) = vpow2.f32 v7;
	v13 =	vadd.f32 v32, v32  }
0xa2: {  	v36 =	vld [tilespmem:s1+$0x470];
	(erf) = vrcp.f32 v5;
	v5 =	vadd.f32 v26, v25;
	v3 =	vsub.f32 $0.0e+00, v3;
	v33 =	vpop (erf)  }
0xa3: {  	v37 =	vld [tilespmem:s9+$0x430];
	v12 =	vadd.f32 v28, v27;
	v6 =	vmul.f32 $1.442695020e+00, v6;
	v18 =	vpop (erf);
	v13 =	vadd.f32 $-1.000000000e+00, v13  }
0xa4: {  	v39 =	vld [tilespmem:s1+$0xFFFFF850];
	(erf) = vpow2.f32 v4;
	v5 =	vsub.f32 $0.0e+00, v5;
	v3 =	vmul.f32 $1.442695020e+00, v3;
	v19 =	vpop (erf)  }
0xa5: {  	v7 =	vld [tilespmem:s1+$0xFFFFFC30];
	v8 =	vadd.f32 v8, v30;
	v11 =	vmul.f32 v18, v31;
	v13 =	vmul.f32 v13, v19  }
0xa6: {  	v4 =	vld [tilespmem:s1+$0xFFFFF840];
	(erf) = vpow2.f32 v6;
	v6 =	vsub.f32 $0.0e+00, v12;
	v5 =	vmul.f32 $1.442695020e+00, v5  }
0xa7: {  	v42 =	vld [tilespmem:s9+$0xFFFFFC10];
	v8 =	vsub.f32 $0.0e+00, v8;
	(erf) = vpow2.f32 v3;
	v11 =	vadd.f32 v13, v11  }
0xa8: {  	v44 =	vld [tilespmem:s1+$0xFFFFF860];
	v6 =	vmul.f32 $1.442695020e+00, v6;
	(erf) = vpow2.f32 v5  }
0xa9: {  	v3 =	vld [tilespmem:s1+$0xFFFFFC40];
	v8 =	vmul.f32 $1.442695020e+00, v8;
	v11 =	vmul.f32 $-2.000000000e+00, v11  }
0xaa: {  	v38 =	vadd.f32 $1.000000000e+00, v29;
	v7 =	vadd.f32 v34, v7;
	v5 =	vld [tilespmem:s9+$0xFFFFFC00];
	(erf) = vpow2.f32 v6  }
0xab: {  	v46 =	vld [tilespmem:s9+$0xFFFFF820];
	v40 =	vpop (erf);
	v4 =	vadd.f32 v35, v4;
	(erf) = vpow2.f32 v8;
	v11 =	vmul.f32 $1.442695020e+00, v11  }
0xac: {  	v12 =	vadd.f32 v37, v36;
	v6 =	vsub.f32 $0.0e+00, v7;
	v7 =	vld [tilespmem:s9+$0xFFFFF810];
	v41 =	vpop (erf);
	(erf) = vrcp.f32 v38  }
0xad: {  	v8 =	vld [tilespmem:s1+$0xFFFFFC50];
	v43 =	vpop (erf);
	v4 =	vsub.f32 $0.0e+00, v4;
	(erf) = vpow2.f32 v11  }
0xae: {  	v48 =	vld [tilespmem:s1+$0xFFFFF800];
	v12 =	vsub.f32 $0.0e+00, v12;
	v6 =	vmul.f32 $1.442695020e+00, v6;
	v45 =	vpop (erf)  }
0xaf: {  	v21 =	vld [tilespmem:s9+$0xFFFFFC20];
	v4 =	vmul.f32 $1.442695020e+00, v4;
	v20 =	vpop (erf);
	v3 =	vadd.f32 v5, v3  }
0xb0: {  	v5 =	vld [tilespmem:s1+$0xFFFFFC60];
	v47 =	vpop (erf);
	(erf) = vpow2.f32 v6;
	v6 =	vmul.f32 $1.442695020e+00, v12  }
0xb1: {  	v2 =	vld [tilespmem:s9+$0xFFFFF7C0];
	v3 =	vsub.f32 $0.0e+00, v3;
	(erf) = vpow2.f32 v4;
	v4 =	vadd.f32 v7, v39;
	v7 =	vpop (erf)  }
0xb2: {  	v8 =	vadd.f32 v42, v8;
	(erf) = vpow2.f32 v6;
	v6 =	vadd.f32 $1.000000000e+00, v17;
	v49 =	vpop (erf)  }
0xb3: {  	v3 =	vmul.f32 $1.442695020e+00, v3;
	v4 =	vsub.f32 $0.0e+00, v4;
	v50 =	vpop (erf)  }
0xb4: {  	(erf) = vrcp.f32 v6;
	v6 =	vsub.f32 $0.0e+00, v8;
	v8 =	vadd.f32 v46, v44;
	v51 =	vpop (erf)  }
0xb5: {  	v4 =	vmul.f32 $1.442695020e+00, v4;
	(erf) = vpow2.f32 v3;
	v3 =	vadd.f32 v21, v5;
	v5 =	vpop (erf)  }
0xb6: {  	v2 =	vadd.f32 v2, v48;
	v6 =	vmul.f32 $1.442695020e+00, v6;
	v52 =	vpop (erf)  }
0xb7: {  	v8 =	vsub.f32 $0.0e+00, v8;
	(erf) = vpow2.f32 v4;
	v4 =	vadd.f32 $1.000000000e+00, v52  }
0xb8: {  	v3 =	vsub.f32 $0.0e+00, v3  }
0xb9: {  	v2 =	vsub.f32 $0.0e+00, v2;
	v8 =	vmul.f32 $1.442695020e+00, v8;
	v53 =	vpop (erf);
	(erf) = vpow2.f32 v6  }
0xba: {  	v3 =	vmul.f32 $1.442695020e+00, v3;
	v6 =	vpop (erf);
	(erf) = vrcp.f32 v4  }
0xbb: {  	v2 =	vmul.f32 $1.442695020e+00, v2;
	(erf) = vpow2.f32 v8;
	v4 =	vpop (erf)  }
0xbc: {  	(erf) = vpow2.f32 v3;
	v4 =	vadd.f32 $1.000000000e+00, v4  }
0xbd: {  	v3 =	vadd.f32 $1.000000000e+00, v33;
	(erf) = vpow2.f32 v2  }
0xbe: {  	v2 =	vadd.f32 $1.000000000e+00, v40;
	(erf) = vrcp.f32 v4  }
0xbf: {  	v8 =	vpop (erf);
	(erf) = vrcp.f32 v3  }
0xc0: {  	v54 =	vpop (erf);
	v4 =	vadd.f32 $1.000000000e+00, v41;
	(erf) = vrcp.f32 v2;
	v2 =	vadd.f32 $1.000000000e+00, v20  }
0xc1: {  	v62 =	vld [tilespmem:s1+$0x410];
	v7 =	vadd.f32 $1.000000000e+00, v7;
	v3 =	vadd.f32 $1.000000000e+00, v43  }
0xc2: {  	v24 =	vld [tilespmem:s9+$0x3D0];
	v56 =	vpop (erf);
	(erf) = vrcp.f32 v4  }
0xc3: {  	v58 =	vpop (erf);
	(erf) = vrcp.f32 v3  }
0xc4: {  	(erf) = vrcp.f32 v2;
	v2 =	vpop (erf)  }
0xc5: {  	v57 =	vld [tilespmem:s1+$0x400];
	v55 =	vadd.f32 $1.000000000e+00, v47;
	(erf) = vrcp.f32 v7;
	v7 =	vpop (erf)  }
0xc6: {  	v60 =	vld [tilespmem:s9+$0x3C0];
	v5 =	vadd.f32 v5, v5;
	v3 =	vadd.f32 $1.000000000e+00, v50;
	v63 =	vpop (erf)  }
0xc7: {  	v18 =	vadd.f32 v24, v62;
	v59 =	vadd.f32 $1.000000000e+00, v49;
	(erf) = vrcp.f32 v55;
	v25 =	vpop (erf)  }
0xc8: {  	(erf) = vrcp.f32 v3;
	v3 =	vadd.f32 $-1.000000000e+00, v5;
	v5 =	vadd.f32 $1.000000000e+00, v25  }
0xc9: {  	v13 =	vadd.f32 $1.000000000e+00, v53  }
0xca: {  	v18 =	vsub.f32 $0.0e+00, v18;
	(erf) = vrcp.f32 v59;
	v26 =	vpop (erf)  }
0xcb: {  	v11 =	vadd.f32 v60, v57;
	v61 =	vadd.f32 $1.000000000e+00, v51;
	(erf) = vrcp.f32 v13;
	v27 =	vpop (erf)  }
0xcc: {  	v8 =	vadd.f32 v8, v8;
	v9 =	vadd.f32 $1.000000000e+00, v54;
	(erf) = vrcp.f32 v5;
	v5 =	vpop (erf)  }
0xcd: {  	v28 =	vld [tilespmem:s9+$0x7D0];
	v11 =	vsub.f32 $0.0e+00, v11;
	v6 =	vadd.f32 $1.000000000e+00, v6;
	(erf) = vrcp.f32 v61;
	v29 =	vpop (erf)  }
0xce: {  	v8 =	vadd.f32 $-1.000000000e+00, v8;
	v14 =	vadd.f32 $1.000000000e+00, v58;
	(erf) = vrcp.f32 v9;
	v30 =	vpop (erf)  }
0xcf: {  	v31 =	vld [tilespmem:s9+$0x7E0];
	v12 =	vadd.f32 $1.000000000e+00, v56;
	v4 =	vadd.f32 v45, v45;
	(erf) = vrcp.f32 v6;
	v32 =	vpop (erf)  }
0xd0: {  	v10 =	vadd.f32 $1.000000000e+00, v63;
	v13 =	vadd.f32 v27, v27;
	v33 =	vpop (erf);
	(erf) = vrcp.f32 v14  }
0xd1: {  	v4 =	vadd.f32 $-1.000000000e+00, v4;
	v7 =	vadd.f32 $1.000000000e+00, v7;
	v6 =	vld [tilespmem:s9+$0x7C0];
	v35 =	vpop (erf);
	(erf) = vrcp.f32 v12  }
0xd2: {  	v34 =	vld [tilespmem:s9+$0x7F0];
	v36 =	vadd.f32 $-1.000000000e+00, v13;
	v37 =	vmul.f32 v33, v28;
	v38 =	vpop (erf);
	(erf) = vrcp.f32 v10  }
0xd3: {  	v5 =	vadd.f32 v5, v5;
	v3 =	vmul.f32 v3, v35;
	v40 =	vpop (erf);
	(erf) = vrcp.f32 v7  }
0xd4: {  	v39 =	vld [tilespmem:s9+$0x800];
	v17 =	vadd.f32 v29, v29;
	v16 =	vmul.f32 v38, v31;
	v8 =	vmul.f32 v8, v40;
	v41 =	vpop (erf)  }
0xd5: {  	v42 =	vld [tilespmem:s9+$0x820];
	v62 =	vmul.f32 $1.442695020e+00, v11;
	v5 =	vadd.f32 $-1.000000000e+00, v5;
	v3 =	vadd.f32 v3, v37;
	v43 =	vpop (erf)  }
0xd6: {  	v7 =	vld [tilespmem:s9+$0x810];
	v6 =	vmul.f32 v32, v6;
	v4 =	vmul.f32 v4, v43;
	v8 =	vadd.f32 v8, v16  }
0xd7: {  	v44 =	vld [tilespmem:s1+$0x420];
	v9 =	vadd.f32 v30, v30;
	v14 =	vmul.f32 v41, v34;
	v45 =	vpop (erf);
	v3 =	vmul.f32 $-2.000000000e+00, v3  }
0xd8: {  	v46 =	vld [tilespmem:s9+$0x3E0];
	v12 =	vmul.f32 v36, v45;
	v48 =	vpop (erf);
	v4 =	vadd.f32 v4, v6;
	v6 =	vmul.f32 $-2.000000000e+00, v8  }
0xd9: {  	v49 =	vld [tilespmem:s1+$0x430];
	v47 =	vadd.f32 $-1.000000000e+00, v17;
	v8 =	vmul.f32 v48, v39;
	v50 =	vpop (erf);
	v3 =	vmul.f32 $1.442695020e+00, v3  }
0xda: {  	v51 =	vld [tilespmem:s9+$0x3F0];
	v12 =	vadd.f32 v12, v14;
	v5 =	vmul.f32 v5, v50;
	v52 =	vpop (erf);
	v4 =	vmul.f32 $-2.000000000e+00, v4  }
0xdb: {  	v53 =	vld [tilespmem:s1+$0x440];
	v9 =	vadd.f32 $-1.000000000e+00, v9;
	v7 =	vmul.f32 v52, v7;
	v54 =	vpop (erf);
	v6 =	vmul.f32 $1.442695020e+00, v6  }
0xdc: {  	v55 =	vld [tilespmem:s9+$0x400];
	v12 =	vmul.f32 $-2.000000000e+00, v12;
	v5 =	vadd.f32 v5, v8;
	v8 =	vmul.f32 v47, v54;
	v56 =	vpop (erf)  }
0xdd: {  	v15 =	vadd.f32 v46, v44;
	v4 =	vmul.f32 $1.442695020e+00, v4;
	v10 =	vmul.f32 v56, v42;
	v58 =	vpop (erf)  }
0xde: {  	v57 =	vld [tilespmem:s1+$0x450];
	v2 =	vadd.f32 v2, v2;
	v5 =	vmul.f32 $-2.000000000e+00, v5;
	v9 =	vmul.f32 v9, v58  }
0xdf: {  	v59 =	vld [tilespmem:s9+$0x410];
	v7 =	vadd.f32 v8, v7;
	v8 =	vmul.f32 $1.442695020e+00, v12;
	(erf) = vpow2.f32 v4  }
0xe0: {  	v4 =	vadd.f32 v51, v49;
	v5 =	vmul.f32 $1.442695020e+00, v5;
	v9 =	vadd.f32 v9, v10  }
0xe1: {  	v60 =	vld [tilespmem:s1+$0x460];
	v7 =	vmul.f32 $-2.000000000e+00, v7;
	(erf) = vpow2.f32 v3;
	v3 =	vadd.f32 v55, v53  }
0xe2: {  	v61 =	vld [tilespmem:s9+$0x420];
	(erf) = vpow2.f32 v6;
	v6 =	vsub.f32 $0.0e+00, v15;
	v9 =	vmul.f32 $-2.000000000e+00, v9  }
0xe3: {  	v4 =	vsub.f32 $0.0e+00, v4;
	v7 =	vmul.f32 $1.442695020e+00, v7;
	(erf) = vpow2.f32 v8  }
0xe4: {  	v8 =	vadd.f32 v59, v57;
	(erf) = vpow2.f32 v5;
	v9 =	vmul.f32 $1.442695020e+00, v9  }
0xe5: {  	v3 =	vsub.f32 $0.0e+00, v3;
	(erf) = vpow2.f32 v7;
	v7 =	vmul.f32 $1.442695020e+00, v18  }
0xe6: {  	v6 =	vmul.f32 $1.442695020e+00, v6;
	v8 =	vsub.f32 $0.0e+00, v8;
	(erf) = vpow2.f32 v9  }
0xe7: {  	v5 =	vadd.f32 v61, v60;
	v4 =	vmul.f32 $1.442695020e+00, v4;
	(erf) = vpow2.f32 v62  }
0xe8: {  	v2 =	vadd.f32 $-1.000000000e+00, v2;
	v3 =	vmul.f32 $1.442695020e+00, v3;
	(erf) = vpow2.f32 v7  }
0xe9: {  	v5 =	vsub.f32 $0.0e+00, v5;
	v7 =	vpop (erf);
	(erf) = vpow2.f32 v6;
	v6 =	vmul.f32 $1.442695020e+00, v8  }
0xea: {  	s25 =	sshll.u32 s31, $0xB;
	v2 =	vmul.f32 v2, v26;
	v8 =	vpop (erf);
	(erf) = vpow2.f32 v4  }
0xeb: {  	s11 =	sand.u32 $0x3800, s25;
	v63 =	vmul.f32 $1.442695020e+00, v5;
	v4 =	vpop (erf);
	(erf) = vpow2.f32 v3  }
0xec: {  	s13 =	simm.s32 $0x0;
	s1 =	sadd.s32 $0x5C70, s11;
	s11 =	sadd.s32 $0x5840, s11;
	v5 =	vadd.f32 $1.000000000e+00, v8;
	v3 =	vadd.f32 $1.000000000e+00, v7;
	v7 =	vpop (erf);
	(erf) = vpow2.f32 v6  }
0xed: {  	s14 =	simm.s32 $0x1880;
	s25 =	sshll.u32 s0, $0x4;
	s12 =	smov.u32 s11;
	[tilespmem:s11+$0x30] =	vst v2;
	v4 =	vadd.f32 $1.000000000e+00, v4;
	v2 =	vadd.f32 $1.000000000e+00, v7;
	v6 =	vpop (erf);
	(erf) = vpow2.f32 v63  }
.LBB2_8:
0xee: {  	v7 =	vld [tilespmem:s14+$0x70];
	v6 =	vadd.f32 $1.000000000e+00, v6;
	s9 =	sadd.s32 $0x80, s9;
	(erf) = vrcp.f32 v3;
	v3 =	vpop (erf)  }
0xef: {  	s13 =	sadd.s32 $0x8, s13;
	v8 =	vld [tilespmem:s9+$0x30];
	v3 =	vadd.f32 $1.000000000e+00, v3;
	(erf) = vrcp.f32 v5;
	v5 =	vpop (erf)  }
0xf0: {  	p0 =	slt.u32 s13, $0x38;
	v9 =	vld [tilespmem:s14+$0xFFFFF870];
	v5 =	vadd.f32 $1.000000000e+00, v5;
	v10 =	vpop (erf);
	(erf) = vrcp.f32 v4  }
0xf1: {  	v4 =	vld [tilespmem:s14+$0xFFFFFC70];
	v10 =	vadd.f32 $1.000000000e+00, v10;
	v11 =	vpop (erf);
	(erf) = vrcp.f32 v2  }
0xf2: {  	v2 =	vld [tilespmem:s9+$0xFFFFFC30];
	v11 =	vadd.f32 $1.000000000e+00, v11;
	v12 =	vpop (erf);
	(erf) = vrcp.f32 v6  }
0xf3: {  	v6 =	vld [tilespmem:s9+$0xFFFFF830];
	v12 =	vadd.f32 $1.000000000e+00, v12;
	v13 =	vpop (erf);
	(erf) = vrcp.f32 v3  }
0xf4: {  	v3 =	vld [tilespmem:s14+$0x0];
	v7 =	vadd.f32 v8, v7;
	v8 =	vadd.f32 $1.000000000e+00, v13;
	v13 =	vpop (erf);
	(erf) = vrcp.f32 v5  }
0xf5: {  	v5 =	vld [tilespmem:s9+$0xFFFFFFC0];
	v13 =	vadd.f32 $1.000000000e+00, v13;
	(erf) = vrcp.f32 v10;
	v10 =	vpop (erf)  }
0xf6: {  	v14 =	vld [tilespmem:s14+$0x10];
	v7 =	vmul.f32 $-2.000000000e+00, v7;
	v10 =	vadd.f32 $1.000000000e+00, v10;
	(erf) = vrcp.f32 v11;
	v11 =	vpop (erf)  }
0xf7: {  	v15 =	vld [tilespmem:s9+$0xFFFFFFD0];
	v2 =	vadd.f32 v2, v4;
	v4 =	vadd.f32 $1.000000000e+00, v11;
	v11 =	vpop (erf);
	(erf) = vrcp.f32 v12  }
0xf8: {  	v12 =	vld [tilespmem:s14+$0x20];
	v6 =	vadd.f32 v6, v9;
	v17 =	vmul.f32 $1.442695020e+00, v7;
	v9 =	vpop (erf);
	(erf) = vrcp.f32 v8  }
0xf9: {  	v11 =	vadd.f32 v11, v11;
	v8 =	vld [tilespmem:s9+$0xFFFFFFE0];
	v2 =	vsub.f32 $0.0e+00, v2;
	v16 =	vpop (erf);
	(erf) = vrcp.f32 v13  }
0xfa: {  	v3 =	vadd.f32 v5, v3;
	v5 =	vld [tilespmem:s14+$0x30];
	v6 =	vsub.f32 $0.0e+00, v6;
	(erf) = vpow2.f32 v17;
	v7 =	vpop (erf)  }
0xfb: {  	v17 =	vadd.f32 v9, v9;
	v13 =	vld [tilespmem:s9+$0xFFFFFFF0];
	v22 =	vmul.f32 $1.442695020e+00, v2;
	v18 =	vpop (erf);
	(erf) = vrcp.f32 v10  }
0xfc: {  	v3 =	vmul.f32 $-2.000000000e+00, v3;
	v24 =	vadd.f32 v15, v14;
	v14 =	vld [tilespmem:s14+$0x40];
	v6 =	vmul.f32 $1.442695020e+00, v6;
	v15 =	vpop (erf)  }
0xfd: {  	v20 =	vadd.f32 v16, v16;
	v21 =	vadd.f32 v7, v7;
	v19 =	vld [tilespmem:s9+$0x0];
	(erf) = vpow2.f32 v22;
	v2 =	vpop (erf)  }
0xfe: {  	v16 =	vmul.f32 $-2.000000000e+00, v24;
	v12 =	vadd.f32 v8, v12;
	v22 =	vld [tilespmem:s14+$0x50];
	(erf) = vpow2.f32 v6;
	v9 =	vpop (erf)  }
0xff: {  	v18 =	vadd.f32 v18, v18;
	v3 =	vmul.f32 $1.442695020e+00, v3;
	v23 =	vld [tilespmem:s9+$0x10];
	v10 =	vpop (erf);
	(erf) = vrcp.f32 v4  }
0x100: {  	v28 =	vmul.f32 $1.442695020e+00, v16;
	v12 =	vmul.f32 $-2.000000000e+00, v12;
	v5 =	vadd.f32 v13, v5;
	v24 =	vld [tilespmem:s14+$0x60];
	v7 =	vpop (erf)  }
0x101: {  	v26 =	vadd.f32 v15, v15;
	v27 =	vadd.f32 v2, v2;
	v25 =	vld [tilespmem:s9+$0x20];
	(erf) = vpow2.f32 v3;
	v8 =	vpop (erf)  }
0x102: {  	v16 =	vld [tilespmem:s9+$0xFFFFF7C0];
	v3 =	vmul.f32 $1.442695020e+00, v12;
	v5 =	vmul.f32 $-2.000000000e+00, v5;
	v29 =	vadd.f32 v19, v14;
	v6 =	vpop (erf)  }
0x103: {  	v13 =	vadd.f32 $-1.000000000e+00, v11;
	v12 =	vadd.f32 $-1.000000000e+00, v17;
	v14 =	vld [tilespmem:s14+$0xFFFFFC00];
	(erf) = vpow2.f32 v28;
	v4 =	vpop (erf)  }
0x104: {  	v15 =	vld [tilespmem:s9+$0xFFFFFBC0];
	v17 =	vmul.f32 $-2.000000000e+00, v29;
	v19 =	vadd.f32 v23, v22;
	v4 =	vadd.f32 $1.000000000e+00, v4;
	v2 =	vpop (erf)  }
0x105: {  	v11 =	vadd.f32 $-1.000000000e+00, v20;
	v28 =	vmul.f32 $1.442695020e+00, v5;
	v22 =	vld [tilespmem:s14+$0xFFFFF810];
	(erf) = vpow2.f32 v3  }
0x106: {  	v20 =	vld [tilespmem:s9+$0xFFFFF7D0];
	v29 =	vmul.f32 $-2.000000000e+00, v19;
	v19 =	vadd.f32 v25, v24;
	v23 =	vpop (erf);
	(erf) = vrcp.f32 v4  }
0x107: {  	v4 =	vmul.f32 $1.442695020e+00, v17;
	v24 =	vld [tilespmem:s14+$0xFFFFFC10];
	v17 =	vadd.f32 $1.000000000e+00, v23;
	(erf) = vpow2.f32 v28;
	v5 =	vpop (erf)  }
0x108: {  	v23 =	vld [tilespmem:s9+$0xFFFFFBD0];
	v25 =	vmul.f32 $1.442695020e+00, v29;
	v19 =	vmul.f32 $-2.000000000e+00, v19;
	v5 =	vadd.f32 $1.000000000e+00, v5;
	v3 =	vpop (erf)  }
0x109: {  	v30 =	vadd.f32 v15, v14;
	v29 =	vld [tilespmem:s14+$0xFFFFF820];
	(erf) = vrcp.f32 v17;
	v15 =	vadd.f32 $-1.000000000e+00, v21  }
0x10a: {  	v14 =	vadd.f32 $-1.000000000e+00, v18;
	v17 =	vld [tilespmem:s9+$0xFFFFF7E0];
	v19 =	vmul.f32 $1.442695020e+00, v19;
	v21 =	vpop (erf);
	(erf) = vrcp.f32 v5  }
0x10b: {  	v5 =	vsub.f32 $0.0e+00, v30;
	v18 =	vadd.f32 v20, v22;
	v20 =	vld [tilespmem:s14+$0xFFFFFC20];
	(erf) = vpow2.f32 v4  }
0x10c: {  	v30 =	vadd.f32 $1.000000000e+00, v21;
	v4 =	vadd.f32 $-1.000000000e+00, v26;
	v22 =	vld [tilespmem:s9+$0xFFFFFBE0];
	v28 =	vpop (erf);
	(erf) = vpow2.f32 v25  }
0x10d: {  	v23 =	vadd.f32 v23, v24;
	v18 =	vsub.f32 $0.0e+00, v18;
	v24 =	vld [tilespmem:s14+$0xFFFFF830];
	(erf) = vpow2.f32 v19  }
0x10e: {  	v31 =	vmul.f32 $1.442695020e+00, v5;
	v19 =	vadd.f32 $1.000000000e+00, v28;
	v25 =	vld [tilespmem:s9+$0xFFFFF7F0];
	(erf) = vrcp.f32 v30;
	v21 =	vpop (erf)  }
0x10f: {  	v23 =	vsub.f32 $0.0e+00, v23;
	v32 =	vmul.f32 $1.442695020e+00, v18;
	v17 =	vadd.f32 v17, v29;
	v26 =	vld [tilespmem:s9+$0x830];
	v28 =	vpop (erf)  }
0x110: {  	v21 =	vadd.f32 $1.000000000e+00, v21;
	v29 =	vld [tilespmem:s14+$0xFFFFFC30];
	v33 =	vadd.f32 v28, v28;
	(erf) = vpow2.f32 v31;
	v5 =	vpop (erf)  }
0x111: {  	v23 =	vmul.f32 $1.442695020e+00, v23;
	v22 =	vadd.f32 v22, v20;
	v17 =	vsub.f32 $0.0e+00, v17;
	v30 =	vld [tilespmem:s9+$0xFFFFFBF0]  }
0x112: {  	v20 =	vadd.f32 $1.000000000e+00, v5;
	v31 =	vld [tilespmem:s14+$0xFFFFF840];
	v5 =	vadd.f32 $-1.000000000e+00, v33;
	(erf) = vpow2.f32 v32;
	v18 =	vpop (erf)  }
0x113: {  	v22 =	vsub.f32 $0.0e+00, v22;
	v34 =	vmul.f32 $1.442695020e+00, v17;
	v24 =	vadd.f32 v25, v24;
	v25 =	vld [tilespmem:s9+$0xFFFFF800];
	v28 =	vpop (erf)  }
0x114: {  	v32 =	vld [tilespmem:s14+$0x470];
	v18 =	vmul.f32 v18, v26;
	v26 =	vmul.f32 v5, v28;
	v28 =	vpop (erf);
	v5 =	vadd.f32 $-1.000000000e+00, v27  }
0x115: {  	v22 =	vmul.f32 $1.442695020e+00, v22;
	v24 =	vsub.f32 $0.0e+00, v24;
	v33 =	vld [tilespmem:s9+$0x430];
	(erf) = vpow2.f32 v23;
	v23 =	vpop (erf)  }
0x116: {  	v29 =	vadd.f32 v30, v29;
	v30 =	vld [tilespmem:s14+$0xFFFFFC40];
	v18 =	vadd.f32 v26, v18;
	(erf) = vpow2.f32 v34;
	v17 =	vpop (erf)  }
0x117: {  	v27 =	vadd.f32 $1.000000000e+00, v28;
	v24 =	vmul.f32 $1.442695020e+00, v24;
	v26 =	vld [tilespmem:s9+$0xFFFFFC00];
	v28 =	vpop (erf);
	(erf) = vpow2.f32 v22  }
0x118: {  	v22 =	vsub.f32 $0.0e+00, v29;
	v29 =	vadd.f32 v25, v31;
	v31 =	vld [tilespmem:s14+$0xFFFFF850];
	v18 =	vmul.f32 $-2.000000000e+00, v18  }
0x119: {  	v35 =	vadd.f32 $1.000000000e+00, v23;
	v25 =	vadd.f32 $1.000000000e+00, v17;
	v34 =	vld [tilespmem:s9+$0xFFFFF810];
	v17 =	vpop (erf);
	(erf) = vpow2.f32 v24  }
0x11a: {  	v23 =	vsub.f32 $0.0e+00, v29;
	v24 =	vld [tilespmem:s14+$0xFFFFFC50];
	v29 =	vadd.f32 v33, v32;
	v18 =	vmul.f32 $1.442695020e+00, v18  }
0x11b: {  	v32 =	vadd.f32 $1.000000000e+00, v17;
	v17 =	vmul.f32 $1.442695020e+00, v22;
	v22 =	vld [tilespmem:s9+$0xFFFFFC10];
	v33 =	vpop (erf);
	(erf) = vrcp.f32 v19  }
0x11c: {  	v19 =	vadd.f32 v26, v30;
	v30 =	vld [tilespmem:s14+$0xFFFFF860];
	v37 =	vsub.f32 $0.0e+00, v29;
	(erf) = vpow2.f32 v18  }
0x11d: {  	v26 =	vadd.f32 $1.000000000e+00, v33;
	v18 =	vmul.f32 $1.442695020e+00, v23;
	v33 =	vld [tilespmem:s9+$0xFFFFF820];
	(erf) = vpow2.f32 v17  }
0x11e: {  	v17 =	vsub.f32 $0.0e+00, v19;
	v19 =	vadd.f32 v34, v31;
	v31 =	vld [tilespmem:s14+$0xFFFFFC60];
	v23 =	vmul.f32 $1.442695020e+00, v37;
	v29 =	vpop (erf)  }
0x11f: {  	v28 =	vadd.f32 v28, v28;
	v29 =	vadd.f32 $1.000000000e+00, v29;
	v34 =	vld [tilespmem:s9+$0xFFFFFC20];
	v36 =	vpop (erf);
	(erf) = vpow2.f32 v18  }
0x120: {  	v18 =	vld [tilespmem:s14+$0xFFFFF800];
	v24 =	vadd.f32 v22, v24;
	v39 =	vsub.f32 $0.0e+00, v19;
	v37 =	vpop (erf);
	(erf) = vpow2.f32 v23  }
0x121: {  	v40 =	vmul.f32 $1.442695020e+00, v17;
	v22 =	vld [tilespmem:s9+$0x7C0];
	v37 =	vadd.f32 $1.000000000e+00, v37;
	(erf) = vrcp.f32 v21  }
0x122: {  	v23 =	vld [tilespmem:s9+$0x7D0];
	v24 =	vsub.f32 $0.0e+00, v24;
	v39 =	vmul.f32 $1.442695020e+00, v39;
	v30 =	vadd.f32 v33, v30;
	v19 =	vpop (erf)  }
0x123: {  	v33 =	vadd.f32 $1.000000000e+00, v36;
	v21 =	vld [tilespmem:s9+$0x7E0];
	v36 =	vadd.f32 $1.000000000e+00, v19;
	(erf) = vpow2.f32 v40  }
0x124: {  	v19 =	vld [tilespmem:s9+$0x7F0];
	v24 =	vmul.f32 $1.442695020e+00, v24;
	v31 =	vadd.f32 v34, v31;
	v30 =	vsub.f32 $0.0e+00, v30;
	v17 =	vpop (erf)  }
0x125: {  	v16 =	vadd.f32 v16, v18;
	v34 =	vadd.f32 v17, v17;
	v18 =	vld [tilespmem:s9+$0x800];
	(erf) = vpow2.f32 v39;
	v38 =	vpop (erf)  }
0x126: {  	v17 =	vld [tilespmem:s9+$0x810];
	v42 =	vsub.f32 $0.0e+00, v31;
	v43 =	vmul.f32 $1.442695020e+00, v30;
	v38 =	vadd.f32 $1.000000000e+00, v38;
	v39 =	vpop (erf)  }
0x127: {  	v40 =	vsub.f32 $0.0e+00, v16;
	v39 =	vadd.f32 $1.000000000e+00, v39;
	v16 =	vld [tilespmem:s9+$0x820];
	(erf) = vpow2.f32 v24  }
0x128: {  	v24 =	vadd.f32 $-1.000000000e+00, v28;
	v41 =	vld [tilespmem:s14+$0x400];
	v28 =	vmul.f32 $1.442695020e+00, v42;
	v31 =	vpop (erf);
	(erf) = vrcp.f32 v38  }
0x129: {  	v38 =	vld [tilespmem:s9+$0x3C0];
	v44 =	vmul.f32 $1.442695020e+00, v40;
	v31 =	vadd.f32 $1.000000000e+00, v31;
	(erf) = vpow2.f32 v43;
	v30 =	vpop (erf)  }
0x12a: {  	v34 =	vadd.f32 $-1.000000000e+00, v34;
	v42 =	vld [tilespmem:s14+$0x410];
	v30 =	vadd.f32 $1.000000000e+00, v30;
	v43 =	vpop (erf);
	(erf) = vpow2.f32 v28  }
0x12b: {  	v9 =	vmul.f32 v13, v9;
	v28 =	vld [tilespmem:s9+$0x3D0];
	v43 =	vadd.f32 v43, v43;
	(erf) = vpow2.f32 v44  }
0x12c: {  	v10 =	vmul.f32 v12, v10;
	v13 =	vld [tilespmem:s14+$0x420];
	v40 =	vpop (erf);
	(erf) = vrcp.f32 v30  }
0x12d: {  	v12 =	vld [tilespmem:s9+$0x3E0];
	v30 =	vadd.f32 $-1.000000000e+00, v43;
	v40 =	vadd.f32 $1.000000000e+00, v40;
	(erf) = vrcp.f32 v20;
	[tilespmem:s11+$0xFFFFFFC0] =	vst v9  }
0x12e: {  	v7 =	vmul.f32 v11, v7;
	v9 =	vadd.f32 v38, v41;
	v20 =	vld [tilespmem:s14+$0x430];
	(erf) = vrcp.f32 v27;
	v27 =	vpop (erf);
	[tilespmem:s11+$0xFFFFFFD0] =	vst v10  }
0x12f: {  	v8 =	vmul.f32 v15, v8;
	v10 =	vld [tilespmem:s9+$0x3F0];
	v11 =	vadd.f32 $1.000000000e+00, v27;
	(erf) = vrcp.f32 v35  }
0x130: {  	v9 =	vsub.f32 $0.0e+00, v9;
	v15 =	vadd.f32 v28, v42;
	v27 =	vld [tilespmem:s14+$0x440];
	v28 =	vpop (erf);
	(erf) = vrcp.f32 v25;
	[tilespmem:s11+$0xFFFFFFE0] =	vst v7  }
0x131: {  	v6 =	vmul.f32 v14, v6;
	v7 =	vld [tilespmem:s9+$0x400];
	v25 =	vadd.f32 $1.000000000e+00, v28;
	(erf) = vrcp.f32 v32;
	v28 =	vpop (erf);
	[tilespmem:s11+$0xFFFFFFF0] =	vst v8  }
0x132: {  	v8 =	vadd.f32 v12, v13;
	v12 =	vld [tilespmem:s14+$0x450];
	v13 =	vadd.f32 v28, v28;
	(erf) = vrcp.f32 v29;
	v14 =	vpop (erf)  }
0x133: {  	v15 =	vsub.f32 $0.0e+00, v15;
	v28 =	vld [tilespmem:s9+$0x410];
	v14 =	vadd.f32 $1.000000000e+00, v14;
	(erf) = vrcp.f32 v26;
	v26 =	vpop (erf);
	[tilespmem:s11+$0x0] =	vst v6  }
0x134: {  	v6 =	vld [tilespmem:s14+$0x460];
	v26 =	vadd.f32 $1.000000000e+00, v26;
	v13 =	vadd.f32 $-1.000000000e+00, v13;
	v29 =	vpop (erf);
	(erf) = vrcp.f32 v37  }
0x135: {  	v10 =	vadd.f32 v10, v20;
	v35 =	vadd.f32 $1.000000000e+00, v29;
	v20 =	vld [tilespmem:s9+$0x420];
	(erf) = vrcp.f32 v33;
	v32 =	vpop (erf)  }
0x136: {  	v7 =	vadd.f32 v7, v27;
	v32 =	vmul.f32 v13, v32;
	(erf) = vrcp.f32 v39;
	v27 =	vpop (erf)  }
0x137: {  	s11 =	sadd.s32 $0x80, s11;
	v8 =	vsub.f32 $0.0e+00, v8;
	v27 =	vadd.f32 v27, v27;
	(erf) = vrcp.f32 v35;
	v29 =	vpop (erf)  }
0x138: {  	v29 =	vadd.f32 v29, v29;
	v12 =	vadd.f32 v28, v12;
	[tilespmem:s11+$0x30] =	vst v32;
	(erf) = vrcp.f32 v36;
	v13 =	vpop (erf)  }
0x139: {  	v27 =	vadd.f32 $-1.000000000e+00, v27;
	v13 =	vadd.f32 v13, v13;
	(erf) = vrcp.f32 v40;
	v28 =	vpop (erf)  }
0x13a: {  	v29 =	vadd.f32 $-1.000000000e+00, v29;
	v33 =	vadd.f32 v28, v28;
	v32 =	vpop (erf);
	(erf) = vrcp.f32 v31  }
0x13b: {  	v22 =	vmul.f32 v32, v22;
	v13 =	vadd.f32 $-1.000000000e+00, v13;
	v31 =	vpop (erf);
	(erf) = vrcp.f32 v25  }
0x13c: {  	v23 =	vmul.f32 v31, v23;
	v25 =	vadd.f32 $-1.000000000e+00, v33;
	v28 =	vpop (erf);
	(erf) = vrcp.f32 v11  }
0x13d: {  	v6 =	vadd.f32 v20, v6;
	v11 =	vmul.f32 v34, v28;
	v20 =	vpop (erf);
	(erf) = vrcp.f32 v26  }
0x13e: {  	v10 =	vsub.f32 $0.0e+00, v10;
	v26 =	vmul.f32 v20, v21;
	v21 =	vpop (erf);
	(erf) = vrcp.f32 v14  }
0x13f: {  	v7 =	vsub.f32 $0.0e+00, v7;
	v11 =	vadd.f32 v11, v23;
	v14 =	vmul.f32 v30, v21;
	v21 =	vpop (erf)  }
0x140: {  	v12 =	vsub.f32 $0.0e+00, v12;
	v6 =	vsub.f32 $0.0e+00, v6;
	v19 =	vmul.f32 v21, v19;
	v21 =	vpop (erf)  }
0x141: {  	v21 =	vmul.f32 v24, v21;
	v11 =	vmul.f32 $-2.000000000e+00, v11;
	v14 =	vadd.f32 v14, v26;
	v20 =	vpop (erf)  }
0x142: {  	v9 =	vmul.f32 $1.442695020e+00, v9;
	v20 =	vmul.f32 v27, v20;
	v23 =	vpop (erf)  }
0x143: {  	v21 =	vadd.f32 v21, v22;
	v14 =	vmul.f32 $-2.000000000e+00, v14;
	v18 =	vmul.f32 v23, v18;
	v22 =	vpop (erf)  }
0x144: {  	v11 =	vmul.f32 $1.442695020e+00, v11;
	v19 =	vadd.f32 v20, v19;
	v23 =	vmul.f32 v29, v22;
	v22 =	vpop (erf)  }
0x145: {  	v21 =	vmul.f32 $-2.000000000e+00, v21;
	v17 =	vmul.f32 v22, v17;
	v22 =	vpop (erf)  }
0x146: {  	v19 =	vmul.f32 $-2.000000000e+00, v19;
	v18 =	vadd.f32 v23, v18;
	v13 =	vmul.f32 v13, v22;
	v20 =	vpop (erf)  }
0x147: {  	v21 =	vmul.f32 $1.442695020e+00, v21;
	v16 =	vmul.f32 v20, v16;
	v20 =	vpop (erf)  }
0x148: {  	v18 =	vmul.f32 $-2.000000000e+00, v18;
	v13 =	vadd.f32 v13, v17;
	v17 =	vmul.f32 v25, v20  }
0x149: {  	v14 =	vmul.f32 $1.442695020e+00, v14;
	v19 =	vmul.f32 $1.442695020e+00, v19  }
0x14a: {  	v18 =	vmul.f32 $1.442695020e+00, v18;
	v13 =	vmul.f32 $-2.000000000e+00, v13;
	v16 =	vadd.f32 v17, v16  }
0x14b: {  	v15 =	vmul.f32 $1.442695020e+00, v15;
	(erf) = vpow2.f32 v21  }
0x14c: {  	v13 =	vmul.f32 $1.442695020e+00, v13;
	v16 =	vmul.f32 $-2.000000000e+00, v16  }
0x14d: {  	v8 =	vmul.f32 $1.442695020e+00, v8;
	(erf) = vpow2.f32 v11  }
0x14e: {  	v11 =	vmul.f32 $1.442695020e+00, v16;
	(erf) = vpow2.f32 v14  }
0x14f: {  	v10 =	vmul.f32 $1.442695020e+00, v10;
	(erf) = vpow2.f32 v19  }
0x150: {  	v7 =	vmul.f32 $1.442695020e+00, v7;
	(erf) = vpow2.f32 v18  }
0x151: {  	v12 =	vmul.f32 $1.442695020e+00, v12;
	(erf) = vpow2.f32 v13  }
0x152: {  	v13 =	vmul.f32 $1.442695020e+00, v6;
	(erf) = vpow2.f32 v11  }
0x153: {  	v6 =	vmul.f32 v4, v2;
	(erf) = vpow2.f32 v9  }
0x154: {  	v5 =	vmul.f32 v5, v3;
	v4 =	vpop (erf);
	(erf) = vpow2.f32 v15  }
.Ltmp4:
0x155: {  	v3 =	vadd.f32 $1.000000000e+00, v4;
	(erf) = vpow2.f32 v8;
	[tilespmem:s12+$0x10] =	vst v6;
	(pc) =	sbr.rel @p0 .LBB2_8-.Ltmp4, $4  }
0x156: {  	v2 =	vpop (erf);
	(erf) = vpow2.f32 v10;
	[tilespmem:s12+$0x20] =	vst v5;
	s12 =	smov.u32 s11  }
0x157: {  	v5 =	vadd.f32 $1.000000000e+00, v2;
	v2 =	vpop (erf);
	(erf) = vpow2.f32 v7  }
0x158: {  	v4 =	vadd.f32 $1.000000000e+00, v2;
	v2 =	vpop (erf);
	(erf) = vpow2.f32 v12  }
0x159: {  	s14 =	sadd.s32 $0x80, s14;
	v2 =	vadd.f32 $1.000000000e+00, v2;
	v6 =	vpop (erf);
	(erf) = vpow2.f32 v13  }
0x15a: {  	(erf) = vrcp.f32 v3;
	v3 =	vpop (erf)  }
0x15b: {  	(erf) = vrcp.f32 v5;
	v5 =	vpop (erf)  }
0x15c: {  	v6 =	vadd.f32 $1.000000000e+00, v6;
	v7 =	vpop (erf);
	(erf) = vrcp.f32 v4  }
0x15d: {  	v3 =	vadd.f32 $1.000000000e+00, v3;
	v4 =	vpop (erf);
	(erf) = vrcp.f32 v2  }
0x15e: {  	v2 =	vadd.f32 $1.000000000e+00, v5;
	v5 =	vpop (erf);
	(erf) = vrcp.f32 v6  }
0x15f: {  	v6 =	vadd.f32 $1.000000000e+00, v7;
	v7 =	vpop (erf);
	(erf) = vrcp.f32 v3;
	v3 =	vadd.f32 $1.000000000e+00, v4;
	_ =	sdelay $0x1  }
0x160: {  	v4 =	vpop (erf);
	(erf) = vrcp.f32 v2  }
0x161: {  	v2 =	vadd.f32 $1.000000000e+00, v5;
	(erf) = vrcp.f32 v6;
	v5 =	vpop (erf);
	v6 =	vadd.f32 $1.000000000e+00, v7  }
0x162: {  	v4 =	vadd.f32 $1.000000000e+00, v4;
	(erf) = vrcp.f32 v3;
	v3 =	vpop (erf)  }
0x163: {  	(erf) = vrcp.f32 v2;
	v7 =	vpop (erf)  }
0x164: {  	v2 =	vadd.f32 $1.000000000e+00, v5;
	v5 =	vpop (erf);
	(erf) = vrcp.f32 v6  }
0x165: {  	v3 =	vadd.f32 $1.000000000e+00, v3;
	v6 =	vpop (erf);
	(erf) = vrcp.f32 v4  }
0x166: {  	v4 =	vpop (erf);
	(erf) = vrcp.f32 v2  }
0x167: {  	v2 =	vadd.f32 v7, v7;
	v7 =	vpop (erf);
	(erf) = vrcp.f32 v3  }
0x168: {  	v6 =	vadd.f32 v6, v6;
	v3 =	vadd.f32 v5, v5;
	v5 =	vpop (erf)  }
0x169: {  	v4 =	vadd.f32 v4, v4;
	v2 =	vadd.f32 $-1.000000000e+00, v2;
	v8 =	vpop (erf)  }
0x16a: {  	v6 =	vadd.f32 $-1.000000000e+00, v6;
	v3 =	vadd.f32 $-1.000000000e+00, v3;
	v9 =	vpop (erf)  }
0x16b: {  	v7 =	vadd.f32 v7, v7;
	v4 =	vadd.f32 $-1.000000000e+00, v4;
	v10 =	vpop (erf);
	v2 =	vmul.f32 v2, v9  }
0x16c: {  	v5 =	vadd.f32 v5, v5;
	v16 =	vpop (erf);
	v3 =	vmul.f32 v3, v10  }
0x16d: {  	v8 =	vadd.f32 v8, v8;
	v7 =	vadd.f32 $-1.000000000e+00, v7;
	v17 =	vpop (erf);
	[tilespmem:s11+$0xFFFFFFC0] =	vst v2;
	v2 =	vmul.f32 v6, v16  }
0x16e: {  	v5 =	vadd.f32 $-1.000000000e+00, v5;
	v6 =	vpop (erf);
	[tilespmem:s11+$0xFFFFFFD0] =	vst v3;
	v3 =	vmul.f32 v4, v17  }
0x16f: {  	v8 =	vadd.f32 $-1.000000000e+00, v8;
	v4 =	vpop (erf);
	[tilespmem:s11+$0xFFFFFFE0] =	vst v2;
	v2 =	vmul.f32 v7, v6  }
0x170: {  	p0 =	seq.s32 s0, $0x27F;
	v6 =	vpop (erf);
	[tilespmem:s11+$0xFFFFFFF0] =	vst v3;
	v3 =	vmul.f32 v5, v4  }
0x171: {  	s9 =	sadd.s32 @!p0 $0x10, s25;
	[tilespmem:s11+$0x0] =	vst v2;
	v2 =	vmul.f32 v8, v6  }
0x172: {  	s9 =	sand.u32 @!p0 $0x7F0, s9;
	[tilespmem:s12+$0x10] =	vst v3  }
0x173: {  	s11 =	sor.u32 @!p0 $0x800, s9;
	[tilespmem:s12+$0x20] =	vst v2  }
0x174: {  	v2 =	vld.msk @!p0 [tilespmem:s11+$0x0], $0xff;
	_ =	sdelay $0x4  }
0x175: {  	v3 =	vshll.u32 @!p0 v2, $0x2  }
0x176: {  	v4 =	vlaneseq.u32 @!p0;
	v2 =	vand.u32 @!p0 $0x7, v2;
	v3 =	vand.u32 @!p0 $0xFFFFFFE0, v3  }
0x177: {  	v2 =	vor.u32 @!p0 v2, v3;
	v3 =	vand.u32 @!p0 $0x7, v4;
	v4 =	vshrl.u32 @!p0 v4, $0x3  }
0x178: {  	v2 =	vperm.xlane @!p0 v2, v3;
	v4 =	vmul.u32 @!p0 $0x8, v4;
	_ =	sdelay $0x1  }
0x179: {  	v2 =	vadd.s32 @!p0 v4, v2;
	_ =	sdelay $0x3  }
0x17a: {  	vm2 =	vmmov @!p0 $0xffff;
	s12 =	simm.s32 @!p0 $0x1000;
	s11 =	simm.s32 @!p0 $0x0  }
0x17b: {  	[tilespmem:s12], [sflag:$0x1] =	stream.indirect_vreg.gather @!p0 [hbm4b:s6+s11], $0x80, v2, vm2, $0xb8;
	[tilespmem:$0x1D800] =	vst v63  }
0x17c: {  	s12 =	simm.s32 @!p0 $0x1800  }
0x17d: {  	[tilespmem:s12], [sflag:$0x1] =	stream.indirect_vreg.gather @!p0 [hbm4b:s15+s11], $0x80, v2, vm2, $0xb8;
	[tilespmem:$0x1D800] =	vst v63  }
0x17e: {  	v2 =	vld.msk @!p0 [tilespmem:s9+$0x0], $0xff;
	_ =	sdelay $0x4  }
0x17f: {  	v5 =	vshrl.u32 @!p0 v2, $0x3  }
0x180: {  	v5 =	vmul.u32 @!p0 $0x28, v5  }
0x181: {  	v2 =	vand.u32 @!p0 $0x7, v2  }
0x182: {  	v2 =	vor.u32 @!p0 v2, v5  }
0x183: {  	v2 =	vperm.xlane @!p0 v2, v3;
	_ =	sdelay $0x1  }
0x184: {  	v2 =	vadd.s32 @!p0 v4, v2;
	_ =	sdelay $0x3  }
0x185: {  	s9 =	simm.s32 @!p0 $0x3000  }
0x186: {  	[tilespmem:s9], [sflag:$0x1] =	stream.indirect_vreg.gather @!p0 [hbm4b:s7+s11], $0x80, v2, vm2, $0xb8;
	[tilespmem:$0x1D800] =	vst v63  }
0x187: {  	s9 =	simm.s32 @!p0 $0x3800  }
0x188: {  	[tilespmem:s9], [sflag:$0x1] =	stream.indirect_vreg.gather @!p0 [hbm4b:s16+s11], $0x80, v2, vm2, $0xb8;
	[tilespmem:$0x1D800] =	vst v63  }
0x189: {  	vm3 =	vmmov @!p0 $0xff;
	s9 =	simm.s32 @!p0 $0x4000  }
0x18a: {  	[tilespmem:s9], [sflag:$0x1] =	stream.indirect_vreg.gather @!p0 [hbm4b:s17+s11], $0x80, v2, vm3, $0xb8;
	[tilespmem:$0x1D800] =	vst v63  }
0x18b: {  	_ =	swait.ge [sflag:s29], $0x1000  }
0x18c: {  	[sflag:s29] =	ssyncset.done $0x0  }
0x18d: {  	[sflag:s29] =	ssyncadd.s32 $0xFFFFF000  }
0x18e: {  	_ =	swait.ge [sflag:s29], $0x1400  }
0x18f: {  	[sflag:s29] =	ssyncset.done $0x0  }
0x190: {  	s14 =	simm.s32 $0x2800;
	[sflag:s29] =	ssyncadd.s32 $0xFFFFEC00  }
0x191: {  	s9 =	simm.s32 $0x4C40;
	v2 =	vld [tilespmem:s14+$0x70]  }
0x192: {  	v3 =	vld [tilespmem:s9+$0x30]  }
0x193: {  	v4 =	vld [tilespmem:s14+$0xFFFFF870]  }
0x194: {  	v5 =	vld [tilespmem:s14+$0xFFFFFC70]  }
0x195: {  	v6 =	vld [tilespmem:s9+$0xFFFFFC30]  }
0x196: {  	v7 =	vld [tilespmem:s9+$0xFFFFF830]  }
0x197: {  	v8 =	vld [tilespmem:s14+$0x0];
	v2 =	vadd.f32 v3, v2  }
0x198: {  	v18 =	vld [tilespmem:s14+$0x10]  }
0x199: {  	v19 =	vld [tilespmem:s9+$0xFFFFFFD0];
	v2 =	vmul.f32 $-2.000000000e+00, v2  }
0x19a: {  	v11 =	vld [tilespmem:s14+$0x30];
	v5 =	vadd.f32 v6, v5  }
0x19b: {  	v3 =	vld [tilespmem:s9+$0xFFFFFFC0];
	v4 =	vadd.f32 v7, v4;
	v2 =	vmul.f32 $1.442695020e+00, v2  }
0x19c: {  	v6 =	vld [tilespmem:s14+$0x20];
	v5 =	vsub.f32 $0.0e+00, v5  }
0x19d: {  	v7 =	vld [tilespmem:s9+$0xFFFFFFE0];
	v4 =	vsub.f32 $0.0e+00, v4;
	(erf) = vpow2.f32 v2  }
0x19e: {  	v12 =	vld [tilespmem:s14+$0x40];
	v5 =	vmul.f32 $1.442695020e+00, v5  }
0x19f: {  	v20 =	vld [tilespmem:s14+$0x50];
	v4 =	vmul.f32 $1.442695020e+00, v4  }
0x1a0: {  	v3 =	vadd.f32 v3, v8;
	v2 =	vld [tilespmem:s9+$0xFFFFFFF0];
	(erf) = vpow2.f32 v5  }
0x1a1: {  	v21 =	vld [tilespmem:s9+$0x20];
	v5 =	vadd.f32 v19, v18;
	(erf) = vpow2.f32 v4  }
0x1a2: {  	v14 =	vld [tilespmem:s14+$0xFFFFF810];
	v3 =	vmul.f32 $-2.000000000e+00, v3;
	v4 =	vadd.f32 v7, v6  }
0x1a3: {  	v22 =	vld [tilespmem:s9+$0xFFFFF7D0];
	v5 =	vmul.f32 $-2.000000000e+00, v5  }
0x1a4: {  	v23 =	vld [tilespmem:s14+$0xFFFFFC10];
	v3 =	vmul.f32 $1.442695020e+00, v3;
	v4 =	vmul.f32 $-2.000000000e+00, v4  }
0x1a5: {  	v8 =	vld [tilespmem:s9+$0x0];
	v5 =	vmul.f32 $1.442695020e+00, v5;
	v11 =	vadd.f32 v2, v11  }
0x1a6: {  	v6 =	vld [tilespmem:s9+$0x10];
	(erf) = vpow2.f32 v3;
	v3 =	vmul.f32 $1.442695020e+00, v4;
	v13 =	vpop (erf)  }
0x1a7: {  	v7 =	vld [tilespmem:s14+$0x60];
	v11 =	vmul.f32 $-2.000000000e+00, v11;
	(erf) = vpow2.f32 v5;
	v13 =	vadd.f32 $1.000000000e+00, v13  }
0x1a8: {  	v4 =	vld [tilespmem:s14+$0xFFFFFC00];
	(erf) = vpow2.f32 v3  }
0x1a9: {  	v5 =	vld [tilespmem:s9+$0xFFFFFBC0];
	v3 =	vmul.f32 $1.442695020e+00, v11;
	v15 =	vpop (erf);
	(erf) = vrcp.f32 v13  }
0x1aa: {  	v25 =	vld [tilespmem:s14+$0xFFFFF820];
	v15 =	vadd.f32 $1.000000000e+00, v15;
	v16 =	vpop (erf)  }
0x1ab: {  	v26 =	vld [tilespmem:s9+$0xFFFFF7E0];
	v8 =	vadd.f32 v8, v12;
	v24 =	vadd.f32 $1.000000000e+00, v16;
	(erf) = vpow2.f32 v3  }
0x1ac: {  	v27 =	vld [tilespmem:s14+$0xFFFFFC20];
	v6 =	vadd.f32 v6, v20;
	(erf) = vrcp.f32 v15  }
0x1ad: {  	v8 =	vmul.f32 $-2.000000000e+00, v8;
	v7 =	vadd.f32 v21, v7;
	v3 =	vld [tilespmem:s9+$0xFFFFFBD0];
	(erf) = vrcp.f32 v24  }
0x1ae: {  	v28 =	vld [tilespmem:s9+$0xFFFFFBE0];
	v6 =	vmul.f32 $-2.000000000e+00, v6;
	v4 =	vadd.f32 v5, v4  }
0x1af: {  	v30 =	vld [tilespmem:s14+$0xFFFFF830];
	v8 =	vmul.f32 $1.442695020e+00, v8;
	v7 =	vmul.f32 $-2.000000000e+00, v7;
	v5 =	vpop (erf)  }
0x1b0: {  	v31 =	vld [tilespmem:s9+$0x830];
	v11 =	vadd.f32 v22, v14;
	v6 =	vmul.f32 $1.442695020e+00, v6;
	v4 =	vsub.f32 $0.0e+00, v4;
	v29 =	vpop (erf)  }
0x1b1: {  	v34 =	vld [tilespmem:s9+$0xFFFFFBF0];
	v7 =	vmul.f32 $1.442695020e+00, v7;
	v5 =	vadd.f32 $1.000000000e+00, v5;
	(erf) = vpow2.f32 v8;
	v17 =	vpop (erf)  }
0x1b2: {  	v8 =	vld [tilespmem:s9+$0xFFFFF7F0];
	v4 =	vmul.f32 $1.442695020e+00, v4;
	(erf) = vpow2.f32 v6;
	v3 =	vadd.f32 v3, v23;
	v32 =	vpop (erf)  }
0x1b3: {  	v35 =	vld [tilespmem:s9+$0xFFFFF800];
	v6 =	vsub.f32 $0.0e+00, v11;
	(erf) = vpow2.f32 v7;
	v13 =	vadd.f32 v32, v32  }
0x1b4: {  	v36 =	vld [tilespmem:s14+$0x470];
	(erf) = vrcp.f32 v5;
	v5 =	vadd.f32 v26, v25;
	v3 =	vsub.f32 $0.0e+00, v3;
	v33 =	vpop (erf)  }
0x1b5: {  	v37 =	vld [tilespmem:s9+$0x430];
	v12 =	vadd.f32 v28, v27;
	v6 =	vmul.f32 $1.442695020e+00, v6;
	v18 =	vpop (erf);
	v13 =	vadd.f32 $-1.000000000e+00, v13  }
0x1b6: {  	v39 =	vld [tilespmem:s14+$0xFFFFF850];
	(erf) = vpow2.f32 v4;
	v5 =	vsub.f32 $0.0e+00, v5;
	v3 =	vmul.f32 $1.442695020e+00, v3;
	v19 =	vpop (erf)  }
0x1b7: {  	v7 =	vld [tilespmem:s14+$0xFFFFFC30];
	v8 =	vadd.f32 v8, v30;
	v11 =	vmul.f32 v18, v31;
	v13 =	vmul.f32 v13, v19  }
0x1b8: {  	v4 =	vld [tilespmem:s14+$0xFFFFF840];
	(erf) = vpow2.f32 v6;
	v6 =	vsub.f32 $0.0e+00, v12;
	v5 =	vmul.f32 $1.442695020e+00, v5  }
0x1b9: {  	v42 =	vld [tilespmem:s9+$0xFFFFFC10];
	v8 =	vsub.f32 $0.0e+00, v8;
	(erf) = vpow2.f32 v3;
	v11 =	vadd.f32 v13, v11  }
0x1ba: {  	v44 =	vld [tilespmem:s14+$0xFFFFF860];
	v6 =	vmul.f32 $1.442695020e+00, v6;
	(erf) = vpow2.f32 v5  }
0x1bb: {  	v3 =	vld [tilespmem:s14+$0xFFFFFC40];
	v8 =	vmul.f32 $1.442695020e+00, v8;
	v11 =	vmul.f32 $-2.000000000e+00, v11  }
0x1bc: {  	v38 =	vadd.f32 $1.000000000e+00, v29;
	v7 =	vadd.f32 v34, v7;
	v5 =	vld [tilespmem:s9+$0xFFFFFC00];
	(erf) = vpow2.f32 v6  }
0x1bd: {  	v46 =	vld [tilespmem:s9+$0xFFFFF820];
	v4 =	vadd.f32 v35, v4;
	v40 =	vpop (erf);
	(erf) = vpow2.f32 v8;
	v11 =	vmul.f32 $1.442695020e+00, v11  }
0x1be: {  	v12 =	vadd.f32 v37, v36;
	v6 =	vsub.f32 $0.0e+00, v7;
	v7 =	vld [tilespmem:s9+$0xFFFFF810];
	v41 =	vpop (erf);
	(erf) = vrcp.f32 v38  }
0x1bf: {  	v8 =	vld [tilespmem:s14+$0xFFFFFC50];
	v4 =	vsub.f32 $0.0e+00, v4;
	v43 =	vpop (erf);
	(erf) = vpow2.f32 v11  }
0x1c0: {  	v48 =	vld [tilespmem:s14+$0xFFFFF800];
	v12 =	vsub.f32 $0.0e+00, v12;
	v6 =	vmul.f32 $1.442695020e+00, v6;
	v45 =	vpop (erf)  }
0x1c1: {  	v21 =	vld [tilespmem:s9+$0xFFFFFC20];
	v4 =	vmul.f32 $1.442695020e+00, v4;
	v20 =	vpop (erf);
	v3 =	vadd.f32 v5, v3  }
0x1c2: {  	v5 =	vld [tilespmem:s14+$0xFFFFFC60];
	v47 =	vpop (erf);
	(erf) = vpow2.f32 v6;
	v6 =	vmul.f32 $1.442695020e+00, v12  }
0x1c3: {  	v2 =	vld [tilespmem:s9+$0xFFFFF7C0];
	v3 =	vsub.f32 $0.0e+00, v3;
	(erf) = vpow2.f32 v4;
	v4 =	vadd.f32 v7, v39;
	v7 =	vpop (erf)  }
0x1c4: {  	v8 =	vadd.f32 v42, v8;
	(erf) = vpow2.f32 v6;
	v6 =	vadd.f32 $1.000000000e+00, v17;
	v49 =	vpop (erf)  }
0x1c5: {  	v3 =	vmul.f32 $1.442695020e+00, v3;
	v4 =	vsub.f32 $0.0e+00, v4;
	v50 =	vpop (erf)  }
0x1c6: {  	(erf) = vrcp.f32 v6;
	v6 =	vsub.f32 $0.0e+00, v8;
	v8 =	vadd.f32 v46, v44;
	v51 =	vpop (erf)  }
0x1c7: {  	v4 =	vmul.f32 $1.442695020e+00, v4;
	(erf) = vpow2.f32 v3;
	v3 =	vadd.f32 v21, v5;
	v5 =	vpop (erf)  }
0x1c8: {  	v2 =	vadd.f32 v2, v48;
	v6 =	vmul.f32 $1.442695020e+00, v6;
	v52 =	vpop (erf)  }
0x1c9: {  	v8 =	vsub.f32 $0.0e+00, v8;
	(erf) = vpow2.f32 v4;
	v4 =	vadd.f32 $1.000000000e+00, v52  }
0x1ca: {  	v3 =	vsub.f32 $0.0e+00, v3  }
0x1cb: {  	v2 =	vsub.f32 $0.0e+00, v2;
	v8 =	vmul.f32 $1.442695020e+00, v8;
	v53 =	vpop (erf);
	(erf) = vpow2.f32 v6  }
0x1cc: {  	v3 =	vmul.f32 $1.442695020e+00, v3;
	v6 =	vpop (erf);
	(erf) = vrcp.f32 v4  }
0x1cd: {  	v2 =	vmul.f32 $1.442695020e+00, v2;
	(erf) = vpow2.f32 v8;
	v4 =	vpop (erf)  }
0x1ce: {  	(erf) = vpow2.f32 v3;
	v4 =	vadd.f32 $1.000000000e+00, v4  }
0x1cf: {  	v3 =	vadd.f32 $1.000000000e+00, v33;
	(erf) = vpow2.f32 v2  }
0x1d0: {  	v2 =	vadd.f32 $1.000000000e+00, v40;
	(erf) = vrcp.f32 v4  }
0x1d1: {  	v8 =	vpop (erf);
	(erf) = vrcp.f32 v3  }
0x1d2: {  	v54 =	vpop (erf);
	v4 =	vadd.f32 $1.000000000e+00, v41;
	(erf) = vrcp.f32 v2;
	v2 =	vadd.f32 $1.000000000e+00, v20  }
0x1d3: {  	v62 =	vld [tilespmem:s14+$0x410];
	v7 =	vadd.f32 $1.000000000e+00, v7;
	v3 =	vadd.f32 $1.000000000e+00, v43  }
0x1d4: {  	v24 =	vld [tilespmem:s9+$0x3D0];
	v56 =	vpop (erf);
	(erf) = vrcp.f32 v4  }
0x1d5: {  	v58 =	vpop (erf);
	(erf) = vrcp.f32 v3  }
0x1d6: {  	(erf) = vrcp.f32 v2;
	v2 =	vpop (erf)  }
0x1d7: {  	v57 =	vld [tilespmem:s14+$0x400];
	v55 =	vadd.f32 $1.000000000e+00, v47;
	(erf) = vrcp.f32 v7;
	v7 =	vpop (erf)  }
0x1d8: {  	v60 =	vld [tilespmem:s9+$0x3C0];
	v5 =	vadd.f32 v5, v5;
	v3 =	vadd.f32 $1.000000000e+00, v50;
	v63 =	vpop (erf)  }
0x1d9: {  	v18 =	vadd.f32 v24, v62;
	v59 =	vadd.f32 $1.000000000e+00, v49;
	(erf) = vrcp.f32 v55;
	v25 =	vpop (erf)  }
0x1da: {  	(erf) = vrcp.f32 v3;
	v3 =	vadd.f32 $-1.000000000e+00, v5;
	v5 =	vadd.f32 $1.000000000e+00, v25  }
0x1db: {  	v13 =	vadd.f32 $1.000000000e+00, v53  }
0x1dc: {  	v18 =	vsub.f32 $0.0e+00, v18;
	(erf) = vrcp.f32 v59;
	v26 =	vpop (erf)  }
0x1dd: {  	v11 =	vadd.f32 v60, v57;
	v61 =	vadd.f32 $1.000000000e+00, v51;
	(erf) = vrcp.f32 v13;
	v27 =	vpop (erf)  }
0x1de: {  	v8 =	vadd.f32 v8, v8;
	v9 =	vadd.f32 $1.000000000e+00, v54;
	(erf) = vrcp.f32 v5;
	v5 =	vpop (erf)  }
0x1df: {  	v28 =	vld [tilespmem:s9+$0x7D0];
	v11 =	vsub.f32 $0.0e+00, v11;
	v6 =	vadd.f32 $1.000000000e+00, v6;
	(erf) = vrcp.f32 v61;
	v29 =	vpop (erf)  }
0x1e0: {  	v8 =	vadd.f32 $-1.000000000e+00, v8;
	v14 =	vadd.f32 $1.000000000e+00, v58;
	(erf) = vrcp.f32 v9;
	v30 =	vpop (erf)  }
0x1e1: {  	v31 =	vld [tilespmem:s9+$0x7E0];
	v12 =	vadd.f32 $1.000000000e+00, v56;
	v4 =	vadd.f32 v45, v45;
	(erf) = vrcp.f32 v6;
	v32 =	vpop (erf)  }
0x1e2: {  	v10 =	vadd.f32 $1.000000000e+00, v63;
	v13 =	vadd.f32 v27, v27;
	v33 =	vpop (erf);
	(erf) = vrcp.f32 v14  }
0x1e3: {  	v4 =	vadd.f32 $-1.000000000e+00, v4;
	v7 =	vadd.f32 $1.000000000e+00, v7;
	v6 =	vld [tilespmem:s9+$0x7C0];
	v35 =	vpop (erf);
	(erf) = vrcp.f32 v12  }
0x1e4: {  	v34 =	vld [tilespmem:s9+$0x7F0];
	v36 =	vadd.f32 $-1.000000000e+00, v13;
	v37 =	vmul.f32 v33, v28;
	v38 =	vpop (erf);
	(erf) = vrcp.f32 v10  }
0x1e5: {  	v5 =	vadd.f32 v5, v5;
	v3 =	vmul.f32 v3, v35;
	v40 =	vpop (erf);
	(erf) = vrcp.f32 v7  }
0x1e6: {  	v39 =	vld [tilespmem:s9+$0x800];
	v17 =	vadd.f32 v29, v29;
	v16 =	vmul.f32 v38, v31;
	v8 =	vmul.f32 v8, v40;
	v41 =	vpop (erf)  }
0x1e7: {  	v42 =	vld [tilespmem:s9+$0x820];
	v62 =	vmul.f32 $1.442695020e+00, v11;
	v5 =	vadd.f32 $-1.000000000e+00, v5;
	v3 =	vadd.f32 v3, v37;
	v43 =	vpop (erf)  }
0x1e8: {  	v7 =	vld [tilespmem:s9+$0x810];
	v6 =	vmul.f32 v32, v6;
	v4 =	vmul.f32 v4, v43;
	v8 =	vadd.f32 v8, v16  }
0x1e9: {  	v44 =	vld [tilespmem:s14+$0x420];
	v9 =	vadd.f32 v30, v30;
	v14 =	vmul.f32 v41, v34;
	v45 =	vpop (erf);
	v3 =	vmul.f32 $-2.000000000e+00, v3  }
0x1ea: {  	v46 =	vld [tilespmem:s9+$0x3E0];
	v12 =	vmul.f32 v36, v45;
	v48 =	vpop (erf);
	v4 =	vadd.f32 v4, v6;
	v6 =	vmul.f32 $-2.000000000e+00, v8  }
0x1eb: {  	v49 =	vld [tilespmem:s14+$0x430];
	v47 =	vadd.f32 $-1.000000000e+00, v17;
	v8 =	vmul.f32 v48, v39;
	v50 =	vpop (erf);
	v3 =	vmul.f32 $1.442695020e+00, v3  }
0x1ec: {  	v51 =	vld [tilespmem:s9+$0x3F0];
	v12 =	vadd.f32 v12, v14;
	v5 =	vmul.f32 v5, v50;
	v52 =	vpop (erf);
	v4 =	vmul.f32 $-2.000000000e+00, v4  }
0x1ed: {  	v53 =	vld [tilespmem:s14+$0x440];
	v9 =	vadd.f32 $-1.000000000e+00, v9;
	v7 =	vmul.f32 v52, v7;
	v54 =	vpop (erf);
	v6 =	vmul.f32 $1.442695020e+00, v6  }
0x1ee: {  	v55 =	vld [tilespmem:s9+$0x400];
	v12 =	vmul.f32 $-2.000000000e+00, v12;
	v5 =	vadd.f32 v5, v8;
	v8 =	vmul.f32 v47, v54;
	v56 =	vpop (erf)  }
0x1ef: {  	v15 =	vadd.f32 v46, v44;
	v4 =	vmul.f32 $1.442695020e+00, v4;
	v10 =	vmul.f32 v56, v42;
	v58 =	vpop (erf)  }
0x1f0: {  	v57 =	vld [tilespmem:s14+$0x450];
	v2 =	vadd.f32 v2, v2;
	v5 =	vmul.f32 $-2.000000000e+00, v5;
	v9 =	vmul.f32 v9, v58  }
0x1f1: {  	v59 =	vld [tilespmem:s9+$0x410];
	v7 =	vadd.f32 v8, v7;
	v8 =	vmul.f32 $1.442695020e+00, v12;
	(erf) = vpow2.f32 v4  }
0x1f2: {  	v4 =	vadd.f32 v51, v49;
	v5 =	vmul.f32 $1.442695020e+00, v5;
	v9 =	vadd.f32 v9, v10  }
0x1f3: {  	v60 =	vld [tilespmem:s14+$0x460];
	v7 =	vmul.f32 $-2.000000000e+00, v7;
	(erf) = vpow2.f32 v3;
	v3 =	vadd.f32 v55, v53  }
0x1f4: {  	v61 =	vld [tilespmem:s9+$0x420];
	(erf) = vpow2.f32 v6;
	v6 =	vsub.f32 $0.0e+00, v15;
	v9 =	vmul.f32 $-2.000000000e+00, v9  }
0x1f5: {  	v4 =	vsub.f32 $0.0e+00, v4;
	v7 =	vmul.f32 $1.442695020e+00, v7;
	(erf) = vpow2.f32 v8  }
0x1f6: {  	v8 =	vadd.f32 v59, v57;
	(erf) = vpow2.f32 v5;
	v9 =	vmul.f32 $1.442695020e+00, v9  }
0x1f7: {  	v3 =	vsub.f32 $0.0e+00, v3;
	(erf) = vpow2.f32 v7;
	v7 =	vmul.f32 $1.442695020e+00, v18  }
0x1f8: {  	v6 =	vmul.f32 $1.442695020e+00, v6;
	v8 =	vsub.f32 $0.0e+00, v8;
	(erf) = vpow2.f32 v9  }
0x1f9: {  	v5 =	vadd.f32 v61, v60;
	v4 =	vmul.f32 $1.442695020e+00, v4;
	(erf) = vpow2.f32 v62  }
0x1fa: {  	v2 =	vadd.f32 $-1.000000000e+00, v2;
	v3 =	vmul.f32 $1.442695020e+00, v3;
	(erf) = vpow2.f32 v7  }
0x1fb: {  	v5 =	vsub.f32 $0.0e+00, v5;
	v7 =	vpop (erf);
	(erf) = vpow2.f32 v6;
	v6 =	vmul.f32 $1.442695020e+00, v8  }
0x1fc: {  	v2 =	vmul.f32 v2, v26;
	v8 =	vpop (erf);
	(erf) = vpow2.f32 v4  }
0x1fd: {  	v63 =	vmul.f32 $1.442695020e+00, v5;
	v4 =	vpop (erf);
	(erf) = vpow2.f32 v3  }
0x1fe: {  	s26 =	sand.u32 $0xE, s26;
	v5 =	vadd.f32 $1.000000000e+00, v8;
	v3 =	vadd.f32 $1.000000000e+00, v7;
	v7 =	vpop (erf);
	(erf) = vpow2.f32 v6  }
0x1ff: {  	s13 =	simm.s32 $0x2880;
	s12 =	simm.s32 $0x0;
	s11 =	smov.u32 s1;
	[tilespmem:s1+$0x0] =	vst v2;
	v4 =	vadd.f32 $1.000000000e+00, v4;
	v2 =	vadd.f32 $1.000000000e+00, v7;
	v6 =	vpop (erf);
	(erf) = vpow2.f32 v63  }
.LBB2_10:
0x200: {  	v7 =	vld [tilespmem:s13+$0x70];
	v6 =	vadd.f32 $1.000000000e+00, v6;
	s9 =	sadd.s32 $0x80, s9;
	(erf) = vrcp.f32 v3;
	v3 =	vpop (erf)  }
0x201: {  	s12 =	sadd.s32 $0x8, s12;
	v8 =	vld [tilespmem:s9+$0x30];
	v3 =	vadd.f32 $1.000000000e+00, v3;
	(erf) = vrcp.f32 v5;
	v5 =	vpop (erf)  }
0x202: {  	p1 =	slt.u32 s12, $0x38;
	v9 =	vld [tilespmem:s13+$0xFFFFF870];
	v5 =	vadd.f32 $1.000000000e+00, v5;
	v10 =	vpop (erf);
	(erf) = vrcp.f32 v4  }
0x203: {  	v4 =	vld [tilespmem:s13+$0xFFFFFC70];
	v10 =	vadd.f32 $1.000000000e+00, v10;
	v11 =	vpop (erf);
	(erf) = vrcp.f32 v2  }
0x204: {  	v2 =	vld [tilespmem:s9+$0xFFFFFC30];
	v11 =	vadd.f32 $1.000000000e+00, v11;
	v12 =	vpop (erf);
	(erf) = vrcp.f32 v6  }
0x205: {  	v6 =	vld [tilespmem:s9+$0xFFFFF830];
	v12 =	vadd.f32 $1.000000000e+00, v12;
	v13 =	vpop (erf);
	(erf) = vrcp.f32 v3  }
0x206: {  	v3 =	vld [tilespmem:s13+$0x0];
	v7 =	vadd.f32 v8, v7;
	v8 =	vadd.f32 $1.000000000e+00, v13;
	v13 =	vpop (erf);
	(erf) = vrcp.f32 v5  }
0x207: {  	v5 =	vld [tilespmem:s9+$0xFFFFFFC0];
	v13 =	vadd.f32 $1.000000000e+00, v13;
	(erf) = vrcp.f32 v10;
	v10 =	vpop (erf)  }
0x208: {  	v14 =	vld [tilespmem:s13+$0x10];
	v7 =	vmul.f32 $-2.000000000e+00, v7;
	v10 =	vadd.f32 $1.000000000e+00, v10;
	(erf) = vrcp.f32 v11;
	v11 =	vpop (erf)  }
0x209: {  	v15 =	vld [tilespmem:s9+$0xFFFFFFD0];
	v2 =	vadd.f32 v2, v4;
	v4 =	vadd.f32 $1.000000000e+00, v11;
	v11 =	vpop (erf);
	(erf) = vrcp.f32 v12  }
0x20a: {  	v12 =	vld [tilespmem:s13+$0x20];
	v6 =	vadd.f32 v6, v9;
	v17 =	vmul.f32 $1.442695020e+00, v7;
	v9 =	vpop (erf);
	(erf) = vrcp.f32 v8  }
0x20b: {  	v11 =	vadd.f32 v11, v11;
	v8 =	vld [tilespmem:s9+$0xFFFFFFE0];
	v2 =	vsub.f32 $0.0e+00, v2;
	v16 =	vpop (erf);
	(erf) = vrcp.f32 v13  }
0x20c: {  	v3 =	vadd.f32 v5, v3;
	v5 =	vld [tilespmem:s13+$0x30];
	v6 =	vsub.f32 $0.0e+00, v6;
	(erf) = vpow2.f32 v17;
	v7 =	vpop (erf)  }
0x20d: {  	v17 =	vadd.f32 v9, v9;
	v13 =	vld [tilespmem:s9+$0xFFFFFFF0];
	v22 =	vmul.f32 $1.442695020e+00, v2;
	v18 =	vpop (erf);
	(erf) = vrcp.f32 v10  }
0x20e: {  	v3 =	vmul.f32 $-2.000000000e+00, v3;
	v24 =	vadd.f32 v15, v14;
	v14 =	vld [tilespmem:s13+$0x40];
	v6 =	vmul.f32 $1.442695020e+00, v6;
	v15 =	vpop (erf)  }
0x20f: {  	v20 =	vadd.f32 v16, v16;
	v21 =	vadd.f32 v7, v7;
	v19 =	vld [tilespmem:s9+$0x0];
	(erf) = vpow2.f32 v22;
	v2 =	vpop (erf)  }
0x210: {  	v16 =	vmul.f32 $-2.000000000e+00, v24;
	v12 =	vadd.f32 v8, v12;
	v22 =	vld [tilespmem:s13+$0x50];
	(erf) = vpow2.f32 v6;
	v9 =	vpop (erf)  }
0x211: {  	v18 =	vadd.f32 v18, v18;
	v3 =	vmul.f32 $1.442695020e+00, v3;
	v23 =	vld [tilespmem:s9+$0x10];
	v10 =	vpop (erf);
	(erf) = vrcp.f32 v4  }
0x212: {  	v28 =	vmul.f32 $1.442695020e+00, v16;
	v12 =	vmul.f32 $-2.000000000e+00, v12;
	v5 =	vadd.f32 v13, v5;
	v24 =	vld [tilespmem:s13+$0x60];
	v7 =	vpop (erf)  }
0x213: {  	v26 =	vadd.f32 v15, v15;
	v27 =	vadd.f32 v2, v2;
	v25 =	vld [tilespmem:s9+$0x20];
	(erf) = vpow2.f32 v3;
	v8 =	vpop (erf)  }
0x214: {  	v16 =	vld [tilespmem:s9+$0xFFFFF7C0];
	v3 =	vmul.f32 $1.442695020e+00, v12;
	v5 =	vmul.f32 $-2.000000000e+00, v5;
	v29 =	vadd.f32 v19, v14;
	v6 =	vpop (erf)  }
0x215: {  	v13 =	vadd.f32 $-1.000000000e+00, v11;
	v12 =	vadd.f32 $-1.000000000e+00, v17;
	v14 =	vld [tilespmem:s13+$0xFFFFFC00];
	(erf) = vpow2.f32 v28;
	v4 =	vpop (erf)  }
0x216: {  	v15 =	vld [tilespmem:s9+$0xFFFFFBC0];
	v17 =	vmul.f32 $-2.000000000e+00, v29;
	v19 =	vadd.f32 v23, v22;
	v4 =	vadd.f32 $1.000000000e+00, v4;
	v2 =	vpop (erf)  }
0x217: {  	v11 =	vadd.f32 $-1.000000000e+00, v20;
	v28 =	vmul.f32 $1.442695020e+00, v5;
	v22 =	vld [tilespmem:s13+$0xFFFFF810];
	(erf) = vpow2.f32 v3  }
0x218: {  	v20 =	vld [tilespmem:s9+$0xFFFFF7D0];
	v29 =	vmul.f32 $-2.000000000e+00, v19;
	v19 =	vadd.f32 v25, v24;
	v23 =	vpop (erf);
	(erf) = vrcp.f32 v4  }
0x219: {  	v4 =	vmul.f32 $1.442695020e+00, v17;
	v24 =	vld [tilespmem:s13+$0xFFFFFC10];
	v17 =	vadd.f32 $1.000000000e+00, v23;
	(erf) = vpow2.f32 v28;
	v5 =	vpop (erf)  }
0x21a: {  	v23 =	vld [tilespmem:s9+$0xFFFFFBD0];
	v25 =	vmul.f32 $1.442695020e+00, v29;
	v19 =	vmul.f32 $-2.000000000e+00, v19;
	v5 =	vadd.f32 $1.000000000e+00, v5;
	v3 =	vpop (erf)  }
0x21b: {  	v30 =	vadd.f32 v15, v14;
	v29 =	vld [tilespmem:s13+$0xFFFFF820];
	(erf) = vrcp.f32 v17;
	v15 =	vadd.f32 $-1.000000000e+00, v21  }
0x21c: {  	v14 =	vadd.f32 $-1.000000000e+00, v18;
	v17 =	vld [tilespmem:s9+$0xFFFFF7E0];
	v19 =	vmul.f32 $1.442695020e+00, v19;
	v21 =	vpop (erf);
	(erf) = vrcp.f32 v5  }
0x21d: {  	v5 =	vsub.f32 $0.0e+00, v30;
	v18 =	vadd.f32 v20, v22;
	v20 =	vld [tilespmem:s13+$0xFFFFFC20];
	(erf) = vpow2.f32 v4  }
0x21e: {  	v30 =	vadd.f32 $1.000000000e+00, v21;
	v4 =	vadd.f32 $-1.000000000e+00, v26;
	v22 =	vld [tilespmem:s9+$0xFFFFFBE0];
	v28 =	vpop (erf);
	(erf) = vpow2.f32 v25  }
0x21f: {  	v23 =	vadd.f32 v23, v24;
	v18 =	vsub.f32 $0.0e+00, v18;
	v24 =	vld [tilespmem:s13+$0xFFFFF830];
	(erf) = vpow2.f32 v19  }
0x220: {  	v31 =	vmul.f32 $1.442695020e+00, v5;
	v19 =	vadd.f32 $1.000000000e+00, v28;
	v25 =	vld [tilespmem:s9+$0xFFFFF7F0];
	(erf) = vrcp.f32 v30;
	v21 =	vpop (erf)  }
0x221: {  	v23 =	vsub.f32 $0.0e+00, v23;
	v32 =	vmul.f32 $1.442695020e+00, v18;
	v17 =	vadd.f32 v17, v29;
	v26 =	vld [tilespmem:s9+$0x830];
	v28 =	vpop (erf)  }
0x222: {  	v21 =	vadd.f32 $1.000000000e+00, v21;
	v29 =	vld [tilespmem:s13+$0xFFFFFC30];
	v33 =	vadd.f32 v28, v28;
	(erf) = vpow2.f32 v31;
	v5 =	vpop (erf)  }
0x223: {  	v23 =	vmul.f32 $1.442695020e+00, v23;
	v22 =	vadd.f32 v22, v20;
	v17 =	vsub.f32 $0.0e+00, v17;
	v30 =	vld [tilespmem:s9+$0xFFFFFBF0]  }
0x224: {  	v20 =	vadd.f32 $1.000000000e+00, v5;
	v31 =	vld [tilespmem:s13+$0xFFFFF840];
	v5 =	vadd.f32 $-1.000000000e+00, v33;
	(erf) = vpow2.f32 v32;
	v18 =	vpop (erf)  }
0x225: {  	v22 =	vsub.f32 $0.0e+00, v22;
	v34 =	vmul.f32 $1.442695020e+00, v17;
	v24 =	vadd.f32 v25, v24;
	v25 =	vld [tilespmem:s9+$0xFFFFF800];
	v28 =	vpop (erf)  }
0x226: {  	v32 =	vld [tilespmem:s13+$0x470];
	v18 =	vmul.f32 v18, v26;
	v26 =	vmul.f32 v5, v28;
	v28 =	vpop (erf);
	v5 =	vadd.f32 $-1.000000000e+00, v27  }
0x227: {  	v22 =	vmul.f32 $1.442695020e+00, v22;
	v24 =	vsub.f32 $0.0e+00, v24;
	v33 =	vld [tilespmem:s9+$0x430];
	(erf) = vpow2.f32 v23;
	v23 =	vpop (erf)  }
0x228: {  	v29 =	vadd.f32 v30, v29;
	v30 =	vld [tilespmem:s13+$0xFFFFFC40];
	v18 =	vadd.f32 v26, v18;
	(erf) = vpow2.f32 v34;
	v17 =	vpop (erf)  }
0x229: {  	v27 =	vadd.f32 $1.000000000e+00, v28;
	v24 =	vmul.f32 $1.442695020e+00, v24;
	v26 =	vld [tilespmem:s9+$0xFFFFFC00];
	v28 =	vpop (erf);
	(erf) = vpow2.f32 v22  }
0x22a: {  	v22 =	vsub.f32 $0.0e+00, v29;
	v29 =	vadd.f32 v25, v31;
	v31 =	vld [tilespmem:s13+$0xFFFFF850];
	v18 =	vmul.f32 $-2.000000000e+00, v18  }
0x22b: {  	v35 =	vadd.f32 $1.000000000e+00, v23;
	v25 =	vadd.f32 $1.000000000e+00, v17;
	v34 =	vld [tilespmem:s9+$0xFFFFF810];
	v17 =	vpop (erf);
	(erf) = vpow2.f32 v24  }
0x22c: {  	v23 =	vsub.f32 $0.0e+00, v29;
	v24 =	vld [tilespmem:s13+$0xFFFFFC50];
	v29 =	vadd.f32 v33, v32;
	v18 =	vmul.f32 $1.442695020e+00, v18  }
0x22d: {  	v32 =	vadd.f32 $1.000000000e+00, v17;
	v17 =	vmul.f32 $1.442695020e+00, v22;
	v22 =	vld [tilespmem:s9+$0xFFFFFC10];
	v33 =	vpop (erf);
	(erf) = vrcp.f32 v19  }
0x22e: {  	v19 =	vadd.f32 v26, v30;
	v30 =	vld [tilespmem:s13+$0xFFFFF860];
	v37 =	vsub.f32 $0.0e+00, v29;
	(erf) = vpow2.f32 v18  }
0x22f: {  	v26 =	vadd.f32 $1.000000000e+00, v33;
	v18 =	vmul.f32 $1.442695020e+00, v23;
	v33 =	vld [tilespmem:s9+$0xFFFFF820];
	(erf) = vpow2.f32 v17  }
0x230: {  	v17 =	vsub.f32 $0.0e+00, v19;
	v19 =	vadd.f32 v34, v31;
	v31 =	vld [tilespmem:s13+$0xFFFFFC60];
	v23 =	vmul.f32 $1.442695020e+00, v37;
	v29 =	vpop (erf)  }
0x231: {  	v28 =	vadd.f32 v28, v28;
	v29 =	vadd.f32 $1.000000000e+00, v29;
	v34 =	vld [tilespmem:s9+$0xFFFFFC20];
	v36 =	vpop (erf);
	(erf) = vpow2.f32 v18  }
0x232: {  	v18 =	vld [tilespmem:s13+$0xFFFFF800];
	v24 =	vadd.f32 v22, v24;
	v39 =	vsub.f32 $0.0e+00, v19;
	v37 =	vpop (erf);
	(erf) = vpow2.f32 v23  }
0x233: {  	v40 =	vmul.f32 $1.442695020e+00, v17;
	v22 =	vld [tilespmem:s9+$0x7C0];
	v37 =	vadd.f32 $1.000000000e+00, v37;
	(erf) = vrcp.f32 v21  }
0x234: {  	v23 =	vld [tilespmem:s9+$0x7D0];
	v24 =	vsub.f32 $0.0e+00, v24;
	v39 =	vmul.f32 $1.442695020e+00, v39;
	v30 =	vadd.f32 v33, v30;
	v19 =	vpop (erf)  }
0x235: {  	v33 =	vadd.f32 $1.000000000e+00, v36;
	v21 =	vld [tilespmem:s9+$0x7E0];
	v36 =	vadd.f32 $1.000000000e+00, v19;
	(erf) = vpow2.f32 v40  }
0x236: {  	v19 =	vld [tilespmem:s9+$0x7F0];
	v24 =	vmul.f32 $1.442695020e+00, v24;
	v31 =	vadd.f32 v34, v31;
	v30 =	vsub.f32 $0.0e+00, v30;
	v17 =	vpop (erf)  }
0x237: {  	v16 =	vadd.f32 v16, v18;
	v34 =	vadd.f32 v17, v17;
	v18 =	vld [tilespmem:s9+$0x800];
	(erf) = vpow2.f32 v39;
	v38 =	vpop (erf)  }
0x238: {  	v17 =	vld [tilespmem:s9+$0x810];
	v42 =	vsub.f32 $0.0e+00, v31;
	v43 =	vmul.f32 $1.442695020e+00, v30;
	v38 =	vadd.f32 $1.000000000e+00, v38;
	v39 =	vpop (erf)  }
0x239: {  	v40 =	vsub.f32 $0.0e+00, v16;
	v39 =	vadd.f32 $1.000000000e+00, v39;
	v16 =	vld [tilespmem:s9+$0x820];
	(erf) = vpow2.f32 v24  }
0x23a: {  	v24 =	vadd.f32 $-1.000000000e+00, v28;
	v41 =	vld [tilespmem:s13+$0x400];
	v28 =	vmul.f32 $1.442695020e+00, v42;
	v31 =	vpop (erf);
	(erf) = vrcp.f32 v38  }
0x23b: {  	v38 =	vld [tilespmem:s9+$0x3C0];
	v44 =	vmul.f32 $1.442695020e+00, v40;
	v31 =	vadd.f32 $1.000000000e+00, v31;
	(erf) = vpow2.f32 v43;
	v30 =	vpop (erf)  }
0x23c: {  	v34 =	vadd.f32 $-1.000000000e+00, v34;
	v42 =	vld [tilespmem:s13+$0x410];
	v30 =	vadd.f32 $1.000000000e+00, v30;
	v43 =	vpop (erf);
	(erf) = vpow2.f32 v28  }
0x23d: {  	v9 =	vmul.f32 v13, v9;
	v28 =	vld [tilespmem:s9+$0x3D0];
	v43 =	vadd.f32 v43, v43;
	(erf) = vpow2.f32 v44  }
0x23e: {  	v10 =	vmul.f32 v12, v10;
	v13 =	vld [tilespmem:s13+$0x420];
	v40 =	vpop (erf);
	(erf) = vrcp.f32 v30  }
0x23f: {  	v12 =	vld [tilespmem:s9+$0x3E0];
	v30 =	vadd.f32 $-1.000000000e+00, v43;
	v40 =	vadd.f32 $1.000000000e+00, v40;
	(erf) = vrcp.f32 v20;
	[tilespmem:s1+$0xFFFFFF90] =	vst v9  }
0x240: {  	v7 =	vmul.f32 v11, v7;
	v9 =	vadd.f32 v38, v41;
	v20 =	vld [tilespmem:s13+$0x430];
	(erf) = vrcp.f32 v27;
	v27 =	vpop (erf);
	[tilespmem:s1+$0xFFFFFFA0] =	vst v10  }
0x241: {  	v8 =	vmul.f32 v15, v8;
	v10 =	vld [tilespmem:s9+$0x3F0];
	v11 =	vadd.f32 $1.000000000e+00, v27;
	(erf) = vrcp.f32 v35  }
0x242: {  	v9 =	vsub.f32 $0.0e+00, v9;
	v15 =	vadd.f32 v28, v42;
	v27 =	vld [tilespmem:s13+$0x440];
	v28 =	vpop (erf);
	(erf) = vrcp.f32 v25;
	[tilespmem:s1+$0xFFFFFFB0] =	vst v7  }
0x243: {  	v6 =	vmul.f32 v14, v6;
	v7 =	vld [tilespmem:s9+$0x400];
	v25 =	vadd.f32 $1.000000000e+00, v28;
	(erf) = vrcp.f32 v32;
	v28 =	vpop (erf);
	[tilespmem:s1+$0xFFFFFFC0] =	vst v8  }
0x244: {  	v8 =	vadd.f32 v12, v13;
	v12 =	vld [tilespmem:s13+$0x450];
	v13 =	vadd.f32 v28, v28;
	(erf) = vrcp.f32 v29;
	v14 =	vpop (erf)  }
0x245: {  	v15 =	vsub.f32 $0.0e+00, v15;
	v28 =	vld [tilespmem:s9+$0x410];
	v14 =	vadd.f32 $1.000000000e+00, v14;
	(erf) = vrcp.f32 v26;
	v26 =	vpop (erf);
	[tilespmem:s1+$0xFFFFFFD0] =	vst v6  }
0x246: {  	v6 =	vld [tilespmem:s13+$0x460];
	v26 =	vadd.f32 $1.000000000e+00, v26;
	v13 =	vadd.f32 $-1.000000000e+00, v13;
	v29 =	vpop (erf);
	(erf) = vrcp.f32 v37  }
0x247: {  	v10 =	vadd.f32 v10, v20;
	v35 =	vadd.f32 $1.000000000e+00, v29;
	v20 =	vld [tilespmem:s9+$0x420];
	(erf) = vrcp.f32 v33;
	v32 =	vpop (erf)  }
0x248: {  	v7 =	vadd.f32 v7, v27;
	v32 =	vmul.f32 v13, v32;
	(erf) = vrcp.f32 v39;
	v27 =	vpop (erf)  }
0x249: {  	s1 =	sadd.s32 $0x80, s1;
	v8 =	vsub.f32 $0.0e+00, v8;
	v27 =	vadd.f32 v27, v27;
	(erf) = vrcp.f32 v35;
	v29 =	vpop (erf)  }
0x24a: {  	v29 =	vadd.f32 v29, v29;
	v12 =	vadd.f32 v28, v12;
	[tilespmem:s1+$0x0] =	vst v32;
	(erf) = vrcp.f32 v36;
	v13 =	vpop (erf)  }
0x24b: {  	v27 =	vadd.f32 $-1.000000000e+00, v27;
	v13 =	vadd.f32 v13, v13;
	(erf) = vrcp.f32 v40;
	v28 =	vpop (erf)  }
0x24c: {  	v29 =	vadd.f32 $-1.000000000e+00, v29;
	v33 =	vadd.f32 v28, v28;
	v32 =	vpop (erf);
	(erf) = vrcp.f32 v31  }
0x24d: {  	v22 =	vmul.f32 v32, v22;
	v13 =	vadd.f32 $-1.000000000e+00, v13;
	v31 =	vpop (erf);
	(erf) = vrcp.f32 v25  }
0x24e: {  	v23 =	vmul.f32 v31, v23;
	v25 =	vadd.f32 $-1.000000000e+00, v33;
	v28 =	vpop (erf);
	(erf) = vrcp.f32 v11  }
0x24f: {  	v6 =	vadd.f32 v20, v6;
	v11 =	vmul.f32 v34, v28;
	v20 =	vpop (erf);
	(erf) = vrcp.f32 v26  }
0x250: {  	v10 =	vsub.f32 $0.0e+00, v10;
	v26 =	vmul.f32 v20, v21;
	v21 =	vpop (erf);
	(erf) = vrcp.f32 v14  }
0x251: {  	v7 =	vsub.f32 $0.0e+00, v7;
	v11 =	vadd.f32 v11, v23;
	v14 =	vmul.f32 v30, v21;
	v21 =	vpop (erf)  }
0x252: {  	v12 =	vsub.f32 $0.0e+00, v12;
	v6 =	vsub.f32 $0.0e+00, v6;
	v19 =	vmul.f32 v21, v19;
	v21 =	vpop (erf)  }
0x253: {  	v21 =	vmul.f32 v24, v21;
	v11 =	vmul.f32 $-2.000000000e+00, v11;
	v14 =	vadd.f32 v14, v26;
	v20 =	vpop (erf)  }
0x254: {  	v9 =	vmul.f32 $1.442695020e+00, v9;
	v20 =	vmul.f32 v27, v20;
	v23 =	vpop (erf)  }
0x255: {  	v21 =	vadd.f32 v21, v22;
	v14 =	vmul.f32 $-2.000000000e+00, v14;
	v18 =	vmul.f32 v23, v18;
	v22 =	vpop (erf)  }
0x256: {  	v11 =	vmul.f32 $1.442695020e+00, v11;
	v19 =	vadd.f32 v20, v19;
	v23 =	vmul.f32 v29, v22;
	v22 =	vpop (erf)  }
0x257: {  	v21 =	vmul.f32 $-2.000000000e+00, v21;
	v17 =	vmul.f32 v22, v17;
	v22 =	vpop (erf)  }
0x258: {  	v19 =	vmul.f32 $-2.000000000e+00, v19;
	v18 =	vadd.f32 v23, v18;
	v13 =	vmul.f32 v13, v22;
	v20 =	vpop (erf)  }
0x259: {  	v21 =	vmul.f32 $1.442695020e+00, v21;
	v16 =	vmul.f32 v20, v16;
	v20 =	vpop (erf)  }
0x25a: {  	v18 =	vmul.f32 $-2.000000000e+00, v18;
	v13 =	vadd.f32 v13, v17;
	v17 =	vmul.f32 v25, v20  }
0x25b: {  	v14 =	vmul.f32 $1.442695020e+00, v14;
	v19 =	vmul.f32 $1.442695020e+00, v19  }
0x25c: {  	v18 =	vmul.f32 $1.442695020e+00, v18;
	v13 =	vmul.f32 $-2.000000000e+00, v13;
	v16 =	vadd.f32 v17, v16  }
0x25d: {  	v15 =	vmul.f32 $1.442695020e+00, v15;
	(erf) = vpow2.f32 v21  }
0x25e: {  	v13 =	vmul.f32 $1.442695020e+00, v13;
	v16 =	vmul.f32 $-2.000000000e+00, v16  }
0x25f: {  	v8 =	vmul.f32 $1.442695020e+00, v8;
	(erf) = vpow2.f32 v11  }
0x260: {  	v11 =	vmul.f32 $1.442695020e+00, v16;
	(erf) = vpow2.f32 v14  }
0x261: {  	v10 =	vmul.f32 $1.442695020e+00, v10;
	(erf) = vpow2.f32 v19  }
0x262: {  	v7 =	vmul.f32 $1.442695020e+00, v7;
	(erf) = vpow2.f32 v18  }
0x263: {  	v12 =	vmul.f32 $1.442695020e+00, v12;
	(erf) = vpow2.f32 v13  }
0x264: {  	v13 =	vmul.f32 $1.442695020e+00, v6;
	(erf) = vpow2.f32 v11  }
0x265: {  	v6 =	vmul.f32 v4, v2;
	(erf) = vpow2.f32 v9  }
0x266: {  	v5 =	vmul.f32 v5, v3;
	v4 =	vpop (erf);
	(erf) = vpow2.f32 v15  }
.Ltmp5:
0x267: {  	v3 =	vadd.f32 $1.000000000e+00, v4;
	(erf) = vpow2.f32 v8;
	[tilespmem:s11+$0xFFFFFFE0] =	vst v6;
	(pc) =	sbr.rel @p1 .LBB2_10-.Ltmp5, $4  }
0x268: {  	v2 =	vpop (erf);
	(erf) = vpow2.f32 v10;
	[tilespmem:s11+$0xFFFFFFF0] =	vst v5;
	s11 =	smov.u32 s1  }
0x269: {  	v5 =	vadd.f32 $1.000000000e+00, v2;
	v2 =	vpop (erf);
	(erf) = vpow2.f32 v7  }
0x26a: {  	v4 =	vadd.f32 $1.000000000e+00, v2;
	v2 =	vpop (erf);
	(erf) = vpow2.f32 v12  }
0x26b: {  	s13 =	sadd.s32 $0x80, s13;
	v2 =	vadd.f32 $1.000000000e+00, v2;
	v6 =	vpop (erf);
	(erf) = vpow2.f32 v13  }
0x26c: {  	(erf) = vrcp.f32 v3;
	v3 =	vpop (erf)  }
0x26d: {  	(erf) = vrcp.f32 v5;
	v45 =	vpop (erf)  }
0x26e: {  	v6 =	vadd.f32 $1.000000000e+00, v6;
	v7 =	vpop (erf);
	(erf) = vrcp.f32 v4  }
0x26f: {  	v3 =	vadd.f32 $1.000000000e+00, v3;
	v46 =	vpop (erf);
	(erf) = vrcp.f32 v2  }
0x270: {  	v47 =	vpop (erf);
	(erf) = vrcp.f32 v6  }
0x271: {  	v2 =	vadd.f32 $1.000000000e+00, v45;
	v49 =	vpop (erf);
	(erf) = vrcp.f32 v3;
	v3 =	vadd.f32 $1.000000000e+00, v46  }
0x272: {  	v48 =	vadd.f32 $1.000000000e+00, v7  }
0x273: {  	v50 =	vpop (erf);
	(erf) = vrcp.f32 v2  }
0x274: {  	v2 =	vadd.f32 $1.000000000e+00, v47;
	(erf) = vrcp.f32 v48;
	v51 =	vpop (erf)  }
0x275: {  	v52 =	vadd.f32 $1.000000000e+00, v49;
	(erf) = vrcp.f32 v3;
	v3 =	vpop (erf)  }
0x276: {  	v4 =	vadd.f32 $1.000000000e+00, v50;
	(erf) = vrcp.f32 v2;
	v53 =	vpop (erf)  }
0x277: {  	v2 =	vadd.f32 $1.000000000e+00, v51;
	v54 =	vpop (erf);
	(erf) = vrcp.f32 v52  }
0x278: {  	v3 =	vadd.f32 $1.000000000e+00, v3;
	v55 =	vpop (erf);
	(erf) = vrcp.f32 v4  }
0x279: {  	v56 =	vpop (erf);
	(erf) = vrcp.f32 v2  }
0x27a: {  	v2 =	vadd.f32 v53, v53;
	v57 =	vpop (erf);
	(erf) = vrcp.f32 v3  }
0x27b: {  	v3 =	vadd.f32 v54, v54;
	v58 =	vpop (erf)  }
0x27c: {  	v6 =	vadd.f32 v55, v55;
	v2 =	vadd.f32 $-1.000000000e+00, v2;
	v8 =	vpop (erf)  }
0x27d: {  	v4 =	vadd.f32 v56, v56;
	v3 =	vadd.f32 $-1.000000000e+00, v3;
	v9 =	vpop (erf)  }
0x27e: {  	v7 =	vadd.f32 v57, v57;
	v6 =	vadd.f32 $-1.000000000e+00, v6;
	v10 =	vpop (erf);
	v2 =	vmul.f32 v2, v9  }
0x27f: {  	v5 =	vadd.f32 v58, v58;
	v4 =	vadd.f32 $-1.000000000e+00, v4;
	v59 =	vpop (erf);
	v3 =	vmul.f32 v3, v10  }
0x280: {  	v8 =	vadd.f32 v8, v8;
	v7 =	vadd.f32 $-1.000000000e+00, v7;
	v60 =	vpop (erf);
	[tilespmem:s1+$0xFFFFFF90] =	vst v2;
	v2 =	vmul.f32 v6, v59  }
0x281: {  	v5 =	vadd.f32 $-1.000000000e+00, v5;
	v61 =	vpop (erf);
	[tilespmem:s1+$0xFFFFFFA0] =	vst v3;
	v3 =	vmul.f32 v4, v60  }
0x282: {  	v8 =	vadd.f32 $-1.000000000e+00, v8;
	v62 =	vpop (erf);
	[tilespmem:s1+$0xFFFFFFB0] =	vst v2;
	v2 =	vmul.f32 v7, v61  }
0x283: {  	v63 =	vpop (erf);
	[tilespmem:s1+$0xFFFFFFC0] =	vst v3;
	v3 =	vmul.f32 v5, v62  }
0x284: {  	[tilespmem:s1+$0xFFFFFFD0] =	vst v2;
	v2 =	vmul.f32 v8, v63;
	s1 =	sadd.s32 @!p0 $0x18, s25  }
0x285: {  	[tilespmem:s11+$0xFFFFFFE0] =	vst v3;
	s1 =	sand.u32 @!p0 $0x7F8, s1  }
0x286: {  	[tilespmem:s11+$0xFFFFFFF0] =	vst v2;
	s9 =	sor.u32 @!p0 $0x800, s1  }
0x287: {  	v2 =	vld.msk @!p0 [tilespmem:s9+$0x0], $0xff;
	_ =	sdelay $0x4  }
0x288: {  	v3 =	vshll.u32 @!p0 v2, $0x2  }
0x289: {  	v4 =	vlaneseq.u32 @!p0;
	v2 =	vand.u32 @!p0 $0x7, v2;
	v3 =	vand.u32 @!p0 $0xFFFFFFE0, v3  }
0x28a: {  	v2 =	vor.u32 @!p0 v2, v3;
	v3 =	vand.u32 @!p0 $0x7, v4;
	v4 =	vshrl.u32 @!p0 v4, $0x3  }
0x28b: {  	v2 =	vperm.xlane @!p0 v2, v3;
	v4 =	vmul.u32 @!p0 $0x8, v4;
	_ =	sdelay $0x1  }
0x28c: {  	v2 =	vadd.s32 @!p0 v4, v2;
	_ =	sdelay $0x3  }
0x28d: {  	s11 =	simm.s32 @!p0 $0x2000;
	s9 =	simm.s32 @!p0 $0x0  }
0x28e: {  	[tilespmem:s11], [sflag:$0x2] =	stream.indirect_vreg.gather @!p0 [hbm4b:s6+s9], $0x80, v2, vm2, $0xb8;
	[tilespmem:$0x1D800] =	vst v63  }
0x28f: {  	s11 =	simm.s32 @!p0 $0x2800  }
0x290: {  	[tilespmem:s11], [sflag:$0x2] =	stream.indirect_vreg.gather @!p0 [hbm4b:s15+s9], $0x80, v2, vm2, $0xb8;
	[tilespmem:$0x1D800] =	vst v63  }
0x291: {  	v2 =	vld.msk @!p0 [tilespmem:s1+$0x0], $0xff;
	_ =	sdelay $0x4  }
0x292: {  	v5 =	vshrl.u32 @!p0 v2, $0x3  }
0x293: {  	v5 =	vmul.u32 @!p0 $0x28, v5  }
0x294: {  	v2 =	vand.u32 @!p0 $0x7, v2  }
0x295: {  	v2 =	vor.u32 @!p0 v2, v5  }
0x296: {  	v2 =	vperm.xlane @!p0 v2, v3;
	_ =	sdelay $0x1  }
0x297: {  	v2 =	vadd.s32 @!p0 v4, v2;
	_ =	sdelay $0x3  }
0x298: {  	s1 =	simm.s32 @!p0 $0x4400  }
0x299: {  	[tilespmem:s1], [sflag:$0x2] =	stream.indirect_vreg.gather @!p0 [hbm4b:s7+s9], $0x80, v2, vm2, $0xb8;
	[tilespmem:$0x1D800] =	vst v63  }
0x29a: {  	s1 =	simm.s32 @!p0 $0x4C00  }
0x29b: {  	[tilespmem:s1], [sflag:$0x2] =	stream.indirect_vreg.gather @!p0 [hbm4b:s16+s9], $0x80, v2, vm2, $0xb8;
	[tilespmem:$0x1D800] =	vst v63  }
0x29c: {  	s1 =	simm.s32 @!p0 $0x5400  }
0x29d: {  	[tilespmem:s1], [sflag:$0x2] =	stream.indirect_vreg.gather @!p0 [hbm4b:s17+s9], $0x80, v2, vm3, $0xb8;
	[tilespmem:$0x1D800] =	vst v63  }
0x29e: {  	p0 =	sne.s32 s26, $0xE  }
0x29f: {  	s1 =	sshll.u32 @!p0 s0, $0x4  }
0x2a0: {  	s9 =	simm.s32 @!p0 $0x80;
	s0 =	sadd.s32 $0x1, s0;
	s1 =	sand.u32 @!p0 $0x780, s1  }
0x2a1: {  	s11 =	simm.s32 @!p0 $0x5800;
	p1 =	sne.s32 s0, $0x280;
	s1 =	sor.u32 @!p0 $0x800, s1  }
0x2a2: {  	[spmem:s3] =	stream.indirect.scatter.add.f32 @!p0 [tilespmem:s11], [sflag:$0x4], $0x80, s1, s9, $0xb8;
	[tilespmem:$0x1D800] =	vst v63  }
.Ltmp6:
0x2a3: {  	_ = 	snop;
	(pc) =	sbr.rel @p1 .LBB2_2-.Ltmp6, $4  }
0x2a4: {  	s1 =	simm.s32 @!p0 $0x4  }
0x2a5: {  	_ =	swait.ge @!p0 [sflag:s1], $0x4000  }
0x2a6: {  	[sflag:s1] =	ssyncset.done @!p0 $0x0  }
0x2a7: {  	s31 =	sadd.s32 $0x1, s31;
	[sflag:s1] =	ssyncadd.s32 @!p0 $0xFFFFC000  }
0x2a8: {  	s30 =	sadd.s32 $0x1, s30  }
0x2a9: {  	p0 =	sne.s32 s30, s19  }
.Ltmp7:
0x2aa: {  	[bflag:$0x0] =	sbarrier.arrive $0xFFFF;
	(pc) =	sbr.rel @p0 .LBB2_1-.Ltmp7, $4  }
0x2ab: {  	[hbm:s18], [sflag:s10] =	dma.local [spmem:s20], $0x2800  }
0x2ac: {  	_ =	swait.ge [sflag:s21], $0x2800  }
0x2ad: {  	[sflag:s21] =	ssyncset.done $0x0  }
0x2ae: {  	[sflag:s21] =	ssyncadd.s32 $0xFFFFD800  }
0x2af: {  	_ =	sfence.sel $0x180000  }
0x2b0: {  	[bflag:$0x0] =	sbarrier.arrive $0xFFFF  }
0x2b1: {  	_ =	strace $0x90000047  }
0x2b2: {  	s0 =	stileid.u32;
	[bflag:$0x2] =	sbarrier.arrive $0xFFFF  }
0x2b3: {  	p0 =	sne.s32 s0, $0x0;
	s0 =	rddreg [dreg:$0x3]  }
0x2b4: {  	s0 =	sadd.s32 @!p0 $0x100000, s0  }
0x2b5: {  	[sflag:s0] =	ssyncadd.tile.s32 @!p0 $0x1;
	_ =	shalt  }
.Lfunc_end2:
_tile_overlayer_lowered:
.L_overlay_start_2:
0x2b6: {  	(tag) =	ssettag $0x2  }
0x2b7: {  	s0 =	rddreg [dreg:$0x0];
	s2 =	stileid.u32  }
0x2b8: {  	s1 =	rddreg [dreg:$0x1];
	p0 =	sne.s32 s2, $0x0  }
0x2b9: {  	s3 =	rddreg [dreg:$0x2];
	[bflag:$0x3] =	sbarrier.arrive $0xFFFF;
	s2 =	simm.s32 @!p0 $0x1C04  }
0x2ba: {  	[timem:s3], [sflag:s2] =	dma.local @!p0 [hbm:s0], s1  }
0x2bb: {  	s0 =	simm.s32 @!p0 $0x4  }
0x2bc: {  	_ =	swait.ge @!p0 [sflag:s0], s1  }
0x2bd: {  	s1 =	ssub.s32 @!p0 $0x0, s1;
	[sflag:s0] =	ssyncset.done @!p0 $0x0  }
0x2be: {  	[sflag:s0] =	ssyncadd.s32 @!p0 s1  }
0x2bf: {  	[bflag:$0x3] =	sbarrier.arrive $0xFFFF  }
0x2c0: {  	_ =	shalt  }

</sc_bundles>
